<compile_context>
chip_gen: v7x
topology: tpu7x:2x2x1
jax: 0.10.2.dev20260603
libtpu: 0.0.44.dev20260713+nightly
codegen_flags: <defaults>
</compile_context>

<pallas_src>
import dataclasses
import functools

import jax
import jax.numpy as jnp
from jax import lax
from jax.experimental import pallas as pl
from jax.experimental.pallas import tpu as pltpu
from jax.experimental.pallas import tpu_sc as plsc

N = 10000
E = 320000
D = 128
ETA = 0.5

NC = 2
NS = 16
NW = NC * NS
L = 16
CHUNK = 128
NBLK = E // CHUNK
TILE_ITERS = (NBLK + NW - 1) // NW

TROW = 80

ZBLK = 16
NZB = N // ZBLK
ZB_ITERS = (NZB + NS - 1) // NS
FBLK = 128
NFB = N // FBLK
FB_ITERS = 5

_mesh = plsc.VectorSubcoreMesh(core_axis_name="c", subcore_axis_name="s")

_sc_params = pltpu.CompilerParams()
if "needs_layout_passes" in pltpu.CompilerParams.__dataclass_fields__:
    _sc_params = dataclasses.replace(_sc_params, needs_layout_passes=False)

_DNUMS = lax.GatherDimensionNumbers(
    offset_dims=(), collapsed_slice_dims=(0,), start_index_map=(0,))


def _dg(v, idx):
    return lax.gather(v, idx[:, None], _DNUMS, (1,),
                      mode=lax.GatherScatterMode.PROMISE_IN_BOUNDS)


def _rc(k):
    return lax.shift_right_logical(k, 7), lax.bitwise_and(k, D - 1)



def _ab_body(h3_ref, w1_ref, w2_ref, a_ref, b_ref):
    hm = h3_ref[...]
    a_ref[...] = jnp.sum(hm * w1_ref[...][0][None, None, :], axis=2)
    b_ref[...] = jnp.sum(hm * w2_ref[...][0][None, None, :], axis=2)


def _q_body(mtp_ref, stp_ref, sfp_ref, qf_ref, qt_ref):
    sf_tot = jnp.sum(sfp_ref[...], axis=0)
    m = jnp.max(mtp_ref[...], axis=0)
    st_tot = jnp.sum(stp_ref[...] * jnp.exp(mtp_ref[...] - m[None]), axis=0)
    qf_ref[...] = jnp.log(sf_tot)
    qt_ref[...] = m + jnp.log(st_tot)


def _out_body(z_ref, w_ref, b_ref, o_ref):
    zc = z_ref[0] + z_ref[1]
    o_ref[...] = lax.dot_general(
        zc, w_ref[...], (((1,), (1,)), ((), ())),
        preferred_element_type=jnp.float32) + b_ref[...]



@functools.partial(
    pl.kernel,
    out_type=[
        jax.ShapeDtypeStruct((E,), jnp.float32),
        jax.ShapeDtypeStruct((E,), jnp.float32),
        jax.ShapeDtypeStruct((NW, TROW, D), jnp.float32),
        jax.ShapeDtypeStruct((NW, TROW, D), jnp.float32),
        jax.ShapeDtypeStruct((NW, TROW, D), jnp.float32),
    ],
    mesh=_mesh,
    compiler_params=_sc_params,
    scratch_types=[
        pltpu.VMEM((CHUNK,), jnp.int32),
        pltpu.VMEM((CHUNK,), jnp.int32),
        pltpu.VMEM((CHUNK, D), jnp.float32),
        pltpu.VMEM((CHUNK, D), jnp.float32),
        pltpu.VMEM((CHUNK,), jnp.int32),
        pltpu.VMEM((CHUNK,), jnp.int32),
        pltpu.VMEM((CHUNK, D), jnp.float32),
        pltpu.VMEM((CHUNK, D), jnp.float32),
        pltpu.VMEM((CHUNK,), jnp.float32),
        pltpu.VMEM((CHUNK,), jnp.float32),
        pltpu.VMEM((TROW, D), jnp.float32),
        pltpu.VMEM((TROW, D), jnp.float32),
        pltpu.VMEM((TROW, D), jnp.float32),
        pltpu.VMEM((TROW, D), jnp.float32),
        pltpu.VMEM((TROW, D), jnp.float32),
        pltpu.SemaphoreType.DMA,
        pltpu.SemaphoreType.DMA,
        pltpu.SemaphoreType.DMA,
        pltpu.SemaphoreType.DMA,
    ],
)
def _pass_a(tax_hbm, ei_hbm, a_hbm, b_hbm, neg_hbm, zero_hbm,
            wf_hbm, wt_hbm, mtp_hbm, stp_hbm, sfp_hbm,
            sidx0, didx0, ts0, td0, sidx1, didx1, ts1, td1,
            wfv, wtv, at, bt, mtw, stw, sfw,
            sem1, sem2, sem3, sem4):
    cid = lax.axis_index("c")
    sid = lax.axis_index("s")
    wid = sid * NC + cid
    iota = lax.iota(jnp.int32, L)
    lastlane = iota == (L - 1)
    idxp1 = jnp.minimum(iota + 1, L - 1)
    ones = jnp.full((L,), 1.0, jnp.float32)

    pltpu.sync_copy(a_hbm, at)
    pltpu.sync_copy(b_hbm, bt)
    pltpu.sync_copy(neg_hbm, mtw)
    pltpu.sync_copy(zero_hbm, stw)
    pltpu.sync_copy(zero_hbm, sfw)

    def issue(c, sidx, didx, ts, td, semA, semB):
        base = c * CHUNK
        pltpu.sync_copy(ei_hbm.at[0, pl.ds(base, CHUNK)], sidx)
        pltpu.sync_copy(ei_hbm.at[1, pl.ds(base, CHUNK)], didx)
        pltpu.async_copy(tax_hbm.at[sidx], ts, semA)
        pltpu.async_copy(tax_hbm.at[didx], td, semB)

    def compute(c, sidx, didx, ts, td, semA, semB):
        base = c * CHUNK
        pltpu.make_async_copy(tax_hbm.at[sidx], ts, semA).wait()
        pltpu.make_async_copy(tax_hbm.at[didx], td, semB).wait()

        @pl.loop(0, CHUNK)
        def _(e):
            acc = ts[e, pl.ds(0, L)] * td[e, pl.ds(0, L)]
            for k in range(1, D // L):
                acc = acc + ts[e, pl.ds(k * L, L)] * td[e, pl.ds(k * L, L)]
            cs = plsc.cumsum(acc)
            plsc.store_scatter(wtv, [jnp.full((L,), e, jnp.int32)], cs,
                               mask=lastlane)

        @pl.loop(0, CHUNK // L)
        def _(g):
            sv = sidx[pl.ds(g * L, L)]
            dv = didx[pl.ds(g * L, L)]
            sr, sc_ = _rc(sv)
            dr, dc = _rc(dv)
            wf = (plsc.load_gather(at, [sr, sc_])
                  + plsc.load_gather(bt, [dr, dc]))
            wfv[pl.ds(g * L, L)] = jnp.maximum(wf, wf * 0.01)

        pltpu.sync_copy(wfv, wf_hbm.at[pl.ds(base, CHUNK)])
        pltpu.sync_copy(wtv, wt_hbm.at[pl.ds(base, CHUNK)])

        @pl.loop(0, CHUNK // L)
        def _(g):
            dv = didx[pl.ds(g * L, L)]
            kd, perm = plsc.sort_key_val(dv, iota)
            wt_s = _dg(wtv[pl.ds(g * L, L)], perm)
            wf_s = _dg(wfv[pl.ds(g * L, L)], perm)

            knext = _dg(kd, idxp1)
            is_last = (knext != kd) | lastlane

            v = jnp.exp(wf_s)
            mval = wt_s
            sval = ones
            for s in (1, 2, 4, 8):
                idxm = jnp.maximum(iota - s, 0)
                okm = (_dg(kd, idxm) == kd) & (iota >= s)
                v = v + jnp.where(okm, _dg(v, idxm), 0.0)
                m1 = _dg(mval, idxm)
                s1 = _dg(sval, idxm)
                mm = jnp.maximum(mval, m1)
                s2 = sval * jnp.exp(mval - mm) + s1 * jnp.exp(m1 - mm)
                mval = jnp.where(okm, mm, mval)
                sval = jnp.where(okm, s2, sval)

            kr, kc = _rc(kd)
            cur_f = plsc.load_gather(sfw, [kr, kc])
            plsc.store_scatter(sfw, [kr, kc], cur_f + v, mask=is_last)

            m_cur = plsc.load_gather(mtw, [kr, kc])
            s_cur = plsc.load_gather(stw, [kr, kc])
            mm2 = jnp.maximum(m_cur, mval)
            s_new = (s_cur * jnp.exp(m_cur - mm2)
                     + sval * jnp.exp(mval - mm2))
            plsc.store_scatter(mtw, [kr, kc], mm2, mask=is_last)
            plsc.store_scatter(stw, [kr, kc], s_new, mask=is_last)

    @pl.when(wid < NBLK)
    def _():
        issue(wid, sidx0, didx0, ts0, td0, sem1, sem2)

    @pl.loop(0, (TILE_ITERS + 1) // 2)
    def _(u):
        ce = wid + (2 * u) * NW
        co = ce + NW

        @pl.when(co < NBLK)
        def _():
            issue(co, sidx1, didx1, ts1, td1, sem3, sem4)

        @pl.when(ce < NBLK)
        def _():
            compute(ce, sidx0, didx0, ts0, td0, sem1, sem2)

        @pl.when(ce + 2 * NW < NBLK)
        def _():
            issue(ce + 2 * NW, sidx0, didx0, ts0, td0, sem1, sem2)

        @pl.when(co < NBLK)
        def _():
            compute(co, sidx1, didx1, ts1, td1, sem3, sem4)

    pltpu.sync_copy(mtw, mtp_hbm.at[wid])
    pltpu.sync_copy(stw, stp_hbm.at[wid])
    pltpu.sync_copy(sfw, sfp_hbm.at[wid])



@functools.partial(
    pl.kernel,
    out_type=jax.ShapeDtypeStruct((E,), jnp.float32),
    mesh=_mesh,
    compiler_params=_sc_params,
    scratch_types=[
        pltpu.VMEM((CHUNK,), jnp.int32),
        pltpu.VMEM((CHUNK,), jnp.float32),
        pltpu.VMEM((CHUNK,), jnp.float32),
        pltpu.VMEM((CHUNK,), jnp.float32),
        pltpu.VMEM((TROW, D), jnp.float32),
        pltpu.VMEM((TROW, D), jnp.float32),
    ],
)
def _pass_b(ei_hbm, wf_hbm, wt_hbm, qf_hbm, qt_hbm, al_hbm,
            didx, wfv, wtv, alv, qft, qtt):
    cid = lax.axis_index("c")
    sid = lax.axis_index("s")
    wid = sid * NC + cid

    pltpu.sync_copy(qf_hbm, qft)
    pltpu.sync_copy(qt_hbm, qtt)

    @pl.loop(0, TILE_ITERS)
    def _(t):
        c = wid + t * NW

        @pl.when(c < NBLK)
        def _():
            base = c * CHUNK
            pltpu.sync_copy(ei_hbm.at[1, pl.ds(base, CHUNK)], didx)
            pltpu.sync_copy(wf_hbm.at[pl.ds(base, CHUNK)], wfv)
            pltpu.sync_copy(wt_hbm.at[pl.ds(base, CHUNK)], wtv)

            @pl.loop(0, CHUNK // L)
            def _(g):
                dv = didx[pl.ds(g * L, L)]
                dr, dc = _rc(dv)
                qf = plsc.load_gather(qft, [dr, dc])
                qt = plsc.load_gather(qtt, [dr, dc])
                af = jnp.exp(wfv[pl.ds(g * L, L)] - qf)
                at_ = jnp.exp(wtv[pl.ds(g * L, L)] - qt)
                alv[pl.ds(g * L, L)] = ETA * af + (1.0 - ETA) * at_

            pltpu.sync_copy(alv, al_hbm.at[pl.ds(base, CHUNK)])



@functools.partial(
    pl.kernel,
    out_type=jax.ShapeDtypeStruct((NC, N, D), jnp.float32),
    mesh=_mesh,
    compiler_params=_sc_params,
    scratch_types=[
        pltpu.VMEM((CHUNK,), jnp.int32),
        pltpu.VMEM((CHUNK,), jnp.int32),
        pltpu.VMEM((CHUNK, D), jnp.float32),
        pltpu.VMEM((CHUNK,), jnp.float32),
        pltpu.VMEM((CHUNK,), jnp.int32),
        pltpu.VMEM((CHUNK,), jnp.int32),
        pltpu.VMEM((CHUNK, D), jnp.float32),
        pltpu.VMEM((CHUNK,), jnp.float32),
        pltpu.VMEM((ZBLK, D), jnp.float32),
        pltpu.VMEM((ZBLK,), jnp.int32),
        pltpu.VMEM((FBLK,), jnp.int32),
        pltpu.VMEM_SHARED((N, D), jnp.float32),
        pltpu.SemaphoreType.DMA,
        pltpu.SemaphoreType.DMA,
    ],
)
def _pass_c(h_hbm, ei_hbm, al_hbm, zero_hbm, z_hbm,
            sidx0, didx0, hs0, al0, sidx1, didx1, hs1, al1,
            zb16, zidx, fidx, z_sh, sem1, sem2):
    cid = lax.axis_index("c")
    sid = lax.axis_index("s")
    wid = sid * NC + cid
    iota = lax.iota(jnp.int32, L)

    pltpu.sync_copy(zero_hbm, zb16)

    @pl.loop(0, ZB_ITERS)
    def _(k):
        blk = sid + k * NS

        @pl.when(blk < NZB)
        def _():
            zidx[...] = blk * ZBLK + iota
            pltpu.sync_copy(zb16, z_sh.at[zidx])

    plsc.subcore_barrier()

    def issue(c, sidx, didx, hs, al, semA):
        base = c * CHUNK
        pltpu.sync_copy(ei_hbm.at[0, pl.ds(base, CHUNK)], sidx)
        pltpu.sync_copy(ei_hbm.at[1, pl.ds(base, CHUNK)], didx)
        pltpu.async_copy(h_hbm.at[sidx], hs, semA)
        pltpu.sync_copy(al_hbm.at[pl.ds(base, CHUNK)], al)

    def compute(c, sidx, didx, hs, al, semA):
        pltpu.make_async_copy(h_hbm.at[sidx], hs, semA).wait()

        @pl.loop(0, CHUNK)
        def _(e):
            av = plsc.load_gather(al, [jnp.full((L,), e, jnp.int32)])
            for k in range(D // L):
                hs[e, pl.ds(k * L, L)] = hs[e, pl.ds(k * L, L)] * av

        pltpu.sync_copy(hs, z_sh.at[didx], add=True)

    @pl.when(wid < NBLK)
    def _():
        issue(wid, sidx0, didx0, hs0, al0, sem1)

    @pl.loop(0, (TILE_ITERS + 1) // 2)
    def _(u):
        ce = wid + (2 * u) * NW
        co = ce + NW

        @pl.when(co < NBLK)
        def _():
            issue(co, sidx1, didx1, hs1, al1, sem2)

        @pl.when(ce < NBLK)
        def _():
            compute(ce, sidx0, didx0, hs0, al0, sem1)

        @pl.when(ce + 2 * NW < NBLK)
        def _():
            issue(ce + 2 * NW, sidx0, didx0, hs0, al0, sem1)

        @pl.when(co < NBLK)
        def _():
            compute(co, sidx1, didx1, hs1, al1, sem2)

    plsc.subcore_barrier()

    @pl.loop(0, FB_ITERS)
    def _(k):
        blk = sid + k * NS

        @pl.when(blk < NFB)
        def _():
            @pl.loop(0, FBLK // L)
            def _(g):
                fidx[pl.ds(g * L, L)] = blk * FBLK + g * L + iota

            pltpu.sync_copy(z_sh.at[fidx], hs0)
            pltpu.sync_copy(hs0, z_hbm.at[cid, pl.ds(blk * FBLK, FBLK)])

        @pl.when(blk == NFB)
        def _():
            zidx[...] = NFB * FBLK + iota
            pltpu.sync_copy(z_sh.at[zidx], zb16)
            pltpu.sync_copy(zb16, z_hbm.at[cid, pl.ds(NFB * FBLK, ZBLK)])



def kernel(h, tax, edge_index, wh_w, W_w, W_b):
    w1 = wh_w[:, :D]
    w2 = wh_w[:, D:]
    h3 = jnp.concatenate(
        [h, jnp.zeros((TROW * D - N, D), jnp.float32)]
    ).reshape(TROW, D, D)

    a2, b2 = pl.pallas_call(
        _ab_body,
        out_shape=[jax.ShapeDtypeStruct((TROW, D), jnp.float32),
                   jax.ShapeDtypeStruct((TROW, D), jnp.float32)],
    )(h3, w1, w2)

    neg = jnp.full((TROW, D), -1e30, jnp.float32)
    zero = jnp.zeros((TROW, D), jnp.float32)

    wf, wt, mtp, stp, sfp = _pass_a(tax, edge_index, a2, b2, neg, zero)

    qf, qt = pl.pallas_call(
        _q_body,
        out_shape=[jax.ShapeDtypeStruct((TROW, D), jnp.float32),
                   jax.ShapeDtypeStruct((TROW, D), jnp.float32)],
    )(mtp, stp, sfp)

    alpha = _pass_b(edge_index, wf, wt, qf, qt)

    zero16 = jnp.zeros((ZBLK, D), jnp.float32)
    z = _pass_c(h, edge_index, alpha, zero16)

    out = pl.pallas_call(
        _out_body,
        out_shape=jax.ShapeDtypeStruct((N, D), jnp.float32),
    )(z, W_w, W_b[None, :])
    return out

# --- scband reference (transcript-rebuilt; emitter-appended) ---
"""Pipeline reference for scband-conv-layer-7971459301987 (READ-ONLY COPY).

The authoritative reference and input builder live on the scoring server;
editing this copy changes nothing except your own understanding.
"""

import jax, jax.numpy as jnp
import numpy as np

N = 10000
E = 320000
D = 128
ETA = 0.5


def setup_inputs(seed: int = 0) -> dict:
    key = jax.random.key(seed)
    k1, k2, k3, k4, k5, k6 = jax.random.split(key, 6)
    h = jax.random.normal(k1, (N, D), dtype=jnp.float32)
    tax = jax.random.normal(k2, (N, D), dtype=jnp.float32)
    edge_index = jax.random.randint(k3, (2, E), 0, N, dtype=jnp.int32)
    # wh: Linear(2*D -> 1, bias=False), xavier_normal init
    std_wh = float(np.sqrt(2.0 / (2 * D + 1)))
    wh_w = jax.random.normal(k4, (1, 2 * D), dtype=jnp.float32) * std_wh
    # W: Linear(D -> D) with bias; weight xavier_normal, bias default uniform
    std_W = float(np.sqrt(2.0 / (D + D)))
    W_w = jax.random.normal(k5, (D, D), dtype=jnp.float32) * std_W
    bound = 1.0 / np.sqrt(D)
    W_b = jax.random.uniform(k6, (D,), dtype=jnp.float32, minval=-bound, maxval=bound)
    return {"h": h, "tax": tax, "edge_index": edge_index, "wh_w": wh_w, "W_w": W_w, "W_b": W_b}


def edge_softmax(logits, dst, n):
    # softmax over incoming edges grouped by destination node (DGL edge_softmax)
    m = jax.ops.segment_max(logits, dst, num_segments=n)
    m = jnp.where(jnp.isfinite(m), m, 0.0)
    e = jnp.exp(logits - m[dst])
    s = jax.ops.segment_sum(e, dst, num_segments=n)
    return e / s[dst]


def reference(h, tax, edge_index, wh_w, W_w, W_b):
    n = h.shape[0]
    src = edge_index[0]
    dst = edge_index[1]
    h_src = h[src]
    h_dst = h[dst]
    # edge_applying_fea: wf = leaky_relu(wh(cat(h_src, h_dst)))
    wf = jnp.concatenate([h_src, h_dst], axis=1) @ wh_w.T  # [E, num_head]
    wf = jax.nn.leaky_relu(wf, negative_slope=0.01)
    alpha_f = edge_softmax(wf, dst, n)
    # edge_applying_tax: wt = <tax_src, tax_dst>
    wt = jnp.sum(tax[src] * tax[dst], axis=1, keepdims=True)  # [E, 1]
    alpha_t = edge_softmax(wt, dst, n)
    alpha = ETA * alpha_f + (1.0 - ETA) * alpha_t  # [E, 1]
    # update_all(u_mul_e('h','alpha'), sum -> 'z')
    z = jax.ops.segment_sum(h_src * alpha, dst, num_segments=n)  # [N, D]
    out = z @ W_w.T + W_b
    return out

if __name__ == "__main__":
    import jax
    _d = setup_inputs()
    print(jax.jit(kernel)(*tuple(_d.values())))

</pallas_src>

<mosaic_0001>
#map = affine_map<(d0, d1) -> (0, 0)>
#map1 = affine_map<(d0, d1) -> (0)>
#map2 = affine_map<(d0, d1) -> (0, 0, 0)>
module attributes {stable_mosaic.version = 14 : i64} {
  func.func @_pass_a(%arg0: i32, %arg1: i32, %arg2: memref<10000x128xf32, #tpu.memory_space<hbm>>, %arg3: memref<2x320000xi32, #tpu.memory_space<hbm>>, %arg4: memref<80x128xf32, #tpu.memory_space<hbm>>, %arg5: memref<80x128xf32, #tpu.memory_space<hbm>>, %arg6: memref<80x128xf32, #tpu.memory_space<hbm>>, %arg7: memref<80x128xf32, #tpu.memory_space<hbm>>, %arg8: memref<320000xf32, #tpu.memory_space<hbm>>, %arg9: memref<320000xf32, #tpu.memory_space<hbm>>, %arg10: memref<32x80x128xf32, #tpu.memory_space<hbm>>, %arg11: memref<32x80x128xf32, #tpu.memory_space<hbm>>, %arg12: memref<32x80x128xf32, #tpu.memory_space<hbm>>, %arg13: memref<128xi32, #tpu.memory_space<vmem>>, %arg14: memref<128xi32, #tpu.memory_space<vmem>>, %arg15: memref<128x128xf32, #tpu.memory_space<vmem>>, %arg16: memref<128x128xf32, #tpu.memory_space<vmem>>, %arg17: memref<128xi32, #tpu.memory_space<vmem>>, %arg18: memref<128xi32, #tpu.memory_space<vmem>>, %arg19: memref<128x128xf32, #tpu.memory_space<vmem>>, %arg20: memref<128x128xf32, #tpu.memory_space<vmem>>, %arg21: memref<128xf32, #tpu.memory_space<vmem>>, %arg22: memref<128xf32, #tpu.memory_space<vmem>>, %arg23: memref<80x128xf32, #tpu.memory_space<vmem>>, %arg24: memref<80x128xf32, #tpu.memory_space<vmem>>, %arg25: memref<80x128xf32, #tpu.memory_space<vmem>>, %arg26: memref<80x128xf32, #tpu.memory_space<vmem>>, %arg27: memref<80x128xf32, #tpu.memory_space<vmem>>, %arg28: memref<!tpu.dma_semaphore, #tpu.memory_space<semaphore_mem>>, %arg29: memref<!tpu.dma_semaphore, #tpu.memory_space<semaphore_mem>>, %arg30: memref<!tpu.dma_semaphore, #tpu.memory_space<semaphore_mem>>, %arg31: memref<!tpu.dma_semaphore, #tpu.memory_space<semaphore_mem>>) attributes {dimension_semantics = [#tpu.dimension_semantics<core_parallel>, #tpu.dimension_semantics<subcore_parallel>], iteration_bounds = array<i64: 2, 16>, scalar_prefetch = 0 : i64, scratch_operands = 19 : i64, tpu.core_type = #tpu.core_type<sc_vector_subcore>, window_params = [{transform_indices = #map}, {transform_indices = #map}, {transform_indices = #map}, {transform_indices = #map}, {transform_indices = #map}, {transform_indices = #map}, {transform_indices = #map1}, {transform_indices = #map1}, {transform_indices = #map2}, {transform_indices = #map2}, {transform_indices = #map2}]} {
    %mul3A = arith.constant 2 : i32
    %mul3A_0 = arith.muli %arg1, %mul3A : i32
    %add3A = arith.addi %mul3A_0, %arg0 : i32
    %iota3A = tpu.iota {dimensions = array<i32: 0>} : vector<16xi32>
    %eq3A = arith.constant 15 : i32
    %eq3A_1 = vector.broadcast %eq3A : i32 to vector<16xi32>
    %eq3A_2 = arith.cmpi eq, %iota3A, %eq3A_1 : vector<16xi32>
    %add3A_3 = arith.constant 1 : i32
    %add3A_4 = vector.broadcast %add3A_3 : i32 to vector<16xi32>
    %add3A_5 = arith.addi %iota3A, %add3A_4 : vector<16xi32>
    %min3A = arith.constant 15 : i32
    %min3A_6 = vector.broadcast %min3A : i32 to vector<16xi32>
    %min3A_7 = arith.minsi %add3A_5, %min3A_6 : vector<16xi32>
    %broadcast_in_dim3A = arith.constant 1.000000e+00 : f32
    %broadcast_in_dim3A_8 = vector.broadcast %broadcast_in_dim3A : f32 to vector<16xf32>
    "tpu.region"() ({
      %run_scoped3A = tpu.sem_alloc : memref<!tpu.dma_semaphore, #tpu.memory_space<semaphore_mem>>
      tpu.enqueue_dma source(%arg4 : memref<80x128xf32, #tpu.memory_space<hbm>>) target(%arg23 : memref<80x128xf32, #tpu.memory_space<vmem>>) target_semaphore(%run_scoped3A : memref<!tpu.dma_semaphore, #tpu.memory_space<semaphore_mem>>)
      tpu.wait_dma2 semaphore(%run_scoped3A : memref<!tpu.dma_semaphore, #tpu.memory_space<semaphore_mem>>) src(%arg4 : memref<80x128xf32, #tpu.memory_space<hbm>>) dst(%arg23 : memref<80x128xf32, #tpu.memory_space<vmem>>)
      tpu.yield
    }) : () -> ()
    "tpu.region"() ({
      %run_scoped3A = tpu.sem_alloc : memref<!tpu.dma_semaphore, #tpu.memory_space<semaphore_mem>>
      tpu.enqueue_dma source(%arg5 : memref<80x128xf32, #tpu.memory_space<hbm>>) target(%arg24 : memref<80x128xf32, #tpu.memory_space<vmem>>) target_semaphore(%run_scoped3A : memref<!tpu.dma_semaphore, #tpu.memory_space<semaphore_mem>>)
      tpu.wait_dma2 semaphore(%run_scoped3A : memref<!tpu.dma_semaphore, #tpu.memory_space<semaphore_mem>>) src(%arg5 : memref<80x128xf32, #tpu.memory_space<hbm>>) dst(%arg24 : memref<80x128xf32, #tpu.memory_space<vmem>>)
      tpu.yield
    }) : () -> ()
    "tpu.region"() ({
      %run_scoped3A = tpu.sem_alloc : memref<!tpu.dma_semaphore, #tpu.memory_space<semaphore_mem>>
      tpu.enqueue_dma source(%arg6 : memref<80x128xf32, #tpu.memory_space<hbm>>) target(%arg25 : memref<80x128xf32, #tpu.memory_space<vmem>>) target_semaphore(%run_scoped3A : memref<!tpu.dma_semaphore, #tpu.memory_space<semaphore_mem>>)
      tpu.wait_dma2 semaphore(%run_scoped3A : memref<!tpu.dma_semaphore, #tpu.memory_space<semaphore_mem>>) src(%arg6 : memref<80x128xf32, #tpu.memory_space<hbm>>) dst(%arg25 : memref<80x128xf32, #tpu.memory_space<vmem>>)
      tpu.yield
    }) : () -> ()
    "tpu.region"() ({
      %run_scoped3A = tpu.sem_alloc : memref<!tpu.dma_semaphore, #tpu.memory_space<semaphore_mem>>
      tpu.enqueue_dma source(%arg7 : memref<80x128xf32, #tpu.memory_space<hbm>>) target(%arg26 : memref<80x128xf32, #tpu.memory_space<vmem>>) target_semaphore(%run_scoped3A : memref<!tpu.dma_semaphore, #tpu.memory_space<semaphore_mem>>)
      tpu.wait_dma2 semaphore(%run_scoped3A : memref<!tpu.dma_semaphore, #tpu.memory_space<semaphore_mem>>) src(%arg7 : memref<80x128xf32, #tpu.memory_space<hbm>>) dst(%arg26 : memref<80x128xf32, #tpu.memory_space<vmem>>)
      tpu.yield
    }) : () -> ()
    "tpu.region"() ({
      %run_scoped3A = tpu.sem_alloc : memref<!tpu.dma_semaphore, #tpu.memory_space<semaphore_mem>>
      tpu.enqueue_dma source(%arg7 : memref<80x128xf32, #tpu.memory_space<hbm>>) target(%arg27 : memref<80x128xf32, #tpu.memory_space<vmem>>) target_semaphore(%run_scoped3A : memref<!tpu.dma_semaphore, #tpu.memory_space<semaphore_mem>>)
      tpu.wait_dma2 semaphore(%run_scoped3A : memref<!tpu.dma_semaphore, #tpu.memory_space<semaphore_mem>>) src(%arg7 : memref<80x128xf32, #tpu.memory_space<hbm>>) dst(%arg27 : memref<80x128xf32, #tpu.memory_space<vmem>>)
      tpu.yield
    }) : () -> ()
    %lt3A = arith.constant 2500 : i32
    %lt3A_9 = arith.cmpi slt, %add3A, %lt3A : i32
    %convert_element_type3A = arith.extui %lt3A_9 : i1 to i32
    %cond3A = arith.constant 0 : i32
    %cond3A_10 = arith.cmpi ne, %convert_element_type3A, %cond3A : i32
    scf.if %cond3A_10 {
      %mul3A_15 = arith.constant 128 : i32
      %mul3A_16 = arith.muli %add3A, %mul3A_15 : i32
      %run_scoped3A = arith.constant 0 : i32
      "tpu.region"() ({
        %run_scoped3A_23 = tpu.sem_alloc : memref<!tpu.dma_semaphore, #tpu.memory_space<semaphore_mem>>
        %dma_start3A_24 = tpu.memref_slice %arg3[%run_scoped3A, %mul3A_16] : memref<2x320000xi32, #tpu.memory_space<hbm>> -> memref<1x128xi32, #tpu.memory_space<hbm>>
        %dma_start3A_25 = tpu.memref_squeeze %dma_start3A_24 : memref<1x128xi32, #tpu.memory_space<hbm>> -> memref<128xi32, #tpu.memory_space<hbm>>
        %dma_start3A_26 = tpu.memref_slice %arg3[%run_scoped3A, %mul3A_16] : memref<2x320000xi32, #tpu.memory_space<hbm>> -> memref<1x128xi32, #tpu.memory_space<hbm>>
        %dma_start3A_27 = tpu.memref_squeeze %dma_start3A_26 : memref<1x128xi32, #tpu.memory_space<hbm>> -> memref<128xi32, #tpu.memory_space<hbm>>
        tpu.enqueue_dma source(%dma_start3A_27 : memref<128xi32, #tpu.memory_space<hbm>>) target(%arg13 : memref<128xi32, #tpu.memory_space<vmem>>) target_semaphore(%run_scoped3A_23 : memref<!tpu.dma_semaphore, #tpu.memory_space<semaphore_mem>>)
        %dma_wait3A = tpu.memref_slice %arg3[%run_scoped3A, %mul3A_16] : memref<2x320000xi32, #tpu.memory_space<hbm>> -> memref<1x128xi32, #tpu.memory_space<hbm>>
        %dma_wait3A_28 = tpu.memref_squeeze %dma_wait3A : memref<1x128xi32, #tpu.memory_space<hbm>> -> memref<128xi32, #tpu.memory_space<hbm>>
        %dma_wait3A_29 = tpu.memref_slice %arg3[%run_scoped3A, %mul3A_16] : memref<2x320000xi32, #tpu.memory_space<hbm>> -> memref<1x128xi32, #tpu.memory_space<hbm>>
        %dma_wait3A_30 = tpu.memref_squeeze %dma_wait3A_29 : memref<1x128xi32, #tpu.memory_space<hbm>> -> memref<128xi32, #tpu.memory_space<hbm>>
        tpu.wait_dma2 semaphore(%run_scoped3A_23 : memref<!tpu.dma_semaphore, #tpu.memory_space<semaphore_mem>>) src(%dma_wait3A_30 : memref<128xi32, #tpu.memory_space<hbm>>) dst(%arg13 : memref<128xi32, #tpu.memory_space<vmem>>)
        tpu.yield
      }) : () -> ()
      %run_scoped3A_17 = arith.constant 1 : i32
      "tpu.region"() ({
        %run_scoped3A_23 = tpu.sem_alloc : memref<!tpu.dma_semaphore, #tpu.memory_space<semaphore_mem>>
        %dma_start3A_24 = tpu.memref_slice %arg3[%run_scoped3A_17, %mul3A_16] : memref<2x320000xi32, #tpu.memory_space<hbm>> -> memref<1x128xi32, #tpu.memory_space<hbm>>
        %dma_start3A_25 = tpu.memref_squeeze %dma_start3A_24 : memref<1x128xi32, #tpu.memory_space<hbm>> -> memref<128xi32, #tpu.memory_space<hbm>>
        %dma_start3A_26 = tpu.memref_slice %arg3[%run_scoped3A_17, %mul3A_16] : memref<2x320000xi32, #tpu.memory_space<hbm>> -> memref<1x128xi32, #tpu.memory_space<hbm>>
        %dma_start3A_27 = tpu.memref_squeeze %dma_start3A_26 : memref<1x128xi32, #tpu.memory_space<hbm>> -> memref<128xi32, #tpu.memory_space<hbm>>
        tpu.enqueue_dma source(%dma_start3A_27 : memref<128xi32, #tpu.memory_space<hbm>>) target(%arg14 : memref<128xi32, #tpu.memory_space<vmem>>) target_semaphore(%run_scoped3A_23 : memref<!tpu.dma_semaphore, #tpu.memory_space<semaphore_mem>>)
        %dma_wait3A = tpu.memref_slice %arg3[%run_scoped3A_17, %mul3A_16] : memref<2x320000xi32, #tpu.memory_space<hbm>> -> memref<1x128xi32, #tpu.memory_space<hbm>>
        %dma_wait3A_28 = tpu.memref_squeeze %dma_wait3A : memref<1x128xi32, #tpu.memory_space<hbm>> -> memref<128xi32, #tpu.memory_space<hbm>>
        %dma_wait3A_29 = tpu.memref_slice %arg3[%run_scoped3A_17, %mul3A_16] : memref<2x320000xi32, #tpu.memory_space<hbm>> -> memref<1x128xi32, #tpu.memory_space<hbm>>
        %dma_wait3A_30 = tpu.memref_squeeze %dma_wait3A_29 : memref<1x128xi32, #tpu.memory_space<hbm>> -> memref<128xi32, #tpu.memory_space<hbm>>
        tpu.wait_dma2 semaphore(%run_scoped3A_23 : memref<!tpu.dma_semaphore, #tpu.memory_space<semaphore_mem>>) src(%dma_wait3A_30 : memref<128xi32, #tpu.memory_space<hbm>>) dst(%arg14 : memref<128xi32, #tpu.memory_space<vmem>>)
        tpu.yield
      }) : () -> ()
      %dma_start3A = arith.constant 0 : i32
      %dma_start3A_18 = arith.constant 0 : i32
      %dma_start3A_19 = tpu.memref_slice %arg2[%dma_start3A, %dma_start3A_18] : memref<10000x128xf32, #tpu.memory_space<hbm>> -> memref<10000x128xf32, #tpu.memory_space<hbm>>
      tpu.enqueue_indirect_dma source(%dma_start3A_19 : memref<10000x128xf32, #tpu.memory_space<hbm>>) target(%arg15 : memref<128x128xf32, #tpu.memory_space<vmem>>) offsets(%arg13 : memref<128xi32, #tpu.memory_space<vmem>>) semaphore(%arg28 : memref<!tpu.dma_semaphore, #tpu.memory_space<semaphore_mem>>)
      %dma_start3A_20 = arith.constant 0 : i32
      %dma_start3A_21 = arith.constant 0 : i32
      %dma_start3A_22 = tpu.memref_slice %arg2[%dma_start3A_20, %dma_start3A_21] : memref<10000x128xf32, #tpu.memory_space<hbm>> -> memref<10000x128xf32, #tpu.memory_space<hbm>>
      tpu.enqueue_indirect_dma source(%dma_start3A_22 : memref<10000x128xf32, #tpu.memory_space<hbm>>) target(%arg16 : memref<128x128xf32, #tpu.memory_space<vmem>>) offsets(%arg14 : memref<128xi32, #tpu.memory_space<vmem>>) semaphore(%arg29 : memref<!tpu.dma_semaphore, #tpu.memory_space<semaphore_mem>>)
    } else {
    }
    %scan3A = arith.constant 0 : i32
    %scan3A_11 = arith.constant 40 : i32
    %scan3A_12 = arith.addi %scan3A, %scan3A_11 : i32
    %scan3A_13 = arith.constant 1 : i32
    scf.for %scan3A_15 = %scan3A to %scan3A_12 step %scan3A_13  : i32 {
      %mul3A_16 = arith.constant 1 : i32
      %mul3A_17 = arith.muli %scan3A_15, %mul3A_16 : i32
      %add3A_18 = arith.constant 0 : i32
      %add3A_19 = arith.addi %add3A_18, %mul3A_17 : i32
      %mul3A_20 = arith.constant 2 : i32
      %mul3A_21 = arith.muli %mul3A_20, %add3A_19 : i32
      %mul3A_22 = arith.constant 32 : i32
      %mul3A_23 = arith.muli %mul3A_21, %mul3A_22 : i32
      %add3A_24 = arith.addi %add3A, %mul3A_23 : i32
      %add3A_25 = arith.constant 32 : i32
      %add3A_26 = arith.addi %add3A_24, %add3A_25 : i32
      %lt3A_27 = arith.constant 2500 : i32
      %lt3A_28 = arith.cmpi slt, %add3A_26, %lt3A_27 : i32
      %convert_element_type3A_29 = arith.extui %lt3A_28 : i1 to i32
      %cond3A_30 = arith.constant 0 : i32
      %cond3A_31 = arith.cmpi ne, %convert_element_type3A_29, %cond3A_30 : i32
      scf.if %cond3A_31 {
        %mul3A_49 = arith.constant 128 : i32
        %mul3A_50 = arith.muli %add3A_26, %mul3A_49 : i32
        %run_scoped3A = arith.constant 0 : i32
        "tpu.region"() ({
          %run_scoped3A_57 = tpu.sem_alloc : memref<!tpu.dma_semaphore, #tpu.memory_space<semaphore_mem>>
          %dma_start3A_58 = tpu.memref_slice %arg3[%run_scoped3A, %mul3A_50] : memref<2x320000xi32, #tpu.memory_space<hbm>> -> memref<1x128xi32, #tpu.memory_space<hbm>>
          %dma_start3A_59 = tpu.memref_squeeze %dma_start3A_58 : memref<1x128xi32, #tpu.memory_space<hbm>> -> memref<128xi32, #tpu.memory_space<hbm>>
          %dma_start3A_60 = tpu.memref_slice %arg3[%run_scoped3A, %mul3A_50] : memref<2x320000xi32, #tpu.memory_space<hbm>> -> memref<1x128xi32, #tpu.memory_space<hbm>>
          %dma_start3A_61 = tpu.memref_squeeze %dma_start3A_60 : memref<1x128xi32, #tpu.memory_space<hbm>> -> memref<128xi32, #tpu.memory_space<hbm>>
          tpu.enqueue_dma source(%dma_start3A_61 : memref<128xi32, #tpu.memory_space<hbm>>) target(%arg17 : memref<128xi32, #tpu.memory_space<vmem>>) target_semaphore(%run_scoped3A_57 : memref<!tpu.dma_semaphore, #tpu.memory_space<semaphore_mem>>)
          %dma_wait3A = tpu.memref_slice %arg3[%run_scoped3A, %mul3A_50] : memref<2x320000xi32, #tpu.memory_space<hbm>> -> memref<1x128xi32, #tpu.memory_space<hbm>>
          %dma_wait3A_62 = tpu.memref_squeeze %dma_wait3A : memref<1x128xi32, #tpu.memory_space<hbm>> -> memref<128xi32, #tpu.memory_space<hbm>>
          %dma_wait3A_63 = tpu.memref_slice %arg3[%run_scoped3A, %mul3A_50] : memref<2x320000xi32, #tpu.memory_space<hbm>> -> memref<1x128xi32, #tpu.memory_space<hbm>>
          %dma_wait3A_64 = tpu.memref_squeeze %dma_wait3A_63 : memref<1x128xi32, #tpu.memory_space<hbm>> -> memref<128xi32, #tpu.memory_space<hbm>>
          tpu.wait_dma2 semaphore(%run_scoped3A_57 : memref<!tpu.dma_semaphore, #tpu.memory_space<semaphore_mem>>) src(%dma_wait3A_64 : memref<128xi32, #tpu.memory_space<hbm>>) dst(%arg17 : memref<128xi32, #tpu.memory_space<vmem>>)
          tpu.yield
        }) : () -> ()
        %run_scoped3A_51 = arith.constant 1 : i32
        "tpu.region"() ({
          %run_scoped3A_57 = tpu.sem_alloc : memref<!tpu.dma_semaphore, #tpu.memory_space<semaphore_mem>>
          %dma_start3A_58 = tpu.memref_slice %arg3[%run_scoped3A_51, %mul3A_50] : memref<2x320000xi32, #tpu.memory_space<hbm>> -> memref<1x128xi32, #tpu.memory_space<hbm>>
          %dma_start3A_59 = tpu.memref_squeeze %dma_start3A_58 : memref<1x128xi32, #tpu.memory_space<hbm>> -> memref<128xi32, #tpu.memory_space<hbm>>
          %dma_start3A_60 = tpu.memref_slice %arg3[%run_scoped3A_51, %mul3A_50] : memref<2x320000xi32, #tpu.memory_space<hbm>> -> memref<1x128xi32, #tpu.memory_space<hbm>>
          %dma_start3A_61 = tpu.memref_squeeze %dma_start3A_60 : memref<1x128xi32, #tpu.memory_space<hbm>> -> memref<128xi32, #tpu.memory_space<hbm>>
          tpu.enqueue_dma source(%dma_start3A_61 : memref<128xi32, #tpu.memory_space<hbm>>) target(%arg18 : memref<128xi32, #tpu.memory_space<vmem>>) target_semaphore(%run_scoped3A_57 : memref<!tpu.dma_semaphore, #tpu.memory_space<semaphore_mem>>)
          %dma_wait3A = tpu.memref_slice %arg3[%run_scoped3A_51, %mul3A_50] : memref<2x320000xi32, #tpu.memory_space<hbm>> -> memref<1x128xi32, #tpu.memory_space<hbm>>
          %dma_wait3A_62 = tpu.memref_squeeze %dma_wait3A : memref<1x128xi32, #tpu.memory_space<hbm>> -> memref<128xi32, #tpu.memory_space<hbm>>
          %dma_wait3A_63 = tpu.memref_slice %arg3[%run_scoped3A_51, %mul3A_50] : memref<2x320000xi32, #tpu.memory_space<hbm>> -> memref<1x128xi32, #tpu.memory_space<hbm>>
          %dma_wait3A_64 = tpu.memref_squeeze %dma_wait3A_63 : memref<1x128xi32, #tpu.memory_space<hbm>> -> memref<128xi32, #tpu.memory_space<hbm>>
          tpu.wait_dma2 semaphore(%run_scoped3A_57 : memref<!tpu.dma_semaphore, #tpu.memory_space<semaphore_mem>>) src(%dma_wait3A_64 : memref<128xi32, #tpu.memory_space<hbm>>) dst(%arg18 : memref<128xi32, #tpu.memory_space<vmem>>)
          tpu.yield
        }) : () -> ()
        %dma_start3A = arith.constant 0 : i32
        %dma_start3A_52 = arith.constant 0 : i32
        %dma_start3A_53 = tpu.memref_slice %arg2[%dma_start3A, %dma_start3A_52] : memref<10000x128xf32, #tpu.memory_space<hbm>> -> memref<10000x128xf32, #tpu.memory_space<hbm>>
        tpu.enqueue_indirect_dma source(%dma_start3A_53 : memref<10000x128xf32, #tpu.memory_space<hbm>>) target(%arg19 : memref<128x128xf32, #tpu.memory_space<vmem>>) offsets(%arg17 : memref<128xi32, #tpu.memory_space<vmem>>) semaphore(%arg30 : memref<!tpu.dma_semaphore, #tpu.memory_space<semaphore_mem>>)
        %dma_start3A_54 = arith.constant 0 : i32
        %dma_start3A_55 = arith.constant 0 : i32
        %dma_start3A_56 = tpu.memref_slice %arg2[%dma_start3A_54, %dma_start3A_55] : memref<10000x128xf32, #tpu.memory_space<hbm>> -> memref<10000x128xf32, #tpu.memory_space<hbm>>
        tpu.enqueue_indirect_dma source(%dma_start3A_56 : memref<10000x128xf32, #tpu.memory_space<hbm>>) target(%arg20 : memref<128x128xf32, #tpu.memory_space<vmem>>) offsets(%arg18 : memref<128xi32, #tpu.memory_space<vmem>>) semaphore(%arg31 : memref<!tpu.dma_semaphore, #tpu.memory_space<semaphore_mem>>)
      } else {
      }
      %lt3A_32 = arith.constant 2500 : i32
      %lt3A_33 = arith.cmpi slt, %add3A_24, %lt3A_32 : i32
      %convert_element_type3A_34 = arith.extui %lt3A_33 : i1 to i32
      %cond3A_35 = arith.constant 0 : i32
      %cond3A_36 = arith.cmpi ne, %convert_element_type3A_34, %cond3A_35 : i32
      scf.if %cond3A_36 {
        %mul3A_49 = arith.constant 128 : i32
        %mul3A_50 = arith.muli %add3A_24, %mul3A_49 : i32
        %dma_wait3A = arith.constant 0 : i32
        %dma_wait3A_51 = arith.constant 0 : i32
        %dma_wait3A_52 = tpu.memref_slice %arg2[%dma_wait3A, %dma_wait3A_51] : memref<10000x128xf32, #tpu.memory_space<hbm>> -> memref<10000x128xf32, #tpu.memory_space<hbm>>
        tpu.wait_indirect_dma semaphore(%arg28 : memref<!tpu.dma_semaphore, #tpu.memory_space<semaphore_mem>>) src(%dma_wait3A_52 : memref<10000x128xf32, #tpu.memory_space<hbm>>) dst(%arg15 : memref<128x128xf32, #tpu.memory_space<vmem>>)
        %dma_wait3A_53 = arith.constant 0 : i32
        %dma_wait3A_54 = arith.constant 0 : i32
        %dma_wait3A_55 = tpu.memref_slice %arg2[%dma_wait3A_53, %dma_wait3A_54] : memref<10000x128xf32, #tpu.memory_space<hbm>> -> memref<10000x128xf32, #tpu.memory_space<hbm>>
        tpu.wait_indirect_dma semaphore(%arg29 : memref<!tpu.dma_semaphore, #tpu.memory_space<semaphore_mem>>) src(%dma_wait3A_55 : memref<10000x128xf32, #tpu.memory_space<hbm>>) dst(%arg16 : memref<128x128xf32, #tpu.memory_space<vmem>>)
        %scan3A_56 = arith.constant 0 : i32
        %scan3A_57 = arith.constant 128 : i32
        %scan3A_58 = arith.addi %scan3A_56, %scan3A_57 : i32
        %scan3A_59 = arith.constant 1 : i32
        scf.for %scan3A_71 = %scan3A_56 to %scan3A_58 step %scan3A_59  : i32 {
          %mul3A_72 = arith.constant 1 : i32
          %mul3A_73 = arith.muli %scan3A_71, %mul3A_72 : i32
          %add3A_74 = arith.constant 0 : i32
          %add3A_75 = arith.addi %add3A_74, %mul3A_73 : i32
          %get3A = arith.index_cast %add3A_75 : i32 to index
          %get3A_76 = arith.constant 0 : index
          %get3A_77 = tpu.vector_load %arg15[%get3A, %get3A_76] {strides = array<i32>} : memref<128x128xf32, #tpu.memory_space<vmem>>, vector<16xf32>,
          %get3A_78 = arith.index_cast %add3A_75 : i32 to index
          %get3A_79 = arith.constant 0 : index
          %get3A_80 = tpu.vector_load %arg16[%get3A_78, %get3A_79] {strides = array<i32>} : memref<128x128xf32, #tpu.memory_space<vmem>>, vector<16xf32>,
          %mul3A_81 = arith.mulf %get3A_77, %get3A_80 : vector<16xf32>
          %get3A_82 = arith.index_cast %add3A_75 : i32 to index
          %get3A_83 = arith.constant 16 : index
          %get3A_84 = tpu.vector_load %arg15[%get3A_82, %get3A_83] {strides = array<i32>} : memref<128x128xf32, #tpu.memory_space<vmem>>, vector<16xf32>,
          %get3A_85 = arith.index_cast %add3A_75 : i32 to index
          %get3A_86 = arith.constant 16 : index
          %get3A_87 = tpu.vector_load %arg16[%get3A_85, %get3A_86] {strides = array<i32>} : memref<128x128xf32, #tpu.memory_space<vmem>>, vector<16xf32>,
          %mul3A_88 = arith.mulf %get3A_84, %get3A_87 : vector<16xf32>
          %add3A_89 = arith.addf %mul3A_81, %mul3A_88 : vector<16xf32>
          %get3A_90 = arith.index_cast %add3A_75 : i32 to index
          %get3A_91 = arith.constant 32 : index
          %get3A_92 = tpu.vector_load %arg15[%get3A_90, %get3A_91] {strides = array<i32>} : memref<128x128xf32, #tpu.memory_space<vmem>>, vector<16xf32>,
          %get3A_93 = arith.index_cast %add3A_75 : i32 to index
          %get3A_94 = arith.constant 32 : index
          %get3A_95 = tpu.vector_load %arg16[%get3A_93, %get3A_94] {strides = array<i32>} : memref<128x128xf32, #tpu.memory_space<vmem>>, vector<16xf32>,
          %mul3A_96 = arith.mulf %get3A_92, %get3A_95 : vector<16xf32>
          %add3A_97 = arith.addf %add3A_89, %mul3A_96 : vector<16xf32>
          %get3A_98 = arith.index_cast %add3A_75 : i32 to index
          %get3A_99 = arith.constant 48 : index
          %get3A_100 = tpu.vector_load %arg15[%get3A_98, %get3A_99] {strides = array<i32>} : memref<128x128xf32, #tpu.memory_space<vmem>>, vector<16xf32>,
          %get3A_101 = arith.index_cast %add3A_75 : i32 to index
          %get3A_102 = arith.constant 48 : index
          %get3A_103 = tpu.vector_load %arg16[%get3A_101, %get3A_102] {strides = array<i32>} : memref<128x128xf32, #tpu.memory_space<vmem>>, vector<16xf32>,
          %mul3A_104 = arith.mulf %get3A_100, %get3A_103 : vector<16xf32>
          %add3A_105 = arith.addf %add3A_97, %mul3A_104 : vector<16xf32>
          %get3A_106 = arith.index_cast %add3A_75 : i32 to index
          %get3A_107 = arith.constant 64 : index
          %get3A_108 = tpu.vector_load %arg15[%get3A_106, %get3A_107] {strides = array<i32>} : memref<128x128xf32, #tpu.memory_space<vmem>>, vector<16xf32>,
          %get3A_109 = arith.index_cast %add3A_75 : i32 to index
          %get3A_110 = arith.constant 64 : index
          %get3A_111 = tpu.vector_load %arg16[%get3A_109, %get3A_110] {strides = array<i32>} : memref<128x128xf32, #tpu.memory_space<vmem>>, vector<16xf32>,
          %mul3A_112 = arith.mulf %get3A_108, %get3A_111 : vector<16xf32>
          %add3A_113 = arith.addf %add3A_105, %mul3A_112 : vector<16xf32>
          %get3A_114 = arith.index_cast %add3A_75 : i32 to index
          %get3A_115 = arith.constant 80 : index
          %get3A_116 = tpu.vector_load %arg15[%get3A_114, %get3A_115] {strides = array<i32>} : memref<128x128xf32, #tpu.memory_space<vmem>>, vector<16xf32>,
          %get3A_117 = arith.index_cast %add3A_75 : i32 to index
          %get3A_118 = arith.constant 80 : index
          %get3A_119 = tpu.vector_load %arg16[%get3A_117, %get3A_118] {strides = array<i32>} : memref<128x128xf32, #tpu.memory_space<vmem>>, vector<16xf32>,
          %mul3A_120 = arith.mulf %get3A_116, %get3A_119 : vector<16xf32>
          %add3A_121 = arith.addf %add3A_113, %mul3A_120 : vector<16xf32>
          %get3A_122 = arith.index_cast %add3A_75 : i32 to index
          %get3A_123 = arith.constant 96 : index
          %get3A_124 = tpu.vector_load %arg15[%get3A_122, %get3A_123] {strides = array<i32>} : memref<128x128xf32, #tpu.memory_space<vmem>>, vector<16xf32>,
          %get3A_125 = arith.index_cast %add3A_75 : i32 to index
          %get3A_126 = arith.constant 96 : index
          %get3A_127 = tpu.vector_load %arg16[%get3A_125, %get3A_126] {strides = array<i32>} : memref<128x128xf32, #tpu.memory_space<vmem>>, vector<16xf32>,
          %mul3A_128 = arith.mulf %get3A_124, %get3A_127 : vector<16xf32>
          %add3A_129 = arith.addf %add3A_121, %mul3A_128 : vector<16xf32>
          %get3A_130 = arith.index_cast %add3A_75 : i32 to index
          %get3A_131 = arith.constant 112 : index
          %get3A_132 = tpu.vector_load %arg15[%get3A_130, %get3A_131] {strides = array<i32>} : memref<128x128xf32, #tpu.memory_space<vmem>>, vector<16xf32>,
          %get3A_133 = arith.index_cast %add3A_75 : i32 to index
          %get3A_134 = arith.constant 112 : index
          %get3A_135 = tpu.vector_load %arg16[%get3A_133, %get3A_134] {strides = array<i32>} : memref<128x128xf32, #tpu.memory_space<vmem>>, vector<16xf32>,
          %mul3A_136 = arith.mulf %get3A_132, %get3A_135 : vector<16xf32>
          %add3A_137 = arith.addf %add3A_129, %mul3A_136 : vector<16xf32>
          %broadcast_in_dim3A_138 = arith.constant true
          %broadcast_in_dim3A_139 = vector.broadcast %broadcast_in_dim3A_138 : i1 to vector<16xi1>
          %masked_cumsum3A = tpu.scan <sum>, %add3A_137 masked %broadcast_in_dim3A_139 : vector<16xf32>, vector<16xi1> -> vector<16xf32>
          %broadcast_in_dim3A_140 = vector.broadcast %add3A_75 : i32 to vector<16xi32>
          tpu.vector_store_idx %arg22[%broadcast_in_dim3A_140], %masked_cumsum3A masked %eq3A_2 : memref<128xf32, #tpu.memory_space<vmem>>[vector<16xi32>], vector<16xf32>, vector<16xi1>
        }
        %scan3A_60 = arith.constant 128 : i32
        %scan3A_61 = arith.constant 0 : i32
        %scan3A_62 = arith.constant 8 : i32
        %scan3A_63 = arith.addi %scan3A_61, %scan3A_62 : i32
        %scan3A_64 = arith.constant 1 : i32
        scf.for %scan3A_71 = %scan3A_61 to %scan3A_63 step %scan3A_64  : i32 {
          %mul3A_72 = arith.constant 1 : i32
          %mul3A_73 = arith.muli %scan3A_71, %mul3A_72 : i32
          %add3A_74 = arith.constant 0 : i32
          %add3A_75 = arith.addi %add3A_74, %mul3A_73 : i32
          %mul3A_76 = arith.constant 16 : i32
          %mul3A_77 = arith.muli %add3A_75, %mul3A_76 : i32
          %get3A = arith.index_cast %mul3A_77 : i32 to index
          %get3A_78 = tpu.vector_load %arg13[%get3A] {strides = array<i32>} : memref<128xi32, #tpu.memory_space<vmem>>, vector<16xi32>,
          %mul3A_79 = arith.constant 16 : i32
          %mul3A_80 = arith.muli %add3A_75, %mul3A_79 : i32
          %get3A_81 = arith.index_cast %mul3A_80 : i32 to index
          %get3A_82 = tpu.vector_load %arg14[%get3A_81] {strides = array<i32>} : memref<128xi32, #tpu.memory_space<vmem>>, vector<16xi32>,
          %shift_right_logical3A = arith.constant 7 : i32
          %shift_right_logical3A_83 = vector.broadcast %shift_right_logical3A : i32 to vector<16xi32>
          %shift_right_logical3A_84 = arith.shrui %get3A_78, %shift_right_logical3A_83 : vector<16xi32>
          %and3A = arith.constant 127 : i32
          %and3A_85 = vector.broadcast %and3A : i32 to vector<16xi32>
          %and3A_86 = arith.andi %get3A_78, %and3A_85 : vector<16xi32>
          %shift_right_logical3A_87 = arith.constant 7 : i32
          %shift_right_logical3A_88 = vector.broadcast %shift_right_logical3A_87 : i32 to vector<16xi32>
          %shift_right_logical3A_89 = arith.shrui %get3A_82, %shift_right_logical3A_88 : vector<16xi32>
          %and3A_90 = arith.constant 127 : i32
          %and3A_91 = vector.broadcast %and3A_90 : i32 to vector<16xi32>
          %and3A_92 = arith.andi %get3A_82, %and3A_91 : vector<16xi32>
          %gather3A = tpu.vector_load_idx %arg23[%shift_right_logical3A_84, %and3A_86] : memref<80x128xf32, #tpu.memory_space<vmem>>[vector<16xi32>, vector<16xi32>], vector<16xf32>,
          %gather3A_93 = tpu.vector_load_idx %arg24[%shift_right_logical3A_89, %and3A_92] : memref<80x128xf32, #tpu.memory_space<vmem>>[vector<16xi32>, vector<16xi32>], vector<16xf32>,
          %add3A_94 = arith.addf %gather3A, %gather3A_93 : vector<16xf32>
          %mul3A_95 = arith.constant 0.00999999977 : f32
          %mul3A_96 = vector.broadcast %mul3A_95 : f32 to vector<16xf32>
          %mul3A_97 = arith.mulf %add3A_94, %mul3A_96 : vector<16xf32>
          %max3A = arith.maximumf %add3A_94, %mul3A_97 : vector<16xf32>
          %mul3A_98 = arith.constant 16 : i32
          %mul3A_99 = arith.muli %add3A_75, %mul3A_98 : i32
          %swap3A = arith.index_cast %mul3A_99 : i32 to index
          %swap3A_100 = tpu.vector_load %arg21[%swap3A] {strides = array<i32>} : memref<128xf32, #tpu.memory_space<vmem>>, vector<16xf32>,
          tpu.vector_store %arg21[%swap3A], %max3A {strides = array<i32>} : memref<128xf32, #tpu.memory_space<vmem>>, vector<16xf32>,
        }
        %scan3A_65 = arith.constant 8 : i32
        "tpu.region"() ({
          %run_scoped3A = tpu.sem_alloc : memref<!tpu.dma_semaphore, #tpu.memory_space<semaphore_mem>>
          %dma_start3A = tpu.memref_slice %arg8[%mul3A_50] : memref<320000xf32, #tpu.memory_space<hbm>> -> memref<128xf32, #tpu.memory_space<hbm>>
          %dma_start3A_71 = tpu.memref_slice %arg8[%mul3A_50] : memref<320000xf32, #tpu.memory_space<hbm>> -> memref<128xf32, #tpu.memory_space<hbm>>
          tpu.enqueue_dma source(%arg21 : memref<128xf32, #tpu.memory_space<vmem>>) target(%dma_start3A_71 : memref<128xf32, #tpu.memory_space<hbm>>) target_semaphore(%run_scoped3A : memref<!tpu.dma_semaphore, #tpu.memory_space<semaphore_mem>>)
          %dma_wait3A_72 = tpu.memref_slice %arg8[%mul3A_50] : memref<320000xf32, #tpu.memory_space<hbm>> -> memref<128xf32, #tpu.memory_space<hbm>>
          %dma_wait3A_73 = tpu.memref_slice %arg8[%mul3A_50] : memref<320000xf32, #tpu.memory_space<hbm>> -> memref<128xf32, #tpu.memory_space<hbm>>
          tpu.wait_dma2 semaphore(%run_scoped3A : memref<!tpu.dma_semaphore, #tpu.memory_space<semaphore_mem>>) src(%arg21 : memref<128xf32, #tpu.memory_space<vmem>>) dst(%dma_wait3A_73 : memref<128xf32, #tpu.memory_space<hbm>>)
          tpu.yield
        }) : () -> ()
        "tpu.region"() ({
          %run_scoped3A = tpu.sem_alloc : memref<!tpu.dma_semaphore, #tpu.memory_space<semaphore_mem>>
          %dma_start3A = tpu.memref_slice %arg9[%mul3A_50] : memref<320000xf32, #tpu.memory_space<hbm>> -> memref<128xf32, #tpu.memory_space<hbm>>
          %dma_start3A_71 = tpu.memref_slice %arg9[%mul3A_50] : memref<320000xf32, #tpu.memory_space<hbm>> -> memref<128xf32, #tpu.memory_space<hbm>>
          tpu.enqueue_dma source(%arg22 : memref<128xf32, #tpu.memory_space<vmem>>) target(%dma_start3A_71 : memref<128xf32, #tpu.memory_space<hbm>>) target_semaphore(%run_scoped3A : memref<!tpu.dma_semaphore, #tpu.memory_space<semaphore_mem>>)
          %dma_wait3A_72 = tpu.memref_slice %arg9[%mul3A_50] : memref<320000xf32, #tpu.memory_space<hbm>> -> memref<128xf32, #tpu.memory_space<hbm>>
          %dma_wait3A_73 = tpu.memref_slice %arg9[%mul3A_50] : memref<320000xf32, #tpu.memory_space<hbm>> -> memref<128xf32, #tpu.memory_space<hbm>>
          tpu.wait_dma2 semaphore(%run_scoped3A : memref<!tpu.dma_semaphore, #tpu.memory_space<semaphore_mem>>) src(%arg22 : memref<128xf32, #tpu.memory_space<vmem>>) dst(%dma_wait3A_73 : memref<128xf32, #tpu.memory_space<hbm>>)
          tpu.yield
        }) : () -> ()
        %scan3A_66 = arith.constant 0 : i32
        %scan3A_67 = arith.constant 8 : i32
        %scan3A_68 = arith.addi %scan3A_66, %scan3A_67 : i32
        %scan3A_69 = arith.constant 1 : i32
        scf.for %scan3A_71 = %scan3A_66 to %scan3A_68 step %scan3A_69  : i32 {
          %mul3A_72 = arith.constant 1 : i32
          %mul3A_73 = arith.muli %scan3A_71, %mul3A_72 : i32
          %add3A_74 = arith.constant 0 : i32
          %add3A_75 = arith.addi %add3A_74, %mul3A_73 : i32
          %mul3A_76 = arith.constant 16 : i32
          %mul3A_77 = arith.muli %add3A_75, %mul3A_76 : i32
          %get3A = arith.index_cast %mul3A_77 : i32 to index
          %get3A_78 = tpu.vector_load %arg14[%get3A] {strides = array<i32>} : memref<128xi32, #tpu.memory_space<vmem>>, vector<16xi32>,
          %masked_sort3A = arith.constant dense<true> : vector<16xi1>
          %masked_sort3A_79 = arith.constant -2147483648 : i32
          %masked_sort3A_80 = vector.broadcast %masked_sort3A_79 : i32 to vector<16xi32>
          %masked_sort3A_81 = arith.xori %get3A_78, %masked_sort3A_80 : vector<16xi32>
          %masked_sort3A_82, %masked_sort3A_83, %masked_sort3A_84 = tpu.sort %masked_sort3A_81, %iota3A masked %masked_sort3A : (vector<16xi32>, vector<16xi32>, vector<16xi1>) -> (vector<16xi1>, vector<16xi32>, vector<16xi32>)
          %masked_sort3A_85 = arith.xori %masked_sort3A_83, %masked_sort3A_80 : vector<16xi32>
          %mul3A_86 = arith.constant 16 : i32
          %mul3A_87 = arith.muli %add3A_75, %mul3A_86 : i32
          %get3A_88 = arith.index_cast %mul3A_87 : i32 to index
          %get3A_89 = tpu.vector_load %arg22[%get3A_88] {strides = array<i32>} : memref<128xf32, #tpu.memory_space<vmem>>, vector<16xf32>,
          %broadcast_in_dim3A_90 = vector.shape_cast %masked_sort3A_84 : vector<16xi32> to vector<16x1xi32>
          %gather3A = vector.shape_cast %broadcast_in_dim3A_90 : vector<16x1xi32> to vector<16xi32>
          %gather3A_91 = tpu.dynamic_gather %get3A_89[%gather3A] in [0] : vector<16xf32>, vector<16xi32> -> vector<16xf32>
          %mul3A_92 = arith.constant 16 : i32
          %mul3A_93 = arith.muli %add3A_75, %mul3A_92 : i32
          %get3A_94 = arith.index_cast %mul3A_93 : i32 to index
          %get3A_95 = tpu.vector_load %arg21[%get3A_94] {strides = array<i32>} : memref<128xf32, #tpu.memory_space<vmem>>, vector<16xf32>,
          %broadcast_in_dim3A_96 = vector.shape_cast %masked_sort3A_84 : vector<16xi32> to vector<16x1xi32>
          %gather3A_97 = vector.shape_cast %broadcast_in_dim3A_96 : vector<16x1xi32> to vector<16xi32>
          %gather3A_98 = tpu.dynamic_gather %get3A_95[%gather3A_97] in [0] : vector<16xf32>, vector<16xi32> -> vector<16xf32>
          %broadcast_in_dim3A_99 = vector.shape_cast %min3A_7 : vector<16xi32> to vector<16x1xi32>
          %gather3A_100 = vector.shape_cast %broadcast_in_dim3A_99 : vector<16x1xi32> to vector<16xi32>
          %gather3A_101 = tpu.dynamic_gather %masked_sort3A_85[%gather3A_100] in [0] : vector<16xi32>, vector<16xi32> -> vector<16xi32>
          %ne3A = arith.cmpi ne, %gather3A_101, %masked_sort3A_85 : vector<16xi32>
          %or3A = arith.ori %ne3A, %eq3A_2 : vector<16xi1>
          %exp3A = math.exp %gather3A_98 : vector<16xf32>
          %sub3A = arith.constant 1 : i32
          %sub3A_102 = vector.broadcast %sub3A : i32 to vector<16xi32>
          %sub3A_103 = arith.subi %iota3A, %sub3A_102 : vector<16xi32>
          %max3A = arith.constant 0 : i32
          %max3A_104 = vector.broadcast %max3A : i32 to vector<16xi32>
          %max3A_105 = arith.maxsi %sub3A_103, %max3A_104 : vector<16xi32>
          %broadcast_in_dim3A_106 = vector.shape_cast %max3A_105 : vector<16xi32> to vector<16x1xi32>
          %gather3A_107 = vector.shape_cast %broadcast_in_dim3A_106 : vector<16x1xi32> to vector<16xi32>
          %gather3A_108 = tpu.dynamic_gather %masked_sort3A_85[%gather3A_107] in [0] : vector<16xi32>, vector<16xi32> -> vector<16xi32>
          %eq3A_109 = arith.cmpi eq, %gather3A_108, %masked_sort3A_85 : vector<16xi32>
          %ge3A = arith.constant 1 : i32
          %ge3A_110 = vector.broadcast %ge3A : i32 to vector<16xi32>
          %ge3A_111 = arith.cmpi sge, %iota3A, %ge3A_110 : vector<16xi32>
          %and3A = arith.andi %eq3A_109, %ge3A_111 : vector<16xi1>
          %broadcast_in_dim3A_112 = vector.shape_cast %max3A_105 : vector<16xi32> to vector<16x1xi32>
          %gather3A_113 = vector.shape_cast %broadcast_in_dim3A_112 : vector<16x1xi32> to vector<16xi32>
          %gather3A_114 = tpu.dynamic_gather %exp3A[%gather3A_113] in [0] : vector<16xf32>, vector<16xi32> -> vector<16xf32>
          %jit3A = arith.constant 0.000000e+00 : f32
          %broadcast_in_dim3A_115 = vector.broadcast %jit3A : f32 to vector<16xf32>
          %select_n3A = arith.select %and3A, %gather3A_114, %broadcast_in_dim3A_115 : vector<16xi1>, vector<16xf32>
          %add3A_116 = arith.addf %exp3A, %select_n3A : vector<16xf32>
          %broadcast_in_dim3A_117 = vector.shape_cast %max3A_105 : vector<16xi32> to vector<16x1xi32>
          %gather3A_118 = vector.shape_cast %broadcast_in_dim3A_117 : vector<16x1xi32> to vector<16xi32>
          %gather3A_119 = tpu.dynamic_gather %gather3A_91[%gather3A_118] in [0] : vector<16xf32>, vector<16xi32> -> vector<16xf32>
          %broadcast_in_dim3A_120 = vector.shape_cast %max3A_105 : vector<16xi32> to vector<16x1xi32>
          %gather3A_121 = vector.shape_cast %broadcast_in_dim3A_120 : vector<16x1xi32> to vector<16xi32>
          %gather3A_122 = tpu.dynamic_gather %broadcast_in_dim3A_8[%gather3A_121] in [0] : vector<16xf32>, vector<16xi32> -> vector<16xf32>
          %max3A_123 = arith.maximumf %gather3A_91, %gather3A_119 : vector<16xf32>
          %sub3A_124 = arith.subf %gather3A_91, %max3A_123 : vector<16xf32>
          %exp3A_125 = math.exp %sub3A_124 : vector<16xf32>
          %mul3A_126 = arith.mulf %broadcast_in_dim3A_8, %exp3A_125 : vector<16xf32>
          %sub3A_127 = arith.subf %gather3A_119, %max3A_123 : vector<16xf32>
          %exp3A_128 = math.exp %sub3A_127 : vector<16xf32>
          %mul3A_129 = arith.mulf %gather3A_122, %exp3A_128 : vector<16xf32>
          %add3A_130 = arith.addf %mul3A_126, %mul3A_129 : vector<16xf32>
          %select_n3A_131 = arith.select %and3A, %max3A_123, %gather3A_91 : vector<16xi1>, vector<16xf32>
          %select_n3A_132 = arith.select %and3A, %add3A_130, %broadcast_in_dim3A_8 : vector<16xi1>, vector<16xf32>
          %sub3A_133 = arith.constant 2 : i32
          %sub3A_134 = vector.broadcast %sub3A_133 : i32 to vector<16xi32>
          %sub3A_135 = arith.subi %iota3A, %sub3A_134 : vector<16xi32>
          %max3A_136 = arith.constant 0 : i32
          %max3A_137 = vector.broadcast %max3A_136 : i32 to vector<16xi32>
          %max3A_138 = arith.maxsi %sub3A_135, %max3A_137 : vector<16xi32>
          %broadcast_in_dim3A_139 = vector.shape_cast %max3A_138 : vector<16xi32> to vector<16x1xi32>
          %gather3A_140 = vector.shape_cast %broadcast_in_dim3A_139 : vector<16x1xi32> to vector<16xi32>
          %gather3A_141 = tpu.dynamic_gather %masked_sort3A_85[%gather3A_140] in [0] : vector<16xi32>, vector<16xi32> -> vector<16xi32>
          %eq3A_142 = arith.cmpi eq, %gather3A_141, %masked_sort3A_85 : vector<16xi32>
          %ge3A_143 = arith.constant 2 : i32
          %ge3A_144 = vector.broadcast %ge3A_143 : i32 to vector<16xi32>
          %ge3A_145 = arith.cmpi sge, %iota3A, %ge3A_144 : vector<16xi32>
          %and3A_146 = arith.andi %eq3A_142, %ge3A_145 : vector<16xi1>
          %broadcast_in_dim3A_147 = vector.shape_cast %max3A_138 : vector<16xi32> to vector<16x1xi32>
          %gather3A_148 = vector.shape_cast %broadcast_in_dim3A_147 : vector<16x1xi32> to vector<16xi32>
          %gather3A_149 = tpu.dynamic_gather %add3A_116[%gather3A_148] in [0] : vector<16xf32>, vector<16xi32> -> vector<16xf32>
          %jit3A_150 = arith.constant 0.000000e+00 : f32
          %broadcast_in_dim3A_151 = vector.broadcast %jit3A_150 : f32 to vector<16xf32>
          %select_n3A_152 = arith.select %and3A_146, %gather3A_149, %broadcast_in_dim3A_151 : vector<16xi1>, vector<16xf32>
          %add3A_153 = arith.addf %add3A_116, %select_n3A_152 : vector<16xf32>
          %broadcast_in_dim3A_154 = vector.shape_cast %max3A_138 : vector<16xi32> to vector<16x1xi32>
          %gather3A_155 = vector.shape_cast %broadcast_in_dim3A_154 : vector<16x1xi32> to vector<16xi32>
          %gather3A_156 = tpu.dynamic_gather %select_n3A_131[%gather3A_155] in [0] : vector<16xf32>, vector<16xi32> -> vector<16xf32>
          %broadcast_in_dim3A_157 = vector.shape_cast %max3A_138 : vector<16xi32> to vector<16x1xi32>
          %gather3A_158 = vector.shape_cast %broadcast_in_dim3A_157 : vector<16x1xi32> to vector<16xi32>
          %gather3A_159 = tpu.dynamic_gather %select_n3A_132[%gather3A_158] in [0] : vector<16xf32>, vector<16xi32> -> vector<16xf32>
          %max3A_160 = arith.maximumf %select_n3A_131, %gather3A_156 : vector<16xf32>
          %sub3A_161 = arith.subf %select_n3A_131, %max3A_160 : vector<16xf32>
          %exp3A_162 = math.exp %sub3A_161 : vector<16xf32>
          %mul3A_163 = arith.mulf %select_n3A_132, %exp3A_162 : vector<16xf32>
          %sub3A_164 = arith.subf %gather3A_156, %max3A_160 : vector<16xf32>
          %exp3A_165 = math.exp %sub3A_164 : vector<16xf32>
          %mul3A_166 = arith.mulf %gather3A_159, %exp3A_165 : vector<16xf32>
          %add3A_167 = arith.addf %mul3A_163, %mul3A_166 : vector<16xf32>
          %select_n3A_168 = arith.select %and3A_146, %max3A_160, %select_n3A_131 : vector<16xi1>, vector<16xf32>
          %select_n3A_169 = arith.select %and3A_146, %add3A_167, %select_n3A_132 : vector<16xi1>, vector<16xf32>
          %sub3A_170 = arith.constant 4 : i32
          %sub3A_171 = vector.broadcast %sub3A_170 : i32 to vector<16xi32>
          %sub3A_172 = arith.subi %iota3A, %sub3A_171 : vector<16xi32>
          %max3A_173 = arith.constant 0 : i32
          %max3A_174 = vector.broadcast %max3A_173 : i32 to vector<16xi32>
          %max3A_175 = arith.maxsi %sub3A_172, %max3A_174 : vector<16xi32>
          %broadcast_in_dim3A_176 = vector.shape_cast %max3A_175 : vector<16xi32> to vector<16x1xi32>
          %gather3A_177 = vector.shape_cast %broadcast_in_dim3A_176 : vector<16x1xi32> to vector<16xi32>
          %gather3A_178 = tpu.dynamic_gather %masked_sort3A_85[%gather3A_177] in [0] : vector<16xi32>, vector<16xi32> -> vector<16xi32>
          %eq3A_179 = arith.cmpi eq, %gather3A_178, %masked_sort3A_85 : vector<16xi32>
          %ge3A_180 = arith.constant 4 : i32
          %ge3A_181 = vector.broadcast %ge3A_180 : i32 to vector<16xi32>
          %ge3A_182 = arith.cmpi sge, %iota3A, %ge3A_181 : vector<16xi32>
          %and3A_183 = arith.andi %eq3A_179, %ge3A_182 : vector<16xi1>
          %broadcast_in_dim3A_184 = vector.shape_cast %max3A_175 : vector<16xi32> to vector<16x1xi32>
          %gather3A_185 = vector.shape_cast %broadcast_in_dim3A_184 : vector<16x1xi32> to vector<16xi32>
          %gather3A_186 = tpu.dynamic_gather %add3A_153[%gather3A_185] in [0] : vector<16xf32>, vector<16xi32> -> vector<16xf32>
          %jit3A_187 = arith.constant 0.000000e+00 : f32
          %broadcast_in_dim3A_188 = vector.broadcast %jit3A_187 : f32 to vector<16xf32>
          %select_n3A_189 = arith.select %and3A_183, %gather3A_186, %broadcast_in_dim3A_188 : vector<16xi1>, vector<16xf32>
          %add3A_190 = arith.addf %add3A_153, %select_n3A_189 : vector<16xf32>
          %broadcast_in_dim3A_191 = vector.shape_cast %max3A_175 : vector<16xi32> to vector<16x1xi32>
          %gather3A_192 = vector.shape_cast %broadcast_in_dim3A_191 : vector<16x1xi32> to vector<16xi32>
          %gather3A_193 = tpu.dynamic_gather %select_n3A_168[%gather3A_192] in [0] : vector<16xf32>, vector<16xi32> -> vector<16xf32>
          %broadcast_in_dim3A_194 = vector.shape_cast %max3A_175 : vector<16xi32> to vector<16x1xi32>
          %gather3A_195 = vector.shape_cast %broadcast_in_dim3A_194 : vector<16x1xi32> to vector<16xi32>
          %gather3A_196 = tpu.dynamic_gather %select_n3A_169[%gather3A_195] in [0] : vector<16xf32>, vector<16xi32> -> vector<16xf32>
          %max3A_197 = arith.maximumf %select_n3A_168, %gather3A_193 : vector<16xf32>
          %sub3A_198 = arith.subf %select_n3A_168, %max3A_197 : vector<16xf32>
          %exp3A_199 = math.exp %sub3A_198 : vector<16xf32>
          %mul3A_200 = arith.mulf %select_n3A_169, %exp3A_199 : vector<16xf32>
          %sub3A_201 = arith.subf %gather3A_193, %max3A_197 : vector<16xf32>
          %exp3A_202 = math.exp %sub3A_201 : vector<16xf32>
          %mul3A_203 = arith.mulf %gather3A_196, %exp3A_202 : vector<16xf32>
          %add3A_204 = arith.addf %mul3A_200, %mul3A_203 : vector<16xf32>
          %select_n3A_205 = arith.select %and3A_183, %max3A_197, %select_n3A_168 : vector<16xi1>, vector<16xf32>
          %select_n3A_206 = arith.select %and3A_183, %add3A_204, %select_n3A_169 : vector<16xi1>, vector<16xf32>
          %sub3A_207 = arith.constant 8 : i32
          %sub3A_208 = vector.broadcast %sub3A_207 : i32 to vector<16xi32>
          %sub3A_209 = arith.subi %iota3A, %sub3A_208 : vector<16xi32>
          %max3A_210 = arith.constant 0 : i32
          %max3A_211 = vector.broadcast %max3A_210 : i32 to vector<16xi32>
          %max3A_212 = arith.maxsi %sub3A_209, %max3A_211 : vector<16xi32>
          %broadcast_in_dim3A_213 = vector.shape_cast %max3A_212 : vector<16xi32> to vector<16x1xi32>
          %gather3A_214 = vector.shape_cast %broadcast_in_dim3A_213 : vector<16x1xi32> to vector<16xi32>
          %gather3A_215 = tpu.dynamic_gather %masked_sort3A_85[%gather3A_214] in [0] : vector<16xi32>, vector<16xi32> -> vector<16xi32>
          %eq3A_216 = arith.cmpi eq, %gather3A_215, %masked_sort3A_85 : vector<16xi32>
          %ge3A_217 = arith.constant 8 : i32
          %ge3A_218 = vector.broadcast %ge3A_217 : i32 to vector<16xi32>
          %ge3A_219 = arith.cmpi sge, %iota3A, %ge3A_218 : vector<16xi32>
          %and3A_220 = arith.andi %eq3A_216, %ge3A_219 : vector<16xi1>
          %broadcast_in_dim3A_221 = vector.shape_cast %max3A_212 : vector<16xi32> to vector<16x1xi32>
          %gather3A_222 = vector.shape_cast %broadcast_in_dim3A_221 : vector<16x1xi32> to vector<16xi32>
          %gather3A_223 = tpu.dynamic_gather %add3A_190[%gather3A_222] in [0] : vector<16xf32>, vector<16xi32> -> vector<16xf32>
          %jit3A_224 = arith.constant 0.000000e+00 : f32
          %broadcast_in_dim3A_225 = vector.broadcast %jit3A_224 : f32 to vector<16xf32>
          %select_n3A_226 = arith.select %and3A_220, %gather3A_223, %broadcast_in_dim3A_225 : vector<16xi1>, vector<16xf32>
          %add3A_227 = arith.addf %add3A_190, %select_n3A_226 : vector<16xf32>
          %broadcast_in_dim3A_228 = vector.shape_cast %max3A_212 : vector<16xi32> to vector<16x1xi32>
          %gather3A_229 = vector.shape_cast %broadcast_in_dim3A_228 : vector<16x1xi32> to vector<16xi32>
          %gather3A_230 = tpu.dynamic_gather %select_n3A_205[%gather3A_229] in [0] : vector<16xf32>, vector<16xi32> -> vector<16xf32>
          %broadcast_in_dim3A_231 = vector.shape_cast %max3A_212 : vector<16xi32> to vector<16x1xi32>
          %gather3A_232 = vector.shape_cast %broadcast_in_dim3A_231 : vector<16x1xi32> to vector<16xi32>
          %gather3A_233 = tpu.dynamic_gather %select_n3A_206[%gather3A_232] in [0] : vector<16xf32>, vector<16xi32> -> vector<16xf32>
          %max3A_234 = arith.maximumf %select_n3A_205, %gather3A_230 : vector<16xf32>
          %sub3A_235 = arith.subf %select_n3A_205, %max3A_234 : vector<16xf32>
          %exp3A_236 = math.exp %sub3A_235 : vector<16xf32>
          %mul3A_237 = arith.mulf %select_n3A_206, %exp3A_236 : vector<16xf32>
          %sub3A_238 = arith.subf %gather3A_230, %max3A_234 : vector<16xf32>
          %exp3A_239 = math.exp %sub3A_238 : vector<16xf32>
          %mul3A_240 = arith.mulf %gather3A_233, %exp3A_239 : vector<16xf32>
          %add3A_241 = arith.addf %mul3A_237, %mul3A_240 : vector<16xf32>
          %select_n3A_242 = arith.select %and3A_220, %max3A_234, %select_n3A_205 : vector<16xi1>, vector<16xf32>
          %select_n3A_243 = arith.select %and3A_220, %add3A_241, %select_n3A_206 : vector<16xi1>, vector<16xf32>
          %shift_right_logical3A = arith.constant 7 : i32
          %shift_right_logical3A_244 = vector.broadcast %shift_right_logical3A : i32 to vector<16xi32>
          %shift_right_logical3A_245 = arith.shrui %masked_sort3A_85, %shift_right_logical3A_244 : vector<16xi32>
          %and3A_246 = arith.constant 127 : i32
          %and3A_247 = vector.broadcast %and3A_246 : i32 to vector<16xi32>
          %and3A_248 = arith.andi %masked_sort3A_85, %and3A_247 : vector<16xi32>
          %gather3A_249 = tpu.vector_load_idx %arg27[%shift_right_logical3A_245, %and3A_248] : memref<80x128xf32, #tpu.memory_space<vmem>>[vector<16xi32>, vector<16xi32>], vector<16xf32>,
          %add3A_250 = arith.addf %gather3A_249, %add3A_227 : vector<16xf32>
          tpu.vector_store_idx %arg27[%shift_right_logical3A_245, %and3A_248], %add3A_250 masked %or3A : memref<80x128xf32, #tpu.memory_space<vmem>>[vector<16xi32>, vector<16xi32>], vector<16xf32>, vector<16xi1>
          %gather3A_251 = tpu.vector_load_idx %arg25[%shift_right_logical3A_245, %and3A_248] : memref<80x128xf32, #tpu.memory_space<vmem>>[vector<16xi32>, vector<16xi32>], vector<16xf32>,
          %gather3A_252 = tpu.vector_load_idx %arg26[%shift_right_logical3A_245, %and3A_248] : memref<80x128xf32, #tpu.memory_space<vmem>>[vector<16xi32>, vector<16xi32>], vector<16xf32>,
          %max3A_253 = arith.maximumf %gather3A_251, %select_n3A_242 : vector<16xf32>
          %sub3A_254 = arith.subf %gather3A_251, %max3A_253 : vector<16xf32>
          %exp3A_255 = math.exp %sub3A_254 : vector<16xf32>
          %mul3A_256 = arith.mulf %gather3A_252, %exp3A_255 : vector<16xf32>
          %sub3A_257 = arith.subf %select_n3A_242, %max3A_253 : vector<16xf32>
          %exp3A_258 = math.exp %sub3A_257 : vector<16xf32>
          %mul3A_259 = arith.mulf %select_n3A_243, %exp3A_258 : vector<16xf32>
          %add3A_260 = arith.addf %mul3A_256, %mul3A_259 : vector<16xf32>
          tpu.vector_store_idx %arg25[%shift_right_logical3A_245, %and3A_248], %max3A_253 masked %or3A : memref<80x128xf32, #tpu.memory_space<vmem>>[vector<16xi32>, vector<16xi32>], vector<16xf32>, vector<16xi1>
          tpu.vector_store_idx %arg26[%shift_right_logical3A_245, %and3A_248], %add3A_260 masked %or3A : memref<80x128xf32, #tpu.memory_space<vmem>>[vector<16xi32>, vector<16xi32>], vector<16xf32>, vector<16xi1>
        }
        %scan3A_70 = arith.constant 8 : i32
      } else {
      }
      %add3A_37 = arith.constant 64 : i32
      %add3A_38 = arith.addi %add3A_24, %add3A_37 : i32
      %lt3A_39 = arith.constant 2500 : i32
      %lt3A_40 = arith.cmpi slt, %add3A_38, %lt3A_39 : i32
      %convert_element_type3A_41 = arith.extui %lt3A_40 : i1 to i32
      %cond3A_42 = arith.constant 0 : i32
      %cond3A_43 = arith.cmpi ne, %convert_element_type3A_41, %cond3A_42 : i32
      scf.if %cond3A_43 {
        %add3A_49 = arith.constant 64 : i32
        %add3A_50 = arith.addi %add3A_24, %add3A_49 : i32
        %mul3A_51 = arith.constant 128 : i32
        %mul3A_52 = arith.muli %add3A_50, %mul3A_51 : i32
        %run_scoped3A = arith.constant 0 : i32
        "tpu.region"() ({
          %run_scoped3A_59 = tpu.sem_alloc : memref<!tpu.dma_semaphore, #tpu.memory_space<semaphore_mem>>
          %dma_start3A_60 = tpu.memref_slice %arg3[%run_scoped3A, %mul3A_52] : memref<2x320000xi32, #tpu.memory_space<hbm>> -> memref<1x128xi32, #tpu.memory_space<hbm>>
          %dma_start3A_61 = tpu.memref_squeeze %dma_start3A_60 : memref<1x128xi32, #tpu.memory_space<hbm>> -> memref<128xi32, #tpu.memory_space<hbm>>
          %dma_start3A_62 = tpu.memref_slice %arg3[%run_scoped3A, %mul3A_52] : memref<2x320000xi32, #tpu.memory_space<hbm>> -> memref<1x128xi32, #tpu.memory_space<hbm>>
          %dma_start3A_63 = tpu.memref_squeeze %dma_start3A_62 : memref<1x128xi32, #tpu.memory_space<hbm>> -> memref<128xi32, #tpu.memory_space<hbm>>
          tpu.enqueue_dma source(%dma_start3A_63 : memref<128xi32, #tpu.memory_space<hbm>>) target(%arg13 : memref<128xi32, #tpu.memory_space<vmem>>) target_semaphore(%run_scoped3A_59 : memref<!tpu.dma_semaphore, #tpu.memory_space<semaphore_mem>>)
          %dma_wait3A = tpu.memref_slice %arg3[%run_scoped3A, %mul3A_52] : memref<2x320000xi32, #tpu.memory_space<hbm>> -> memref<1x128xi32, #tpu.memory_space<hbm>>
          %dma_wait3A_64 = tpu.memref_squeeze %dma_wait3A : memref<1x128xi32, #tpu.memory_space<hbm>> -> memref<128xi32, #tpu.memory_space<hbm>>
          %dma_wait3A_65 = tpu.memref_slice %arg3[%run_scoped3A, %mul3A_52] : memref<2x320000xi32, #tpu.memory_space<hbm>> -> memref<1x128xi32, #tpu.memory_space<hbm>>
          %dma_wait3A_66 = tpu.memref_squeeze %dma_wait3A_65 : memref<1x128xi32, #tpu.memory_space<hbm>> -> memref<128xi32, #tpu.memory_space<hbm>>
          tpu.wait_dma2 semaphore(%run_scoped3A_59 : memref<!tpu.dma_semaphore, #tpu.memory_space<semaphore_mem>>) src(%dma_wait3A_66 : memref<128xi32, #tpu.memory_space<hbm>>) dst(%arg13 : memref<128xi32, #tpu.memory_space<vmem>>)
          tpu.yield
        }) : () -> ()
        %run_scoped3A_53 = arith.constant 1 : i32
        "tpu.region"() ({
          %run_scoped3A_59 = tpu.sem_alloc : memref<!tpu.dma_semaphore, #tpu.memory_space<semaphore_mem>>
          %dma_start3A_60 = tpu.memref_slice %arg3[%run_scoped3A_53, %mul3A_52] : memref<2x320000xi32, #tpu.memory_space<hbm>> -> memref<1x128xi32, #tpu.memory_space<hbm>>
          %dma_start3A_61 = tpu.memref_squeeze %dma_start3A_60 : memref<1x128xi32, #tpu.memory_space<hbm>> -> memref<128xi32, #tpu.memory_space<hbm>>
          %dma_start3A_62 = tpu.memref_slice %arg3[%run_scoped3A_53, %mul3A_52] : memref<2x320000xi32, #tpu.memory_space<hbm>> -> memref<1x128xi32, #tpu.memory_space<hbm>>
          %dma_start3A_63 = tpu.memref_squeeze %dma_start3A_62 : memref<1x128xi32, #tpu.memory_space<hbm>> -> memref<128xi32, #tpu.memory_space<hbm>>
          tpu.enqueue_dma source(%dma_start3A_63 : memref<128xi32, #tpu.memory_space<hbm>>) target(%arg14 : memref<128xi32, #tpu.memory_space<vmem>>) target_semaphore(%run_scoped3A_59 : memref<!tpu.dma_semaphore, #tpu.memory_space<semaphore_mem>>)
          %dma_wait3A = tpu.memref_slice %arg3[%run_scoped3A_53, %mul3A_52] : memref<2x320000xi32, #tpu.memory_space<hbm>> -> memref<1x128xi32, #tpu.memory_space<hbm>>
          %dma_wait3A_64 = tpu.memref_squeeze %dma_wait3A : memref<1x128xi32, #tpu.memory_space<hbm>> -> memref<128xi32, #tpu.memory_space<hbm>>
          %dma_wait3A_65 = tpu.memref_slice %arg3[%run_scoped3A_53, %mul3A_52] : memref<2x320000xi32, #tpu.memory_space<hbm>> -> memref<1x128xi32, #tpu.memory_space<hbm>>
          %dma_wait3A_66 = tpu.memref_squeeze %dma_wait3A_65 : memref<1x128xi32, #tpu.memory_space<hbm>> -> memref<128xi32, #tpu.memory_space<hbm>>
          tpu.wait_dma2 semaphore(%run_scoped3A_59 : memref<!tpu.dma_semaphore, #tpu.memory_space<semaphore_mem>>) src(%dma_wait3A_66 : memref<128xi32, #tpu.memory_space<hbm>>) dst(%arg14 : memref<128xi32, #tpu.memory_space<vmem>>)
          tpu.yield
        }) : () -> ()
        %dma_start3A = arith.constant 0 : i32
        %dma_start3A_54 = arith.constant 0 : i32
        %dma_start3A_55 = tpu.memref_slice %arg2[%dma_start3A, %dma_start3A_54] : memref<10000x128xf32, #tpu.memory_space<hbm>> -> memref<10000x128xf32, #tpu.memory_space<hbm>>
        tpu.enqueue_indirect_dma source(%dma_start3A_55 : memref<10000x128xf32, #tpu.memory_space<hbm>>) target(%arg15 : memref<128x128xf32, #tpu.memory_space<vmem>>) offsets(%arg13 : memref<128xi32, #tpu.memory_space<vmem>>) semaphore(%arg28 : memref<!tpu.dma_semaphore, #tpu.memory_space<semaphore_mem>>)
        %dma_start3A_56 = arith.constant 0 : i32
        %dma_start3A_57 = arith.constant 0 : i32
        %dma_start3A_58 = tpu.memref_slice %arg2[%dma_start3A_56, %dma_start3A_57] : memref<10000x128xf32, #tpu.memory_space<hbm>> -> memref<10000x128xf32, #tpu.memory_space<hbm>>
        tpu.enqueue_indirect_dma source(%dma_start3A_58 : memref<10000x128xf32, #tpu.memory_space<hbm>>) target(%arg16 : memref<128x128xf32, #tpu.memory_space<vmem>>) offsets(%arg14 : memref<128xi32, #tpu.memory_space<vmem>>) semaphore(%arg29 : memref<!tpu.dma_semaphore, #tpu.memory_space<semaphore_mem>>)
      } else {
      }
      %lt3A_44 = arith.constant 2500 : i32
      %lt3A_45 = arith.cmpi slt, %add3A_26, %lt3A_44 : i32
      %convert_element_type3A_46 = arith.extui %lt3A_45 : i1 to i32
      %cond3A_47 = arith.constant 0 : i32
      %cond3A_48 = arith.cmpi ne, %convert_element_type3A_46, %cond3A_47 : i32
      scf.if %cond3A_48 {
        %mul3A_49 = arith.constant 128 : i32
        %mul3A_50 = arith.muli %add3A_26, %mul3A_49 : i32
        %dma_wait3A = arith.constant 0 : i32
        %dma_wait3A_51 = arith.constant 0 : i32
        %dma_wait3A_52 = tpu.memref_slice %arg2[%dma_wait3A, %dma_wait3A_51] : memref<10000x128xf32, #tpu.memory_space<hbm>> -> memref<10000x128xf32, #tpu.memory_space<hbm>>
        tpu.wait_indirect_dma semaphore(%arg30 : memref<!tpu.dma_semaphore, #tpu.memory_space<semaphore_mem>>) src(%dma_wait3A_52 : memref<10000x128xf32, #tpu.memory_space<hbm>>) dst(%arg19 : memref<128x128xf32, #tpu.memory_space<vmem>>)
        %dma_wait3A_53 = arith.constant 0 : i32
        %dma_wait3A_54 = arith.constant 0 : i32
        %dma_wait3A_55 = tpu.memref_slice %arg2[%dma_wait3A_53, %dma_wait3A_54] : memref<10000x128xf32, #tpu.memory_space<hbm>> -> memref<10000x128xf32, #tpu.memory_space<hbm>>
        tpu.wait_indirect_dma semaphore(%arg31 : memref<!tpu.dma_semaphore, #tpu.memory_space<semaphore_mem>>) src(%dma_wait3A_55 : memref<10000x128xf32, #tpu.memory_space<hbm>>) dst(%arg20 : memref<128x128xf32, #tpu.memory_space<vmem>>)
        %scan3A_56 = arith.constant 0 : i32
        %scan3A_57 = arith.constant 128 : i32
        %scan3A_58 = arith.addi %scan3A_56, %scan3A_57 : i32
        %scan3A_59 = arith.constant 1 : i32
        scf.for %scan3A_71 = %scan3A_56 to %scan3A_58 step %scan3A_59  : i32 {
          %mul3A_72 = arith.constant 1 : i32
          %mul3A_73 = arith.muli %scan3A_71, %mul3A_72 : i32
          %add3A_74 = arith.constant 0 : i32
          %add3A_75 = arith.addi %add3A_74, %mul3A_73 : i32
          %get3A = arith.index_cast %add3A_75 : i32 to index
          %get3A_76 = arith.constant 0 : index
          %get3A_77 = tpu.vector_load %arg19[%get3A, %get3A_76] {strides = array<i32>} : memref<128x128xf32, #tpu.memory_space<vmem>>, vector<16xf32>,
          %get3A_78 = arith.index_cast %add3A_75 : i32 to index
          %get3A_79 = arith.constant 0 : index
          %get3A_80 = tpu.vector_load %arg20[%get3A_78, %get3A_79] {strides = array<i32>} : memref<128x128xf32, #tpu.memory_space<vmem>>, vector<16xf32>,
          %mul3A_81 = arith.mulf %get3A_77, %get3A_80 : vector<16xf32>
          %get3A_82 = arith.index_cast %add3A_75 : i32 to index
          %get3A_83 = arith.constant 16 : index
          %get3A_84 = tpu.vector_load %arg19[%get3A_82, %get3A_83] {strides = array<i32>} : memref<128x128xf32, #tpu.memory_space<vmem>>, vector<16xf32>,
          %get3A_85 = arith.index_cast %add3A_75 : i32 to index
          %get3A_86 = arith.constant 16 : index
          %get3A_87 = tpu.vector_load %arg20[%get3A_85, %get3A_86] {strides = array<i32>} : memref<128x128xf32, #tpu.memory_space<vmem>>, vector<16xf32>,
          %mul3A_88 = arith.mulf %get3A_84, %get3A_87 : vector<16xf32>
          %add3A_89 = arith.addf %mul3A_81, %mul3A_88 : vector<16xf32>
          %get3A_90 = arith.index_cast %add3A_75 : i32 to index
          %get3A_91 = arith.constant 32 : index
          %get3A_92 = tpu.vector_load %arg19[%get3A_90, %get3A_91] {strides = array<i32>} : memref<128x128xf32, #tpu.memory_space<vmem>>, vector<16xf32>,
          %get3A_93 = arith.index_cast %add3A_75 : i32 to index
          %get3A_94 = arith.constant 32 : index
          %get3A_95 = tpu.vector_load %arg20[%get3A_93, %get3A_94] {strides = array<i32>} : memref<128x128xf32, #tpu.memory_space<vmem>>, vector<16xf32>,
          %mul3A_96 = arith.mulf %get3A_92, %get3A_95 : vector<16xf32>
          %add3A_97 = arith.addf %add3A_89, %mul3A_96 : vector<16xf32>
          %get3A_98 = arith.index_cast %add3A_75 : i32 to index
          %get3A_99 = arith.constant 48 : index
          %get3A_100 = tpu.vector_load %arg19[%get3A_98, %get3A_99] {strides = array<i32>} : memref<128x128xf32, #tpu.memory_space<vmem>>, vector<16xf32>,
          %get3A_101 = arith.index_cast %add3A_75 : i32 to index
          %get3A_102 = arith.constant 48 : index
          %get3A_103 = tpu.vector_load %arg20[%get3A_101, %get3A_102] {strides = array<i32>} : memref<128x128xf32, #tpu.memory_space<vmem>>, vector<16xf32>,
          %mul3A_104 = arith.mulf %get3A_100, %get3A_103 : vector<16xf32>
          %add3A_105 = arith.addf %add3A_97, %mul3A_104 : vector<16xf32>
          %get3A_106 = arith.index_cast %add3A_75 : i32 to index
          %get3A_107 = arith.constant 64 : index
          %get3A_108 = tpu.vector_load %arg19[%get3A_106, %get3A_107] {strides = array<i32>} : memref<128x128xf32, #tpu.memory_space<vmem>>, vector<16xf32>,
          %get3A_109 = arith.index_cast %add3A_75 : i32 to index
          %get3A_110 = arith.constant 64 : index
          %get3A_111 = tpu.vector_load %arg20[%get3A_109, %get3A_110] {strides = array<i32>} : memref<128x128xf32, #tpu.memory_space<vmem>>, vector<16xf32>,
          %mul3A_112 = arith.mulf %get3A_108, %get3A_111 : vector<16xf32>
          %add3A_113 = arith.addf %add3A_105, %mul3A_112 : vector<16xf32>
          %get3A_114 = arith.index_cast %add3A_75 : i32 to index
          %get3A_115 = arith.constant 80 : index
          %get3A_116 = tpu.vector_load %arg19[%get3A_114, %get3A_115] {strides = array<i32>} : memref<128x128xf32, #tpu.memory_space<vmem>>, vector<16xf32>,
          %get3A_117 = arith.index_cast %add3A_75 : i32 to index
          %get3A_118 = arith.constant 80 : index
          %get3A_119 = tpu.vector_load %arg20[%get3A_117, %get3A_118] {strides = array<i32>} : memref<128x128xf32, #tpu.memory_space<vmem>>, vector<16xf32>,
          %mul3A_120 = arith.mulf %get3A_116, %get3A_119 : vector<16xf32>
          %add3A_121 = arith.addf %add3A_113, %mul3A_120 : vector<16xf32>
          %get3A_122 = arith.index_cast %add3A_75 : i32 to index
          %get3A_123 = arith.constant 96 : index
          %get3A_124 = tpu.vector_load %arg19[%get3A_122, %get3A_123] {strides = array<i32>} : memref<128x128xf32, #tpu.memory_space<vmem>>, vector<16xf32>,
          %get3A_125 = arith.index_cast %add3A_75 : i32 to index
          %get3A_126 = arith.constant 96 : index
          %get3A_127 = tpu.vector_load %arg20[%get3A_125, %get3A_126] {strides = array<i32>} : memref<128x128xf32, #tpu.memory_space<vmem>>, vector<16xf32>,
          %mul3A_128 = arith.mulf %get3A_124, %get3A_127 : vector<16xf32>
          %add3A_129 = arith.addf %add3A_121, %mul3A_128 : vector<16xf32>
          %get3A_130 = arith.index_cast %add3A_75 : i32 to index
          %get3A_131 = arith.constant 112 : index
          %get3A_132 = tpu.vector_load %arg19[%get3A_130, %get3A_131] {strides = array<i32>} : memref<128x128xf32, #tpu.memory_space<vmem>>, vector<16xf32>,
          %get3A_133 = arith.index_cast %add3A_75 : i32 to index
          %get3A_134 = arith.constant 112 : index
          %get3A_135 = tpu.vector_load %arg20[%get3A_133, %get3A_134] {strides = array<i32>} : memref<128x128xf32, #tpu.memory_space<vmem>>, vector<16xf32>,
          %mul3A_136 = arith.mulf %get3A_132, %get3A_135 : vector<16xf32>
          %add3A_137 = arith.addf %add3A_129, %mul3A_136 : vector<16xf32>
          %broadcast_in_dim3A_138 = arith.constant true
          %broadcast_in_dim3A_139 = vector.broadcast %broadcast_in_dim3A_138 : i1 to vector<16xi1>
          %masked_cumsum3A = tpu.scan <sum>, %add3A_137 masked %broadcast_in_dim3A_139 : vector<16xf32>, vector<16xi1> -> vector<16xf32>
          %broadcast_in_dim3A_140 = vector.broadcast %add3A_75 : i32 to vector<16xi32>
          tpu.vector_store_idx %arg22[%broadcast_in_dim3A_140], %masked_cumsum3A masked %eq3A_2 : memref<128xf32, #tpu.memory_space<vmem>>[vector<16xi32>], vector<16xf32>, vector<16xi1>
        }
        %scan3A_60 = arith.constant 128 : i32
        %scan3A_61 = arith.constant 0 : i32
        %scan3A_62 = arith.constant 8 : i32
        %scan3A_63 = arith.addi %scan3A_61, %scan3A_62 : i32
        %scan3A_64 = arith.constant 1 : i32
        scf.for %scan3A_71 = %scan3A_61 to %scan3A_63 step %scan3A_64  : i32 {
          %mul3A_72 = arith.constant 1 : i32
          %mul3A_73 = arith.muli %scan3A_71, %mul3A_72 : i32
          %add3A_74 = arith.constant 0 : i32
          %add3A_75 = arith.addi %add3A_74, %mul3A_73 : i32
          %mul3A_76 = arith.constant 16 : i32
          %mul3A_77 = arith.muli %add3A_75, %mul3A_76 : i32
          %get3A = arith.index_cast %mul3A_77 : i32 to index
          %get3A_78 = tpu.vector_load %arg17[%get3A] {strides = array<i32>} : memref<128xi32, #tpu.memory_space<vmem>>, vector<16xi32>,
          %mul3A_79 = arith.constant 16 : i32
          %mul3A_80 = arith.muli %add3A_75, %mul3A_79 : i32
          %get3A_81 = arith.index_cast %mul3A_80 : i32 to index
          %get3A_82 = tpu.vector_load %arg18[%get3A_81] {strides = array<i32>} : memref<128xi32, #tpu.memory_space<vmem>>, vector<16xi32>,
          %shift_right_logical3A = arith.constant 7 : i32
          %shift_right_logical3A_83 = vector.broadcast %shift_right_logical3A : i32 to vector<16xi32>
          %shift_right_logical3A_84 = arith.shrui %get3A_78, %shift_right_logical3A_83 : vector<16xi32>
          %and3A = arith.constant 127 : i32
          %and3A_85 = vector.broadcast %and3A : i32 to vector<16xi32>
          %and3A_86 = arith.andi %get3A_78, %and3A_85 : vector<16xi32>
          %shift_right_logical3A_87 = arith.constant 7 : i32
          %shift_right_logical3A_88 = vector.broadcast %shift_right_logical3A_87 : i32 to vector<16xi32>
          %shift_right_logical3A_89 = arith.shrui %get3A_82, %shift_right_logical3A_88 : vector<16xi32>
          %and3A_90 = arith.constant 127 : i32
          %and3A_91 = vector.broadcast %and3A_90 : i32 to vector<16xi32>
          %and3A_92 = arith.andi %get3A_82, %and3A_91 : vector<16xi32>
          %gather3A = tpu.vector_load_idx %arg23[%shift_right_logical3A_84, %and3A_86] : memref<80x128xf32, #tpu.memory_space<vmem>>[vector<16xi32>, vector<16xi32>], vector<16xf32>,
          %gather3A_93 = tpu.vector_load_idx %arg24[%shift_right_logical3A_89, %and3A_92] : memref<80x128xf32, #tpu.memory_space<vmem>>[vector<16xi32>, vector<16xi32>], vector<16xf32>,
          %add3A_94 = arith.addf %gather3A, %gather3A_93 : vector<16xf32>
          %mul3A_95 = arith.constant 0.00999999977 : f32
          %mul3A_96 = vector.broadcast %mul3A_95 : f32 to vector<16xf32>
          %mul3A_97 = arith.mulf %add3A_94, %mul3A_96 : vector<16xf32>
          %max3A = arith.maximumf %add3A_94, %mul3A_97 : vector<16xf32>
          %mul3A_98 = arith.constant 16 : i32
          %mul3A_99 = arith.muli %add3A_75, %mul3A_98 : i32
          %swap3A = arith.index_cast %mul3A_99 : i32 to index
          %swap3A_100 = tpu.vector_load %arg21[%swap3A] {strides = array<i32>} : memref<128xf32, #tpu.memory_space<vmem>>, vector<16xf32>,
          tpu.vector_store %arg21[%swap3A], %max3A {strides = array<i32>} : memref<128xf32, #tpu.memory_space<vmem>>, vector<16xf32>,
        }
        %scan3A_65 = arith.constant 8 : i32
        "tpu.region"() ({
          %run_scoped3A = tpu.sem_alloc : memref<!tpu.dma_semaphore, #tpu.memory_space<semaphore_mem>>
          %dma_start3A = tpu.memref_slice %arg8[%mul3A_50] : memref<320000xf32, #tpu.memory_space<hbm>> -> memref<128xf32, #tpu.memory_space<hbm>>
          %dma_start3A_71 = tpu.memref_slice %arg8[%mul3A_50] : memref<320000xf32, #tpu.memory_space<hbm>> -> memref<128xf32, #tpu.memory_space<hbm>>
          tpu.enqueue_dma source(%arg21 : memref<128xf32, #tpu.memory_space<vmem>>) target(%dma_start3A_71 : memref<128xf32, #tpu.memory_space<hbm>>) target_semaphore(%run_scoped3A : memref<!tpu.dma_semaphore, #tpu.memory_space<semaphore_mem>>)
          %dma_wait3A_72 = tpu.memref_slice %arg8[%mul3A_50] : memref<320000xf32, #tpu.memory_space<hbm>> -> memref<128xf32, #tpu.memory_space<hbm>>
          %dma_wait3A_73 = tpu.memref_slice %arg8[%mul3A_50] : memref<320000xf32, #tpu.memory_space<hbm>> -> memref<128xf32, #tpu.memory_space<hbm>>
          tpu.wait_dma2 semaphore(%run_scoped3A : memref<!tpu.dma_semaphore, #tpu.memory_space<semaphore_mem>>) src(%arg21 : memref<128xf32, #tpu.memory_space<vmem>>) dst(%dma_wait3A_73 : memref<128xf32, #tpu.memory_space<hbm>>)
          tpu.yield
        }) : () -> ()
        "tpu.region"() ({
          %run_scoped3A = tpu.sem_alloc : memref<!tpu.dma_semaphore, #tpu.memory_space<semaphore_mem>>
          %dma_start3A = tpu.memref_slice %arg9[%mul3A_50] : memref<320000xf32, #tpu.memory_space<hbm>> -> memref<128xf32, #tpu.memory_space<hbm>>
          %dma_start3A_71 = tpu.memref_slice %arg9[%mul3A_50] : memref<320000xf32, #tpu.memory_space<hbm>> -> memref<128xf32, #tpu.memory_space<hbm>>
          tpu.enqueue_dma source(%arg22 : memref<128xf32, #tpu.memory_space<vmem>>) target(%dma_start3A_71 : memref<128xf32, #tpu.memory_space<hbm>>) target_semaphore(%run_scoped3A : memref<!tpu.dma_semaphore, #tpu.memory_space<semaphore_mem>>)
          %dma_wait3A_72 = tpu.memref_slice %arg9[%mul3A_50] : memref<320000xf32, #tpu.memory_space<hbm>> -> memref<128xf32, #tpu.memory_space<hbm>>
          %dma_wait3A_73 = tpu.memref_slice %arg9[%mul3A_50] : memref<320000xf32, #tpu.memory_space<hbm>> -> memref<128xf32, #tpu.memory_space<hbm>>
          tpu.wait_dma2 semaphore(%run_scoped3A : memref<!tpu.dma_semaphore, #tpu.memory_space<semaphore_mem>>) src(%arg22 : memref<128xf32, #tpu.memory_space<vmem>>) dst(%dma_wait3A_73 : memref<128xf32, #tpu.memory_space<hbm>>)
          tpu.yield
        }) : () -> ()
        %scan3A_66 = arith.constant 0 : i32
        %scan3A_67 = arith.constant 8 : i32
        %scan3A_68 = arith.addi %scan3A_66, %scan3A_67 : i32
        %scan3A_69 = arith.constant 1 : i32
        scf.for %scan3A_71 = %scan3A_66 to %scan3A_68 step %scan3A_69  : i32 {
          %mul3A_72 = arith.constant 1 : i32
          %mul3A_73 = arith.muli %scan3A_71, %mul3A_72 : i32
          %add3A_74 = arith.constant 0 : i32
          %add3A_75 = arith.addi %add3A_74, %mul3A_73 : i32
          %mul3A_76 = arith.constant 16 : i32
          %mul3A_77 = arith.muli %add3A_75, %mul3A_76 : i32
          %get3A = arith.index_cast %mul3A_77 : i32 to index
          %get3A_78 = tpu.vector_load %arg18[%get3A] {strides = array<i32>} : memref<128xi32, #tpu.memory_space<vmem>>, vector<16xi32>,
          %masked_sort3A = arith.constant dense<true> : vector<16xi1>
          %masked_sort3A_79 = arith.constant -2147483648 : i32
          %masked_sort3A_80 = vector.broadcast %masked_sort3A_79 : i32 to vector<16xi32>
          %masked_sort3A_81 = arith.xori %get3A_78, %masked_sort3A_80 : vector<16xi32>
          %masked_sort3A_82, %masked_sort3A_83, %masked_sort3A_84 = tpu.sort %masked_sort3A_81, %iota3A masked %masked_sort3A : (vector<16xi32>, vector<16xi32>, vector<16xi1>) -> (vector<16xi1>, vector<16xi32>, vector<16xi32>)
          %masked_sort3A_85 = arith.xori %masked_sort3A_83, %masked_sort3A_80 : vector<16xi32>
          %mul3A_86 = arith.constant 16 : i32
          %mul3A_87 = arith.muli %add3A_75, %mul3A_86 : i32
          %get3A_88 = arith.index_cast %mul3A_87 : i32 to index
          %get3A_89 = tpu.vector_load %arg22[%get3A_88] {strides = array<i32>} : memref<128xf32, #tpu.memory_space<vmem>>, vector<16xf32>,
          %broadcast_in_dim3A_90 = vector.shape_cast %masked_sort3A_84 : vector<16xi32> to vector<16x1xi32>
          %gather3A = vector.shape_cast %broadcast_in_dim3A_90 : vector<16x1xi32> to vector<16xi32>
          %gather3A_91 = tpu.dynamic_gather %get3A_89[%gather3A] in [0] : vector<16xf32>, vector<16xi32> -> vector<16xf32>
          %mul3A_92 = arith.constant 16 : i32
          %mul3A_93 = arith.muli %add3A_75, %mul3A_92 : i32
          %get3A_94 = arith.index_cast %mul3A_93 : i32 to index
          %get3A_95 = tpu.vector_load %arg21[%get3A_94] {strides = array<i32>} : memref<128xf32, #tpu.memory_space<vmem>>, vector<16xf32>,
          %broadcast_in_dim3A_96 = vector.shape_cast %masked_sort3A_84 : vector<16xi32> to vector<16x1xi32>
          %gather3A_97 = vector.shape_cast %broadcast_in_dim3A_96 : vector<16x1xi32> to vector<16xi32>
          %gather3A_98 = tpu.dynamic_gather %get3A_95[%gather3A_97] in [0] : vector<16xf32>, vector<16xi32> -> vector<16xf32>
          %broadcast_in_dim3A_99 = vector.shape_cast %min3A_7 : vector<16xi32> to vector<16x1xi32>
          %gather3A_100 = vector.shape_cast %broadcast_in_dim3A_99 : vector<16x1xi32> to vector<16xi32>
          %gather3A_101 = tpu.dynamic_gather %masked_sort3A_85[%gather3A_100] in [0] : vector<16xi32>, vector<16xi32> -> vector<16xi32>
          %ne3A = arith.cmpi ne, %gather3A_101, %masked_sort3A_85 : vector<16xi32>
          %or3A = arith.ori %ne3A, %eq3A_2 : vector<16xi1>
          %exp3A = math.exp %gather3A_98 : vector<16xf32>
          %sub3A = arith.constant 1 : i32
          %sub3A_102 = vector.broadcast %sub3A : i32 to vector<16xi32>
          %sub3A_103 = arith.subi %iota3A, %sub3A_102 : vector<16xi32>
          %max3A = arith.constant 0 : i32
          %max3A_104 = vector.broadcast %max3A : i32 to vector<16xi32>
          %max3A_105 = arith.maxsi %sub3A_103, %max3A_104 : vector<16xi32>
          %broadcast_in_dim3A_106 = vector.shape_cast %max3A_105 : vector<16xi32> to vector<16x1xi32>
          %gather3A_107 = vector.shape_cast %broadcast_in_dim3A_106 : vector<16x1xi32> to vector<16xi32>
          %gather3A_108 = tpu.dynamic_gather %masked_sort3A_85[%gather3A_107] in [0] : vector<16xi32>, vector<16xi32> -> vector<16xi32>
          %eq3A_109 = arith.cmpi eq, %gather3A_108, %masked_sort3A_85 : vector<16xi32>
          %ge3A = arith.constant 1 : i32
          %ge3A_110 = vector.broadcast %ge3A : i32 to vector<16xi32>
          %ge3A_111 = arith.cmpi sge, %iota3A, %ge3A_110 : vector<16xi32>
          %and3A = arith.andi %eq3A_109, %ge3A_111 : vector<16xi1>
          %broadcast_in_dim3A_112 = vector.shape_cast %max3A_105 : vector<16xi32> to vector<16x1xi32>
          %gather3A_113 = vector.shape_cast %broadcast_in_dim3A_112 : vector<16x1xi32> to vector<16xi32>
          %gather3A_114 = tpu.dynamic_gather %exp3A[%gather3A_113] in [0] : vector<16xf32>, vector<16xi32> -> vector<16xf32>
          %jit3A = arith.constant 0.000000e+00 : f32
          %broadcast_in_dim3A_115 = vector.broadcast %jit3A : f32 to vector<16xf32>
          %select_n3A = arith.select %and3A, %gather3A_114, %broadcast_in_dim3A_115 : vector<16xi1>, vector<16xf32>
          %add3A_116 = arith.addf %exp3A, %select_n3A : vector<16xf32>
          %broadcast_in_dim3A_117 = vector.shape_cast %max3A_105 : vector<16xi32> to vector<16x1xi32>
          %gather3A_118 = vector.shape_cast %broadcast_in_dim3A_117 : vector<16x1xi32> to vector<16xi32>
          %gather3A_119 = tpu.dynamic_gather %gather3A_91[%gather3A_118] in [0] : vector<16xf32>, vector<16xi32> -> vector<16xf32>
          %broadcast_in_dim3A_120 = vector.shape_cast %max3A_105 : vector<16xi32> to vector<16x1xi32>
          %gather3A_121 = vector.shape_cast %broadcast_in_dim3A_120 : vector<16x1xi32> to vector<16xi32>
          %gather3A_122 = tpu.dynamic_gather %broadcast_in_dim3A_8[%gather3A_121] in [0] : vector<16xf32>, vector<16xi32> -> vector<16xf32>
          %max3A_123 = arith.maximumf %gather3A_91, %gather3A_119 : vector<16xf32>
          %sub3A_124 = arith.subf %gather3A_91, %max3A_123 : vector<16xf32>
          %exp3A_125 = math.exp %sub3A_124 : vector<16xf32>
          %mul3A_126 = arith.mulf %broadcast_in_dim3A_8, %exp3A_125 : vector<16xf32>
          %sub3A_127 = arith.subf %gather3A_119, %max3A_123 : vector<16xf32>
          %exp3A_128 = math.exp %sub3A_127 : vector<16xf32>
          %mul3A_129 = arith.mulf %gather3A_122, %exp3A_128 : vector<16xf32>
          %add3A_130 = arith.addf %mul3A_126, %mul3A_129 : vector<16xf32>
          %select_n3A_131 = arith.select %and3A, %max3A_123, %gather3A_91 : vector<16xi1>, vector<16xf32>
          %select_n3A_132 = arith.select %and3A, %add3A_130, %broadcast_in_dim3A_8 : vector<16xi1>, vector<16xf32>
          %sub3A_133 = arith.constant 2 : i32
          %sub3A_134 = vector.broadcast %sub3A_133 : i32 to vector<16xi32>
          %sub3A_135 = arith.subi %iota3A, %sub3A_134 : vector<16xi32>
          %max3A_136 = arith.constant 0 : i32
          %max3A_137 = vector.broadcast %max3A_136 : i32 to vector<16xi32>
          %max3A_138 = arith.maxsi %sub3A_135, %max3A_137 : vector<16xi32>
          %broadcast_in_dim3A_139 = vector.shape_cast %max3A_138 : vector<16xi32> to vector<16x1xi32>
          %gather3A_140 = vector.shape_cast %broadcast_in_dim3A_139 : vector<16x1xi32> to vector<16xi32>
          %gather3A_141 = tpu.dynamic_gather %masked_sort3A_85[%gather3A_140] in [0] : vector<16xi32>, vector<16xi32> -> vector<16xi32>
          %eq3A_142 = arith.cmpi eq, %gather3A_141, %masked_sort3A_85 : vector<16xi32>
          %ge3A_143 = arith.constant 2 : i32
          %ge3A_144 = vector.broadcast %ge3A_143 : i32 to vector<16xi32>
          %ge3A_145 = arith.cmpi sge, %iota3A, %ge3A_144 : vector<16xi32>
          %and3A_146 = arith.andi %eq3A_142, %ge3A_145 : vector<16xi1>
          %broadcast_in_dim3A_147 = vector.shape_cast %max3A_138 : vector<16xi32> to vector<16x1xi32>
          %gather3A_148 = vector.shape_cast %broadcast_in_dim3A_147 : vector<16x1xi32> to vector<16xi32>
          %gather3A_149 = tpu.dynamic_gather %add3A_116[%gather3A_148] in [0] : vector<16xf32>, vector<16xi32> -> vector<16xf32>
          %jit3A_150 = arith.constant 0.000000e+00 : f32
          %broadcast_in_dim3A_151 = vector.broadcast %jit3A_150 : f32 to vector<16xf32>
          %select_n3A_152 = arith.select %and3A_146, %gather3A_149, %broadcast_in_dim3A_151 : vector<16xi1>, vector<16xf32>
          %add3A_153 = arith.addf %add3A_116, %select_n3A_152 : vector<16xf32>
          %broadcast_in_dim3A_154 = vector.shape_cast %max3A_138 : vector<16xi32> to vector<16x1xi32>
          %gather3A_155 = vector.shape_cast %broadcast_in_dim3A_154 : vector<16x1xi32> to vector<16xi32>
          %gather3A_156 = tpu.dynamic_gather %select_n3A_131[%gather3A_155] in [0] : vector<16xf32>, vector<16xi32> -> vector<16xf32>
          %broadcast_in_dim3A_157 = vector.shape_cast %max3A_138 : vector<16xi32> to vector<16x1xi32>
          %gather3A_158 = vector.shape_cast %broadcast_in_dim3A_157 : vector<16x1xi32> to vector<16xi32>
          %gather3A_159 = tpu.dynamic_gather %select_n3A_132[%gather3A_158] in [0] : vector<16xf32>, vector<16xi32> -> vector<16xf32>
          %max3A_160 = arith.maximumf %select_n3A_131, %gather3A_156 : vector<16xf32>
          %sub3A_161 = arith.subf %select_n3A_131, %max3A_160 : vector<16xf32>
          %exp3A_162 = math.exp %sub3A_161 : vector<16xf32>
          %mul3A_163 = arith.mulf %select_n3A_132, %exp3A_162 : vector<16xf32>
          %sub3A_164 = arith.subf %gather3A_156, %max3A_160 : vector<16xf32>
          %exp3A_165 = math.exp %sub3A_164 : vector<16xf32>
          %mul3A_166 = arith.mulf %gather3A_159, %exp3A_165 : vector<16xf32>
          %add3A_167 = arith.addf %mul3A_163, %mul3A_166 : vector<16xf32>
          %select_n3A_168 = arith.select %and3A_146, %max3A_160, %select_n3A_131 : vector<16xi1>, vector<16xf32>
          %select_n3A_169 = arith.select %and3A_146, %add3A_167, %select_n3A_132 : vector<16xi1>, vector<16xf32>
          %sub3A_170 = arith.constant 4 : i32
          %sub3A_171 = vector.broadcast %sub3A_170 : i32 to vector<16xi32>
          %sub3A_172 = arith.subi %iota3A, %sub3A_171 : vector<16xi32>
          %max3A_173 = arith.constant 0 : i32
          %max3A_174 = vector.broadcast %max3A_173 : i32 to vector<16xi32>
          %max3A_175 = arith.maxsi %sub3A_172, %max3A_174 : vector<16xi32>
          %broadcast_in_dim3A_176 = vector.shape_cast %max3A_175 : vector<16xi32> to vector<16x1xi32>
          %gather3A_177 = vector.shape_cast %broadcast_in_dim3A_176 : vector<16x1xi32> to vector<16xi32>
          %gather3A_178 = tpu.dynamic_gather %masked_sort3A_85[%gather3A_177] in [0] : vector<16xi32>, vector<16xi32> -> vector<16xi32>
          %eq3A_179 = arith.cmpi eq, %gather3A_178, %masked_sort3A_85 : vector<16xi32>
          %ge3A_180 = arith.constant 4 : i32
          %ge3A_181 = vector.broadcast %ge3A_180 : i32 to vector<16xi32>
          %ge3A_182 = arith.cmpi sge, %iota3A, %ge3A_181 : vector<16xi32>
          %and3A_183 = arith.andi %eq3A_179, %ge3A_182 : vector<16xi1>
          %broadcast_in_dim3A_184 = vector.shape_cast %max3A_175 : vector<16xi32> to vector<16x1xi32>
          %gather3A_185 = vector.shape_cast %broadcast_in_dim3A_184 : vector<16x1xi32> to vector<16xi32>
          %gather3A_186 = tpu.dynamic_gather %add3A_153[%gather3A_185] in [0] : vector<16xf32>, vector<16xi32> -> vector<16xf32>
          %jit3A_187 = arith.constant 0.000000e+00 : f32
          %broadcast_in_dim3A_188 = vector.broadcast %jit3A_187 : f32 to vector<16xf32>
          %select_n3A_189 = arith.select %and3A_183, %gather3A_186, %broadcast_in_dim3A_188 : vector<16xi1>, vector<16xf32>
          %add3A_190 = arith.addf %add3A_153, %select_n3A_189 : vector<16xf32>
          %broadcast_in_dim3A_191 = vector.shape_cast %max3A_175 : vector<16xi32> to vector<16x1xi32>
          %gather3A_192 = vector.shape_cast %broadcast_in_dim3A_191 : vector<16x1xi32> to vector<16xi32>
          %gather3A_193 = tpu.dynamic_gather %select_n3A_168[%gather3A_192] in [0] : vector<16xf32>, vector<16xi32> -> vector<16xf32>
          %broadcast_in_dim3A_194 = vector.shape_cast %max3A_175 : vector<16xi32> to vector<16x1xi32>
          %gather3A_195 = vector.shape_cast %broadcast_in_dim3A_194 : vector<16x1xi32> to vector<16xi32>
          %gather3A_196 = tpu.dynamic_gather %select_n3A_169[%gather3A_195] in [0] : vector<16xf32>, vector<16xi32> -> vector<16xf32>
          %max3A_197 = arith.maximumf %select_n3A_168, %gather3A_193 : vector<16xf32>
          %sub3A_198 = arith.subf %select_n3A_168, %max3A_197 : vector<16xf32>
          %exp3A_199 = math.exp %sub3A_198 : vector<16xf32>
          %mul3A_200 = arith.mulf %select_n3A_169, %exp3A_199 : vector<16xf32>
          %sub3A_201 = arith.subf %gather3A_193, %max3A_197 : vector<16xf32>
          %exp3A_202 = math.exp %sub3A_201 : vector<16xf32>
          %mul3A_203 = arith.mulf %gather3A_196, %exp3A_202 : vector<16xf32>
          %add3A_204 = arith.addf %mul3A_200, %mul3A_203 : vector<16xf32>
          %select_n3A_205 = arith.select %and3A_183, %max3A_197, %select_n3A_168 : vector<16xi1>, vector<16xf32>
          %select_n3A_206 = arith.select %and3A_183, %add3A_204, %select_n3A_169 : vector<16xi1>, vector<16xf32>
          %sub3A_207 = arith.constant 8 : i32
          %sub3A_208 = vector.broadcast %sub3A_207 : i32 to vector<16xi32>
          %sub3A_209 = arith.subi %iota3A, %sub3A_208 : vector<16xi32>
          %max3A_210 = arith.constant 0 : i32
          %max3A_211 = vector.broadcast %max3A_210 : i32 to vector<16xi32>
          %max3A_212 = arith.maxsi %sub3A_209, %max3A_211 : vector<16xi32>
          %broadcast_in_dim3A_213 = vector.shape_cast %max3A_212 : vector<16xi32> to vector<16x1xi32>
          %gather3A_214 = vector.shape_cast %broadcast_in_dim3A_213 : vector<16x1xi32> to vector<16xi32>
          %gather3A_215 = tpu.dynamic_gather %masked_sort3A_85[%gather3A_214] in [0] : vector<16xi32>, vector<16xi32> -> vector<16xi32>
          %eq3A_216 = arith.cmpi eq, %gather3A_215, %masked_sort3A_85 : vector<16xi32>
          %ge3A_217 = arith.constant 8 : i32
          %ge3A_218 = vector.broadcast %ge3A_217 : i32 to vector<16xi32>
          %ge3A_219 = arith.cmpi sge, %iota3A, %ge3A_218 : vector<16xi32>
          %and3A_220 = arith.andi %eq3A_216, %ge3A_219 : vector<16xi1>
          %broadcast_in_dim3A_221 = vector.shape_cast %max3A_212 : vector<16xi32> to vector<16x1xi32>
          %gather3A_222 = vector.shape_cast %broadcast_in_dim3A_221 : vector<16x1xi32> to vector<16xi32>
          %gather3A_223 = tpu.dynamic_gather %add3A_190[%gather3A_222] in [0] : vector<16xf32>, vector<16xi32> -> vector<16xf32>
          %jit3A_224 = arith.constant 0.000000e+00 : f32
          %broadcast_in_dim3A_225 = vector.broadcast %jit3A_224 : f32 to vector<16xf32>
          %select_n3A_226 = arith.select %and3A_220, %gather3A_223, %broadcast_in_dim3A_225 : vector<16xi1>, vector<16xf32>
          %add3A_227 = arith.addf %add3A_190, %select_n3A_226 : vector<16xf32>
          %broadcast_in_dim3A_228 = vector.shape_cast %max3A_212 : vector<16xi32> to vector<16x1xi32>
          %gather3A_229 = vector.shape_cast %broadcast_in_dim3A_228 : vector<16x1xi32> to vector<16xi32>
          %gather3A_230 = tpu.dynamic_gather %select_n3A_205[%gather3A_229] in [0] : vector<16xf32>, vector<16xi32> -> vector<16xf32>
          %broadcast_in_dim3A_231 = vector.shape_cast %max3A_212 : vector<16xi32> to vector<16x1xi32>
          %gather3A_232 = vector.shape_cast %broadcast_in_dim3A_231 : vector<16x1xi32> to vector<16xi32>
          %gather3A_233 = tpu.dynamic_gather %select_n3A_206[%gather3A_232] in [0] : vector<16xf32>, vector<16xi32> -> vector<16xf32>
          %max3A_234 = arith.maximumf %select_n3A_205, %gather3A_230 : vector<16xf32>
          %sub3A_235 = arith.subf %select_n3A_205, %max3A_234 : vector<16xf32>
          %exp3A_236 = math.exp %sub3A_235 : vector<16xf32>
          %mul3A_237 = arith.mulf %select_n3A_206, %exp3A_236 : vector<16xf32>
          %sub3A_238 = arith.subf %gather3A_230, %max3A_234 : vector<16xf32>
          %exp3A_239 = math.exp %sub3A_238 : vector<16xf32>
          %mul3A_240 = arith.mulf %gather3A_233, %exp3A_239 : vector<16xf32>
          %add3A_241 = arith.addf %mul3A_237, %mul3A_240 : vector<16xf32>
          %select_n3A_242 = arith.select %and3A_220, %max3A_234, %select_n3A_205 : vector<16xi1>, vector<16xf32>
          %select_n3A_243 = arith.select %and3A_220, %add3A_241, %select_n3A_206 : vector<16xi1>, vector<16xf32>
          %shift_right_logical3A = arith.constant 7 : i32
          %shift_right_logical3A_244 = vector.broadcast %shift_right_logical3A : i32 to vector<16xi32>
          %shift_right_logical3A_245 = arith.shrui %masked_sort3A_85, %shift_right_logical3A_244 : vector<16xi32>
          %and3A_246 = arith.constant 127 : i32
          %and3A_247 = vector.broadcast %and3A_246 : i32 to vector<16xi32>
          %and3A_248 = arith.andi %masked_sort3A_85, %and3A_247 : vector<16xi32>
          %gather3A_249 = tpu.vector_load_idx %arg27[%shift_right_logical3A_245, %and3A_248] : memref<80x128xf32, #tpu.memory_space<vmem>>[vector<16xi32>, vector<16xi32>], vector<16xf32>,
          %add3A_250 = arith.addf %gather3A_249, %add3A_227 : vector<16xf32>
          tpu.vector_store_idx %arg27[%shift_right_logical3A_245, %and3A_248], %add3A_250 masked %or3A : memref<80x128xf32, #tpu.memory_space<vmem>>[vector<16xi32>, vector<16xi32>], vector<16xf32>, vector<16xi1>
          %gather3A_251 = tpu.vector_load_idx %arg25[%shift_right_logical3A_245, %and3A_248] : memref<80x128xf32, #tpu.memory_space<vmem>>[vector<16xi32>, vector<16xi32>], vector<16xf32>,
          %gather3A_252 = tpu.vector_load_idx %arg26[%shift_right_logical3A_245, %and3A_248] : memref<80x128xf32, #tpu.memory_space<vmem>>[vector<16xi32>, vector<16xi32>], vector<16xf32>,
          %max3A_253 = arith.maximumf %gather3A_251, %select_n3A_242 : vector<16xf32>
          %sub3A_254 = arith.subf %gather3A_251, %max3A_253 : vector<16xf32>
          %exp3A_255 = math.exp %sub3A_254 : vector<16xf32>
          %mul3A_256 = arith.mulf %gather3A_252, %exp3A_255 : vector<16xf32>
          %sub3A_257 = arith.subf %select_n3A_242, %max3A_253 : vector<16xf32>
          %exp3A_258 = math.exp %sub3A_257 : vector<16xf32>
          %mul3A_259 = arith.mulf %select_n3A_243, %exp3A_258 : vector<16xf32>
          %add3A_260 = arith.addf %mul3A_256, %mul3A_259 : vector<16xf32>
          tpu.vector_store_idx %arg25[%shift_right_logical3A_245, %and3A_248], %max3A_253 masked %or3A : memref<80x128xf32, #tpu.memory_space<vmem>>[vector<16xi32>, vector<16xi32>], vector<16xf32>, vector<16xi1>
          tpu.vector_store_idx %arg26[%shift_right_logical3A_245, %and3A_248], %add3A_260 masked %or3A : memref<80x128xf32, #tpu.memory_space<vmem>>[vector<16xi32>, vector<16xi32>], vector<16xf32>, vector<16xi1>
        }
        %scan3A_70 = arith.constant 8 : i32
      } else {
      }
    }
    %scan3A_14 = arith.constant 40 : i32
    "tpu.region"() ({
      %run_scoped3A = tpu.sem_alloc : memref<!tpu.dma_semaphore, #tpu.memory_space<semaphore_mem>>
      %dma_start3A = arith.constant 0 : i32
      %dma_start3A_15 = arith.constant 0 : i32
      %dma_start3A_16 = tpu.memref_slice %arg10[%add3A, %dma_start3A, %dma_start3A_15] : memref<32x80x128xf32, #tpu.memory_space<hbm>> -> memref<1x80x128xf32, #tpu.memory_space<hbm>>
      %dma_start3A_17 = tpu.memref_squeeze %dma_start3A_16 : memref<1x80x128xf32, #tpu.memory_space<hbm>> -> memref<80x128xf32, #tpu.memory_space<hbm>>
      %dma_start3A_18 = arith.constant 0 : i32
      %dma_start3A_19 = arith.constant 0 : i32
      %dma_start3A_20 = tpu.memref_slice %arg10[%add3A, %dma_start3A_18, %dma_start3A_19] : memref<32x80x128xf32, #tpu.memory_space<hbm>> -> memref<1x80x128xf32, #tpu.memory_space<hbm>>
      %dma_start3A_21 = tpu.memref_squeeze %dma_start3A_20 : memref<1x80x128xf32, #tpu.memory_space<hbm>> -> memref<80x128xf32, #tpu.memory_space<hbm>>
      tpu.enqueue_dma source(%arg25 : memref<80x128xf32, #tpu.memory_space<vmem>>) target(%dma_start3A_21 : memref<80x128xf32, #tpu.memory_space<hbm>>) target_semaphore(%run_scoped3A : memref<!tpu.dma_semaphore, #tpu.memory_space<semaphore_mem>>)
      %dma_wait3A = arith.constant 0 : i32
      %dma_wait3A_22 = arith.constant 0 : i32
      %dma_wait3A_23 = tpu.memref_slice %arg10[%add3A, %dma_wait3A, %dma_wait3A_22] : memref<32x80x128xf32, #tpu.memory_space<hbm>> -> memref<1x80x128xf32, #tpu.memory_space<hbm>>
      %dma_wait3A_24 = tpu.memref_squeeze %dma_wait3A_23 : memref<1x80x128xf32, #tpu.memory_space<hbm>> -> memref<80x128xf32, #tpu.memory_space<hbm>>
      %dma_wait3A_25 = arith.constant 0 : i32
      %dma_wait3A_26 = arith.constant 0 : i32
      %dma_wait3A_27 = tpu.memref_slice %arg10[%add3A, %dma_wait3A_25, %dma_wait3A_26] : memref<32x80x128xf32, #tpu.memory_space<hbm>> -> memref<1x80x128xf32, #tpu.memory_space<hbm>>
      %dma_wait3A_28 = tpu.memref_squeeze %dma_wait3A_27 : memref<1x80x128xf32, #tpu.memory_space<hbm>> -> memref<80x128xf32, #tpu.memory_space<hbm>>
      tpu.wait_dma2 semaphore(%run_scoped3A : memref<!tpu.dma_semaphore, #tpu.memory_space<semaphore_mem>>) src(%arg25 : memref<80x128xf32, #tpu.memory_space<vmem>>) dst(%dma_wait3A_28 : memref<80x128xf32, #tpu.memory_space<hbm>>)
      tpu.yield
    }) : () -> ()
    "tpu.region"() ({
      %run_scoped3A = tpu.sem_alloc : memref<!tpu.dma_semaphore, #tpu.memory_space<semaphore_mem>>
      %dma_start3A = arith.constant 0 : i32
      %dma_start3A_15 = arith.constant 0 : i32
      %dma_start3A_16 = tpu.memref_slice %arg11[%add3A, %dma_start3A, %dma_start3A_15] : memref<32x80x128xf32, #tpu.memory_space<hbm>> -> memref<1x80x128xf32, #tpu.memory_space<hbm>>
      %dma_start3A_17 = tpu.memref_squeeze %dma_start3A_16 : memref<1x80x128xf32, #tpu.memory_space<hbm>> -> memref<80x128xf32, #tpu.memory_space<hbm>>
      %dma_start3A_18 = arith.constant 0 : i32
      %dma_start3A_19 = arith.constant 0 : i32
      %dma_start3A_20 = tpu.memref_slice %arg11[%add3A, %dma_start3A_18, %dma_start3A_19] : memref<32x80x128xf32, #tpu.memory_space<hbm>> -> memref<1x80x128xf32, #tpu.memory_space<hbm>>
      %dma_start3A_21 = tpu.memref_squeeze %dma_start3A_20 : memref<1x80x128xf32, #tpu.memory_space<hbm>> -> memref<80x128xf32, #tpu.memory_space<hbm>>
      tpu.enqueue_dma source(%arg26 : memref<80x128xf32, #tpu.memory_space<vmem>>) target(%dma_start3A_21 : memref<80x128xf32, #tpu.memory_space<hbm>>) target_semaphore(%run_scoped3A : memref<!tpu.dma_semaphore, #tpu.memory_space<semaphore_mem>>)
      %dma_wait3A = arith.constant 0 : i32
      %dma_wait3A_22 = arith.constant 0 : i32
      %dma_wait3A_23 = tpu.memref_slice %arg11[%add3A, %dma_wait3A, %dma_wait3A_22] : memref<32x80x128xf32, #tpu.memory_space<hbm>> -> memref<1x80x128xf32, #tpu.memory_space<hbm>>
      %dma_wait3A_24 = tpu.memref_squeeze %dma_wait3A_23 : memref<1x80x128xf32, #tpu.memory_space<hbm>> -> memref<80x128xf32, #tpu.memory_space<hbm>>
      %dma_wait3A_25 = arith.constant 0 : i32
      %dma_wait3A_26 = arith.constant 0 : i32
      %dma_wait3A_27 = tpu.memref_slice %arg11[%add3A, %dma_wait3A_25, %dma_wait3A_26] : memref<32x80x128xf32, #tpu.memory_space<hbm>> -> memref<1x80x128xf32, #tpu.memory_space<hbm>>
      %dma_wait3A_28 = tpu.memref_squeeze %dma_wait3A_27 : memref<1x80x128xf32, #tpu.memory_space<hbm>> -> memref<80x128xf32, #tpu.memory_space<hbm>>
      tpu.wait_dma2 semaphore(%run_scoped3A : memref<!tpu.dma_semaphore, #tpu.memory_space<semaphore_mem>>) src(%arg26 : memref<80x128xf32, #tpu.memory_space<vmem>>) dst(%dma_wait3A_28 : memref<80x128xf32, #tpu.memory_space<hbm>>)
      tpu.yield
    }) : () -> ()
    "tpu.region"() ({
      %run_scoped3A = tpu.sem_alloc : memref<!tpu.dma_semaphore, #tpu.memory_space<semaphore_mem>>
      %dma_start3A = arith.constant 0 : i32
      %dma_start3A_15 = arith.constant 0 : i32
      %dma_start3A_16 = tpu.memref_slice %arg12[%add3A, %dma_start3A, %dma_start3A_15] : memref<32x80x128xf32, #tpu.memory_space<hbm>> -> memref<1x80x128xf32, #tpu.memory_space<hbm>>
      %dma_start3A_17 = tpu.memref_squeeze %dma_start3A_16 : memref<1x80x128xf32, #tpu.memory_space<hbm>> -> memref<80x128xf32, #tpu.memory_space<hbm>>
      %dma_start3A_18 = arith.constant 0 : i32
      %dma_start3A_19 = arith.constant 0 : i32
      %dma_start3A_20 = tpu.memref_slice %arg12[%add3A, %dma_start3A_18, %dma_start3A_19] : memref<32x80x128xf32, #tpu.memory_space<hbm>> -> memref<1x80x128xf32, #tpu.memory_space<hbm>>
      %dma_start3A_21 = tpu.memref_squeeze %dma_start3A_20 : memref<1x80x128xf32, #tpu.memory_space<hbm>> -> memref<80x128xf32, #tpu.memory_space<hbm>>
      tpu.enqueue_dma source(%arg27 : memref<80x128xf32, #tpu.memory_space<vmem>>) target(%dma_start3A_21 : memref<80x128xf32, #tpu.memory_space<hbm>>) target_semaphore(%run_scoped3A : memref<!tpu.dma_semaphore, #tpu.memory_space<semaphore_mem>>)
      %dma_wait3A = arith.constant 0 : i32
      %dma_wait3A_22 = arith.constant 0 : i32
      %dma_wait3A_23 = tpu.memref_slice %arg12[%add3A, %dma_wait3A, %dma_wait3A_22] : memref<32x80x128xf32, #tpu.memory_space<hbm>> -> memref<1x80x128xf32, #tpu.memory_space<hbm>>
      %dma_wait3A_24 = tpu.memref_squeeze %dma_wait3A_23 : memref<1x80x128xf32, #tpu.memory_space<hbm>> -> memref<80x128xf32, #tpu.memory_space<hbm>>
      %dma_wait3A_25 = arith.constant 0 : i32
      %dma_wait3A_26 = arith.constant 0 : i32
      %dma_wait3A_27 = tpu.memref_slice %arg12[%add3A, %dma_wait3A_25, %dma_wait3A_26] : memref<32x80x128xf32, #tpu.memory_space<hbm>> -> memref<1x80x128xf32, #tpu.memory_space<hbm>>
      %dma_wait3A_28 = tpu.memref_squeeze %dma_wait3A_27 : memref<1x80x128xf32, #tpu.memory_space<hbm>> -> memref<80x128xf32, #tpu.memory_space<hbm>>
      tpu.wait_dma2 semaphore(%run_scoped3A : memref<!tpu.dma_semaphore, #tpu.memory_space<semaphore_mem>>) src(%arg27 : memref<80x128xf32, #tpu.memory_space<vmem>>) dst(%dma_wait3A_28 : memref<80x128xf32, #tpu.memory_space<hbm>>)
      tpu.yield
    }) : () -> ()
    return
  }
}

#map = affine_map<(d0, d1) -> (0, 0)>
#map1 = affine_map<(d0, d1) -> (0)>
#map2 = affine_map<(d0, d1) -> (0, 0, 0)>
module attributes {stable_mosaic.version = 14 : i64} {
  func.func @_pass_c(%arg0: i32, %arg1: i32, %arg2: memref<10000x128xf32, #tpu.memory_space<hbm>>, %arg3: memref<2x320000xi32, #tpu.memory_space<hbm>>, %arg4: memref<320000xf32, #tpu.memory_space<hbm>>, %arg5: memref<16x128xf32, #tpu.memory_space<hbm>>, %arg6: memref<2x10000x128xf32, #tpu.memory_space<hbm>>, %arg7: memref<128xi32, #tpu.memory_space<vmem>>, %arg8: memref<128xi32, #tpu.memory_space<vmem>>, %arg9: memref<128x128xf32, #tpu.memory_space<vmem>>, %arg10: memref<128xf32, #tpu.memory_space<vmem>>, %arg11: memref<128xi32, #tpu.memory_space<vmem>>, %arg12: memref<128xi32, #tpu.memory_space<vmem>>, %arg13: memref<128x128xf32, #tpu.memory_space<vmem>>, %arg14: memref<128xf32, #tpu.memory_space<vmem>>, %arg15: memref<16x128xf32, #tpu.memory_space<vmem>>, %arg16: memref<16xi32, #tpu.memory_space<vmem>>, %arg17: memref<128xi32, #tpu.memory_space<vmem>>, %arg18: memref<10000x128xf32, #tpu.memory_space<vmem_shared>>, %arg19: memref<!tpu.dma_semaphore, #tpu.memory_space<semaphore_mem>>, %arg20: memref<!tpu.dma_semaphore, #tpu.memory_space<semaphore_mem>>) attributes {dimension_semantics = [#tpu.dimension_semantics<core_parallel>, #tpu.dimension_semantics<subcore_parallel>], iteration_bounds = array<i64: 2, 16>, scalar_prefetch = 0 : i64, scratch_operands = 14 : i64, tpu.core_type = #tpu.core_type<sc_vector_subcore>, window_params = [{transform_indices = #map}, {transform_indices = #map}, {transform_indices = #map1}, {transform_indices = #map}, {transform_indices = #map2}]} {
    %mul3A = arith.constant 2 : i32
    %mul3A_0 = arith.muli %arg1, %mul3A : i32
    %add3A = arith.addi %mul3A_0, %arg0 : i32
    %iota3A = tpu.iota {dimensions = array<i32: 0>} : vector<16xi32>
    "tpu.region"() ({
      %run_scoped3A = tpu.sem_alloc : memref<!tpu.dma_semaphore, #tpu.memory_space<semaphore_mem>>
      tpu.enqueue_dma source(%arg5 : memref<16x128xf32, #tpu.memory_space<hbm>>) target(%arg15 : memref<16x128xf32, #tpu.memory_space<vmem>>) target_semaphore(%run_scoped3A : memref<!tpu.dma_semaphore, #tpu.memory_space<semaphore_mem>>)
      tpu.wait_dma2 semaphore(%run_scoped3A : memref<!tpu.dma_semaphore, #tpu.memory_space<semaphore_mem>>) src(%arg5 : memref<16x128xf32, #tpu.memory_space<hbm>>) dst(%arg15 : memref<16x128xf32, #tpu.memory_space<vmem>>)
      tpu.yield
    }) : () -> ()
    %scan3A = arith.constant 0 : i32
    %scan3A_1 = arith.constant 40 : i32
    %scan3A_2 = arith.addi %scan3A, %scan3A_1 : i32
    %scan3A_3 = arith.constant 1 : i32
    scf.for %scan3A_18 = %scan3A to %scan3A_2 step %scan3A_3  : i32 {
      %mul3A_19 = arith.constant 1 : i32
      %mul3A_20 = arith.muli %scan3A_18, %mul3A_19 : i32
      %add3A_21 = arith.constant 0 : i32
      %add3A_22 = arith.addi %add3A_21, %mul3A_20 : i32
      %mul3A_23 = arith.constant 16 : i32
      %mul3A_24 = arith.muli %add3A_22, %mul3A_23 : i32
      %add3A_25 = arith.addi %arg1, %mul3A_24 : i32
      %lt3A_26 = arith.constant 625 : i32
      %lt3A_27 = arith.cmpi slt, %add3A_25, %lt3A_26 : i32
      %convert_element_type3A_28 = arith.extui %lt3A_27 : i1 to i32
      %cond3A_29 = arith.constant 0 : i32
      %cond3A_30 = arith.cmpi ne, %convert_element_type3A_28, %cond3A_29 : i32
      scf.if %cond3A_30 {
        %mul3A_31 = arith.constant 16 : i32
        %mul3A_32 = arith.muli %add3A_25, %mul3A_31 : i32
        %add3A_33 = vector.broadcast %mul3A_32 : i32 to vector<16xi32>
        %add3A_34 = arith.addi %add3A_33, %iota3A : vector<16xi32>
        %swap3A = arith.constant 0 : index
        %swap3A_35 = tpu.vector_load %arg16[%swap3A] {strides = array<i32>} : memref<16xi32, #tpu.memory_space<vmem>>, vector<16xi32>,
        tpu.vector_store %arg16[%swap3A], %add3A_34 {strides = array<i32>} : memref<16xi32, #tpu.memory_space<vmem>>, vector<16xi32>,
        "tpu.region"() ({
          %run_scoped3A = tpu.sem_alloc : memref<!tpu.dma_semaphore, #tpu.memory_space<semaphore_mem>>
          %dma_start3A = arith.constant 0 : i32
          %dma_start3A_36 = arith.constant 0 : i32
          %dma_start3A_37 = tpu.memref_slice %arg18[%dma_start3A, %dma_start3A_36] : memref<10000x128xf32, #tpu.memory_space<vmem_shared>> -> memref<10000x128xf32, #tpu.memory_space<vmem_shared>>
          tpu.enqueue_indirect_dma source(%arg15 : memref<16x128xf32, #tpu.memory_space<vmem>>) target(%dma_start3A_37 : memref<10000x128xf32, #tpu.memory_space<vmem_shared>>) offsets(%arg16 : memref<16xi32, #tpu.memory_space<vmem>>) semaphore(%run_scoped3A : memref<!tpu.dma_semaphore, #tpu.memory_space<semaphore_mem>>)
          %dma_wait3A = arith.constant 0 : i32
          %dma_wait3A_38 = arith.constant 0 : i32
          %dma_wait3A_39 = tpu.memref_slice %arg18[%dma_wait3A, %dma_wait3A_38] : memref<10000x128xf32, #tpu.memory_space<vmem_shared>> -> memref<10000x128xf32, #tpu.memory_space<vmem_shared>>
          tpu.wait_indirect_dma semaphore(%run_scoped3A : memref<!tpu.dma_semaphore, #tpu.memory_space<semaphore_mem>>) src(%arg15 : memref<16x128xf32, #tpu.memory_space<vmem>>) dst(%dma_wait3A_39 : memref<10000x128xf32, #tpu.memory_space<vmem_shared>>)
          tpu.yield
        }) : () -> ()
      } else {
      }
    }
    %scan3A_4 = arith.constant 40 : i32
    %barrier3A = arith.constant 0 : index
    tpu.barrier barrier_id(%barrier3A)
    %lt3A = arith.constant 2500 : i32
    %lt3A_5 = arith.cmpi slt, %add3A, %lt3A : i32
    %convert_element_type3A = arith.extui %lt3A_5 : i1 to i32
    %cond3A = arith.constant 0 : i32
    %cond3A_6 = arith.cmpi ne, %convert_element_type3A, %cond3A : i32
    scf.if %cond3A_6 {
      %mul3A_18 = arith.constant 128 : i32
      %mul3A_19 = arith.muli %add3A, %mul3A_18 : i32
      %run_scoped3A = arith.constant 0 : i32
      "tpu.region"() ({
        %run_scoped3A_23 = tpu.sem_alloc : memref<!tpu.dma_semaphore, #tpu.memory_space<semaphore_mem>>
        %dma_start3A_24 = tpu.memref_slice %arg3[%run_scoped3A, %mul3A_19] : memref<2x320000xi32, #tpu.memory_space<hbm>> -> memref<1x128xi32, #tpu.memory_space<hbm>>
        %dma_start3A_25 = tpu.memref_squeeze %dma_start3A_24 : memref<1x128xi32, #tpu.memory_space<hbm>> -> memref<128xi32, #tpu.memory_space<hbm>>
        %dma_start3A_26 = tpu.memref_slice %arg3[%run_scoped3A, %mul3A_19] : memref<2x320000xi32, #tpu.memory_space<hbm>> -> memref<1x128xi32, #tpu.memory_space<hbm>>
        %dma_start3A_27 = tpu.memref_squeeze %dma_start3A_26 : memref<1x128xi32, #tpu.memory_space<hbm>> -> memref<128xi32, #tpu.memory_space<hbm>>
        tpu.enqueue_dma source(%dma_start3A_27 : memref<128xi32, #tpu.memory_space<hbm>>) target(%arg7 : memref<128xi32, #tpu.memory_space<vmem>>) target_semaphore(%run_scoped3A_23 : memref<!tpu.dma_semaphore, #tpu.memory_space<semaphore_mem>>)
        %dma_wait3A = tpu.memref_slice %arg3[%run_scoped3A, %mul3A_19] : memref<2x320000xi32, #tpu.memory_space<hbm>> -> memref<1x128xi32, #tpu.memory_space<hbm>>
        %dma_wait3A_28 = tpu.memref_squeeze %dma_wait3A : memref<1x128xi32, #tpu.memory_space<hbm>> -> memref<128xi32, #tpu.memory_space<hbm>>
        %dma_wait3A_29 = tpu.memref_slice %arg3[%run_scoped3A, %mul3A_19] : memref<2x320000xi32, #tpu.memory_space<hbm>> -> memref<1x128xi32, #tpu.memory_space<hbm>>
        %dma_wait3A_30 = tpu.memref_squeeze %dma_wait3A_29 : memref<1x128xi32, #tpu.memory_space<hbm>> -> memref<128xi32, #tpu.memory_space<hbm>>
        tpu.wait_dma2 semaphore(%run_scoped3A_23 : memref<!tpu.dma_semaphore, #tpu.memory_space<semaphore_mem>>) src(%dma_wait3A_30 : memref<128xi32, #tpu.memory_space<hbm>>) dst(%arg7 : memref<128xi32, #tpu.memory_space<vmem>>)
        tpu.yield
      }) : () -> ()
      %run_scoped3A_20 = arith.constant 1 : i32
      "tpu.region"() ({
        %run_scoped3A_23 = tpu.sem_alloc : memref<!tpu.dma_semaphore, #tpu.memory_space<semaphore_mem>>
        %dma_start3A_24 = tpu.memref_slice %arg3[%run_scoped3A_20, %mul3A_19] : memref<2x320000xi32, #tpu.memory_space<hbm>> -> memref<1x128xi32, #tpu.memory_space<hbm>>
        %dma_start3A_25 = tpu.memref_squeeze %dma_start3A_24 : memref<1x128xi32, #tpu.memory_space<hbm>> -> memref<128xi32, #tpu.memory_space<hbm>>
        %dma_start3A_26 = tpu.memref_slice %arg3[%run_scoped3A_20, %mul3A_19] : memref<2x320000xi32, #tpu.memory_space<hbm>> -> memref<1x128xi32, #tpu.memory_space<hbm>>
        %dma_start3A_27 = tpu.memref_squeeze %dma_start3A_26 : memref<1x128xi32, #tpu.memory_space<hbm>> -> memref<128xi32, #tpu.memory_space<hbm>>
        tpu.enqueue_dma source(%dma_start3A_27 : memref<128xi32, #tpu.memory_space<hbm>>) target(%arg8 : memref<128xi32, #tpu.memory_space<vmem>>) target_semaphore(%run_scoped3A_23 : memref<!tpu.dma_semaphore, #tpu.memory_space<semaphore_mem>>)
        %dma_wait3A = tpu.memref_slice %arg3[%run_scoped3A_20, %mul3A_19] : memref<2x320000xi32, #tpu.memory_space<hbm>> -> memref<1x128xi32, #tpu.memory_space<hbm>>
        %dma_wait3A_28 = tpu.memref_squeeze %dma_wait3A : memref<1x128xi32, #tpu.memory_space<hbm>> -> memref<128xi32, #tpu.memory_space<hbm>>
        %dma_wait3A_29 = tpu.memref_slice %arg3[%run_scoped3A_20, %mul3A_19] : memref<2x320000xi32, #tpu.memory_space<hbm>> -> memref<1x128xi32, #tpu.memory_space<hbm>>
        %dma_wait3A_30 = tpu.memref_squeeze %dma_wait3A_29 : memref<1x128xi32, #tpu.memory_space<hbm>> -> memref<128xi32, #tpu.memory_space<hbm>>
        tpu.wait_dma2 semaphore(%run_scoped3A_23 : memref<!tpu.dma_semaphore, #tpu.memory_space<semaphore_mem>>) src(%dma_wait3A_30 : memref<128xi32, #tpu.memory_space<hbm>>) dst(%arg8 : memref<128xi32, #tpu.memory_space<vmem>>)
        tpu.yield
      }) : () -> ()
      %dma_start3A = arith.constant 0 : i32
      %dma_start3A_21 = arith.constant 0 : i32
      %dma_start3A_22 = tpu.memref_slice %arg2[%dma_start3A, %dma_start3A_21] : memref<10000x128xf32, #tpu.memory_space<hbm>> -> memref<10000x128xf32, #tpu.memory_space<hbm>>
      tpu.enqueue_indirect_dma source(%dma_start3A_22 : memref<10000x128xf32, #tpu.memory_space<hbm>>) target(%arg9 : memref<128x128xf32, #tpu.memory_space<vmem>>) offsets(%arg7 : memref<128xi32, #tpu.memory_space<vmem>>) semaphore(%arg19 : memref<!tpu.dma_semaphore, #tpu.memory_space<semaphore_mem>>)
      "tpu.region"() ({
        %run_scoped3A_23 = tpu.sem_alloc : memref<!tpu.dma_semaphore, #tpu.memory_space<semaphore_mem>>
        %dma_start3A_24 = tpu.memref_slice %arg4[%mul3A_19] : memref<320000xf32, #tpu.memory_space<hbm>> -> memref<128xf32, #tpu.memory_space<hbm>>
        %dma_start3A_25 = tpu.memref_slice %arg4[%mul3A_19] : memref<320000xf32, #tpu.memory_space<hbm>> -> memref<128xf32, #tpu.memory_space<hbm>>
        tpu.enqueue_dma source(%dma_start3A_25 : memref<128xf32, #tpu.memory_space<hbm>>) target(%arg10 : memref<128xf32, #tpu.memory_space<vmem>>) target_semaphore(%run_scoped3A_23 : memref<!tpu.dma_semaphore, #tpu.memory_space<semaphore_mem>>)
        %dma_wait3A = tpu.memref_slice %arg4[%mul3A_19] : memref<320000xf32, #tpu.memory_space<hbm>> -> memref<128xf32, #tpu.memory_space<hbm>>
        %dma_wait3A_26 = tpu.memref_slice %arg4[%mul3A_19] : memref<320000xf32, #tpu.memory_space<hbm>> -> memref<128xf32, #tpu.memory_space<hbm>>
        tpu.wait_dma2 semaphore(%run_scoped3A_23 : memref<!tpu.dma_semaphore, #tpu.memory_space<semaphore_mem>>) src(%dma_wait3A_26 : memref<128xf32, #tpu.memory_space<hbm>>) dst(%arg10 : memref<128xf32, #tpu.memory_space<vmem>>)
        tpu.yield
      }) : () -> ()
    } else {
    }
    %scan3A_7 = arith.constant 0 : i32
    %scan3A_8 = arith.constant 40 : i32
    %scan3A_9 = arith.addi %scan3A_7, %scan3A_8 : i32
    %scan3A_10 = arith.constant 1 : i32
    scf.for %scan3A_18 = %scan3A_7 to %scan3A_9 step %scan3A_10  : i32 {
      %mul3A_19 = arith.constant 1 : i32
      %mul3A_20 = arith.muli %scan3A_18, %mul3A_19 : i32
      %add3A_21 = arith.constant 0 : i32
      %add3A_22 = arith.addi %add3A_21, %mul3A_20 : i32
      %mul3A_23 = arith.constant 2 : i32
      %mul3A_24 = arith.muli %mul3A_23, %add3A_22 : i32
      %mul3A_25 = arith.constant 32 : i32
      %mul3A_26 = arith.muli %mul3A_24, %mul3A_25 : i32
      %add3A_27 = arith.addi %add3A, %mul3A_26 : i32
      %add3A_28 = arith.constant 32 : i32
      %add3A_29 = arith.addi %add3A_27, %add3A_28 : i32
      %lt3A_30 = arith.constant 2500 : i32
      %lt3A_31 = arith.cmpi slt, %add3A_29, %lt3A_30 : i32
      %convert_element_type3A_32 = arith.extui %lt3A_31 : i1 to i32
      %cond3A_33 = arith.constant 0 : i32
      %cond3A_34 = arith.cmpi ne, %convert_element_type3A_32, %cond3A_33 : i32
      scf.if %cond3A_34 {
        %mul3A_52 = arith.constant 128 : i32
        %mul3A_53 = arith.muli %add3A_29, %mul3A_52 : i32
        %run_scoped3A = arith.constant 0 : i32
        "tpu.region"() ({
          %run_scoped3A_57 = tpu.sem_alloc : memref<!tpu.dma_semaphore, #tpu.memory_space<semaphore_mem>>
          %dma_start3A_58 = tpu.memref_slice %arg3[%run_scoped3A, %mul3A_53] : memref<2x320000xi32, #tpu.memory_space<hbm>> -> memref<1x128xi32, #tpu.memory_space<hbm>>
          %dma_start3A_59 = tpu.memref_squeeze %dma_start3A_58 : memref<1x128xi32, #tpu.memory_space<hbm>> -> memref<128xi32, #tpu.memory_space<hbm>>
          %dma_start3A_60 = tpu.memref_slice %arg3[%run_scoped3A, %mul3A_53] : memref<2x320000xi32, #tpu.memory_space<hbm>> -> memref<1x128xi32, #tpu.memory_space<hbm>>
          %dma_start3A_61 = tpu.memref_squeeze %dma_start3A_60 : memref<1x128xi32, #tpu.memory_space<hbm>> -> memref<128xi32, #tpu.memory_space<hbm>>
          tpu.enqueue_dma source(%dma_start3A_61 : memref<128xi32, #tpu.memory_space<hbm>>) target(%arg11 : memref<128xi32, #tpu.memory_space<vmem>>) target_semaphore(%run_scoped3A_57 : memref<!tpu.dma_semaphore, #tpu.memory_space<semaphore_mem>>)
          %dma_wait3A = tpu.memref_slice %arg3[%run_scoped3A, %mul3A_53] : memref<2x320000xi32, #tpu.memory_space<hbm>> -> memref<1x128xi32, #tpu.memory_space<hbm>>
          %dma_wait3A_62 = tpu.memref_squeeze %dma_wait3A : memref<1x128xi32, #tpu.memory_space<hbm>> -> memref<128xi32, #tpu.memory_space<hbm>>
          %dma_wait3A_63 = tpu.memref_slice %arg3[%run_scoped3A, %mul3A_53] : memref<2x320000xi32, #tpu.memory_space<hbm>> -> memref<1x128xi32, #tpu.memory_space<hbm>>
          %dma_wait3A_64 = tpu.memref_squeeze %dma_wait3A_63 : memref<1x128xi32, #tpu.memory_space<hbm>> -> memref<128xi32, #tpu.memory_space<hbm>>
          tpu.wait_dma2 semaphore(%run_scoped3A_57 : memref<!tpu.dma_semaphore, #tpu.memory_space<semaphore_mem>>) src(%dma_wait3A_64 : memref<128xi32, #tpu.memory_space<hbm>>) dst(%arg11 : memref<128xi32, #tpu.memory_space<vmem>>)
          tpu.yield
        }) : () -> ()
        %run_scoped3A_54 = arith.constant 1 : i32
        "tpu.region"() ({
          %run_scoped3A_57 = tpu.sem_alloc : memref<!tpu.dma_semaphore, #tpu.memory_space<semaphore_mem>>
          %dma_start3A_58 = tpu.memref_slice %arg3[%run_scoped3A_54, %mul3A_53] : memref<2x320000xi32, #tpu.memory_space<hbm>> -> memref<1x128xi32, #tpu.memory_space<hbm>>
          %dma_start3A_59 = tpu.memref_squeeze %dma_start3A_58 : memref<1x128xi32, #tpu.memory_space<hbm>> -> memref<128xi32, #tpu.memory_space<hbm>>
          %dma_start3A_60 = tpu.memref_slice %arg3[%run_scoped3A_54, %mul3A_53] : memref<2x320000xi32, #tpu.memory_space<hbm>> -> memref<1x128xi32, #tpu.memory_space<hbm>>
          %dma_start3A_61 = tpu.memref_squeeze %dma_start3A_60 : memref<1x128xi32, #tpu.memory_space<hbm>> -> memref<128xi32, #tpu.memory_space<hbm>>
          tpu.enqueue_dma source(%dma_start3A_61 : memref<128xi32, #tpu.memory_space<hbm>>) target(%arg12 : memref<128xi32, #tpu.memory_space<vmem>>) target_semaphore(%run_scoped3A_57 : memref<!tpu.dma_semaphore, #tpu.memory_space<semaphore_mem>>)
          %dma_wait3A = tpu.memref_slice %arg3[%run_scoped3A_54, %mul3A_53] : memref<2x320000xi32, #tpu.memory_space<hbm>> -> memref<1x128xi32, #tpu.memory_space<hbm>>
          %dma_wait3A_62 = tpu.memref_squeeze %dma_wait3A : memref<1x128xi32, #tpu.memory_space<hbm>> -> memref<128xi32, #tpu.memory_space<hbm>>
          %dma_wait3A_63 = tpu.memref_slice %arg3[%run_scoped3A_54, %mul3A_53] : memref<2x320000xi32, #tpu.memory_space<hbm>> -> memref<1x128xi32, #tpu.memory_space<hbm>>
          %dma_wait3A_64 = tpu.memref_squeeze %dma_wait3A_63 : memref<1x128xi32, #tpu.memory_space<hbm>> -> memref<128xi32, #tpu.memory_space<hbm>>
          tpu.wait_dma2 semaphore(%run_scoped3A_57 : memref<!tpu.dma_semaphore, #tpu.memory_space<semaphore_mem>>) src(%dma_wait3A_64 : memref<128xi32, #tpu.memory_space<hbm>>) dst(%arg12 : memref<128xi32, #tpu.memory_space<vmem>>)
          tpu.yield
        }) : () -> ()
        %dma_start3A = arith.constant 0 : i32
        %dma_start3A_55 = arith.constant 0 : i32
        %dma_start3A_56 = tpu.memref_slice %arg2[%dma_start3A, %dma_start3A_55] : memref<10000x128xf32, #tpu.memory_space<hbm>> -> memref<10000x128xf32, #tpu.memory_space<hbm>>
        tpu.enqueue_indirect_dma source(%dma_start3A_56 : memref<10000x128xf32, #tpu.memory_space<hbm>>) target(%arg13 : memref<128x128xf32, #tpu.memory_space<vmem>>) offsets(%arg11 : memref<128xi32, #tpu.memory_space<vmem>>) semaphore(%arg20 : memref<!tpu.dma_semaphore, #tpu.memory_space<semaphore_mem>>)
        "tpu.region"() ({
          %run_scoped3A_57 = tpu.sem_alloc : memref<!tpu.dma_semaphore, #tpu.memory_space<semaphore_mem>>
          %dma_start3A_58 = tpu.memref_slice %arg4[%mul3A_53] : memref<320000xf32, #tpu.memory_space<hbm>> -> memref<128xf32, #tpu.memory_space<hbm>>
          %dma_start3A_59 = tpu.memref_slice %arg4[%mul3A_53] : memref<320000xf32, #tpu.memory_space<hbm>> -> memref<128xf32, #tpu.memory_space<hbm>>
          tpu.enqueue_dma source(%dma_start3A_59 : memref<128xf32, #tpu.memory_space<hbm>>) target(%arg14 : memref<128xf32, #tpu.memory_space<vmem>>) target_semaphore(%run_scoped3A_57 : memref<!tpu.dma_semaphore, #tpu.memory_space<semaphore_mem>>)
          %dma_wait3A = tpu.memref_slice %arg4[%mul3A_53] : memref<320000xf32, #tpu.memory_space<hbm>> -> memref<128xf32, #tpu.memory_space<hbm>>
          %dma_wait3A_60 = tpu.memref_slice %arg4[%mul3A_53] : memref<320000xf32, #tpu.memory_space<hbm>> -> memref<128xf32, #tpu.memory_space<hbm>>
          tpu.wait_dma2 semaphore(%run_scoped3A_57 : memref<!tpu.dma_semaphore, #tpu.memory_space<semaphore_mem>>) src(%dma_wait3A_60 : memref<128xf32, #tpu.memory_space<hbm>>) dst(%arg14 : memref<128xf32, #tpu.memory_space<vmem>>)
          tpu.yield
        }) : () -> ()
      } else {
      }
      %lt3A_35 = arith.constant 2500 : i32
      %lt3A_36 = arith.cmpi slt, %add3A_27, %lt3A_35 : i32
      %convert_element_type3A_37 = arith.extui %lt3A_36 : i1 to i32
      %cond3A_38 = arith.constant 0 : i32
      %cond3A_39 = arith.cmpi ne, %convert_element_type3A_37, %cond3A_38 : i32
      scf.if %cond3A_39 {
        %dma_wait3A = arith.constant 0 : i32
        %dma_wait3A_52 = arith.constant 0 : i32
        %dma_wait3A_53 = tpu.memref_slice %arg2[%dma_wait3A, %dma_wait3A_52] : memref<10000x128xf32, #tpu.memory_space<hbm>> -> memref<10000x128xf32, #tpu.memory_space<hbm>>
        tpu.wait_indirect_dma semaphore(%arg19 : memref<!tpu.dma_semaphore, #tpu.memory_space<semaphore_mem>>) src(%dma_wait3A_53 : memref<10000x128xf32, #tpu.memory_space<hbm>>) dst(%arg9 : memref<128x128xf32, #tpu.memory_space<vmem>>)
        %scan3A_54 = arith.constant 0 : i32
        %scan3A_55 = arith.constant 128 : i32
        %scan3A_56 = arith.addi %scan3A_54, %scan3A_55 : i32
        %scan3A_57 = arith.constant 1 : i32
        scf.for %scan3A_59 = %scan3A_54 to %scan3A_56 step %scan3A_57  : i32 {
          %mul3A_60 = arith.constant 1 : i32
          %mul3A_61 = arith.muli %scan3A_59, %mul3A_60 : i32
          %add3A_62 = arith.constant 0 : i32
          %add3A_63 = arith.addi %add3A_62, %mul3A_61 : i32
          %broadcast_in_dim3A = vector.broadcast %add3A_63 : i32 to vector<16xi32>
          %gather3A = tpu.vector_load_idx %arg10[%broadcast_in_dim3A] : memref<128xf32, #tpu.memory_space<vmem>>[vector<16xi32>], vector<16xf32>,
          %get3A = arith.index_cast %add3A_63 : i32 to index
          %get3A_64 = arith.constant 0 : index
          %get3A_65 = tpu.vector_load %arg9[%get3A, %get3A_64] {strides = array<i32>} : memref<128x128xf32, #tpu.memory_space<vmem>>, vector<16xf32>,
          %mul3A_66 = arith.mulf %get3A_65, %gather3A : vector<16xf32>
          %swap3A = arith.index_cast %add3A_63 : i32 to index
          %swap3A_67 = arith.constant 0 : index
          %swap3A_68 = tpu.vector_load %arg9[%swap3A, %swap3A_67] {strides = array<i32>} : memref<128x128xf32, #tpu.memory_space<vmem>>, vector<16xf32>,
          tpu.vector_store %arg9[%swap3A, %swap3A_67], %mul3A_66 {strides = array<i32>} : memref<128x128xf32, #tpu.memory_space<vmem>>, vector<16xf32>,
          %get3A_69 = arith.index_cast %add3A_63 : i32 to index
          %get3A_70 = arith.constant 16 : index
          %get3A_71 = tpu.vector_load %arg9[%get3A_69, %get3A_70] {strides = array<i32>} : memref<128x128xf32, #tpu.memory_space<vmem>>, vector<16xf32>,
          %mul3A_72 = arith.mulf %get3A_71, %gather3A : vector<16xf32>
          %swap3A_73 = arith.index_cast %add3A_63 : i32 to index
          %swap3A_74 = arith.constant 16 : index
          %swap3A_75 = tpu.vector_load %arg9[%swap3A_73, %swap3A_74] {strides = array<i32>} : memref<128x128xf32, #tpu.memory_space<vmem>>, vector<16xf32>,
          tpu.vector_store %arg9[%swap3A_73, %swap3A_74], %mul3A_72 {strides = array<i32>} : memref<128x128xf32, #tpu.memory_space<vmem>>, vector<16xf32>,
          %get3A_76 = arith.index_cast %add3A_63 : i32 to index
          %get3A_77 = arith.constant 32 : index
          %get3A_78 = tpu.vector_load %arg9[%get3A_76, %get3A_77] {strides = array<i32>} : memref<128x128xf32, #tpu.memory_space<vmem>>, vector<16xf32>,
          %mul3A_79 = arith.mulf %get3A_78, %gather3A : vector<16xf32>
          %swap3A_80 = arith.index_cast %add3A_63 : i32 to index
          %swap3A_81 = arith.constant 32 : index
          %swap3A_82 = tpu.vector_load %arg9[%swap3A_80, %swap3A_81] {strides = array<i32>} : memref<128x128xf32, #tpu.memory_space<vmem>>, vector<16xf32>,
          tpu.vector_store %arg9[%swap3A_80, %swap3A_81], %mul3A_79 {strides = array<i32>} : memref<128x128xf32, #tpu.memory_space<vmem>>, vector<16xf32>,
          %get3A_83 = arith.index_cast %add3A_63 : i32 to index
          %get3A_84 = arith.constant 48 : index
          %get3A_85 = tpu.vector_load %arg9[%get3A_83, %get3A_84] {strides = array<i32>} : memref<128x128xf32, #tpu.memory_space<vmem>>, vector<16xf32>,
          %mul3A_86 = arith.mulf %get3A_85, %gather3A : vector<16xf32>
          %swap3A_87 = arith.index_cast %add3A_63 : i32 to index
          %swap3A_88 = arith.constant 48 : index
          %swap3A_89 = tpu.vector_load %arg9[%swap3A_87, %swap3A_88] {strides = array<i32>} : memref<128x128xf32, #tpu.memory_space<vmem>>, vector<16xf32>,
          tpu.vector_store %arg9[%swap3A_87, %swap3A_88], %mul3A_86 {strides = array<i32>} : memref<128x128xf32, #tpu.memory_space<vmem>>, vector<16xf32>,
          %get3A_90 = arith.index_cast %add3A_63 : i32 to index
          %get3A_91 = arith.constant 64 : index
          %get3A_92 = tpu.vector_load %arg9[%get3A_90, %get3A_91] {strides = array<i32>} : memref<128x128xf32, #tpu.memory_space<vmem>>, vector<16xf32>,
          %mul3A_93 = arith.mulf %get3A_92, %gather3A : vector<16xf32>
          %swap3A_94 = arith.index_cast %add3A_63 : i32 to index
          %swap3A_95 = arith.constant 64 : index
          %swap3A_96 = tpu.vector_load %arg9[%swap3A_94, %swap3A_95] {strides = array<i32>} : memref<128x128xf32, #tpu.memory_space<vmem>>, vector<16xf32>,
          tpu.vector_store %arg9[%swap3A_94, %swap3A_95], %mul3A_93 {strides = array<i32>} : memref<128x128xf32, #tpu.memory_space<vmem>>, vector<16xf32>,
          %get3A_97 = arith.index_cast %add3A_63 : i32 to index
          %get3A_98 = arith.constant 80 : index
          %get3A_99 = tpu.vector_load %arg9[%get3A_97, %get3A_98] {strides = array<i32>} : memref<128x128xf32, #tpu.memory_space<vmem>>, vector<16xf32>,
          %mul3A_100 = arith.mulf %get3A_99, %gather3A : vector<16xf32>
          %swap3A_101 = arith.index_cast %add3A_63 : i32 to index
          %swap3A_102 = arith.constant 80 : index
          %swap3A_103 = tpu.vector_load %arg9[%swap3A_101, %swap3A_102] {strides = array<i32>} : memref<128x128xf32, #tpu.memory_space<vmem>>, vector<16xf32>,
          tpu.vector_store %arg9[%swap3A_101, %swap3A_102], %mul3A_100 {strides = array<i32>} : memref<128x128xf32, #tpu.memory_space<vmem>>, vector<16xf32>,
          %get3A_104 = arith.index_cast %add3A_63 : i32 to index
          %get3A_105 = arith.constant 96 : index
          %get3A_106 = tpu.vector_load %arg9[%get3A_104, %get3A_105] {strides = array<i32>} : memref<128x128xf32, #tpu.memory_space<vmem>>, vector<16xf32>,
          %mul3A_107 = arith.mulf %get3A_106, %gather3A : vector<16xf32>
          %swap3A_108 = arith.index_cast %add3A_63 : i32 to index
          %swap3A_109 = arith.constant 96 : index
          %swap3A_110 = tpu.vector_load %arg9[%swap3A_108, %swap3A_109] {strides = array<i32>} : memref<128x128xf32, #tpu.memory_space<vmem>>, vector<16xf32>,
          tpu.vector_store %arg9[%swap3A_108, %swap3A_109], %mul3A_107 {strides = array<i32>} : memref<128x128xf32, #tpu.memory_space<vmem>>, vector<16xf32>,
          %get3A_111 = arith.index_cast %add3A_63 : i32 to index
          %get3A_112 = arith.constant 112 : index
          %get3A_113 = tpu.vector_load %arg9[%get3A_111, %get3A_112] {strides = array<i32>} : memref<128x128xf32, #tpu.memory_space<vmem>>, vector<16xf32>,
          %mul3A_114 = arith.mulf %get3A_113, %gather3A : vector<16xf32>
          %swap3A_115 = arith.index_cast %add3A_63 : i32 to index
          %swap3A_116 = arith.constant 112 : index
          %swap3A_117 = tpu.vector_load %arg9[%swap3A_115, %swap3A_116] {strides = array<i32>} : memref<128x128xf32, #tpu.memory_space<vmem>>, vector<16xf32>,
          tpu.vector_store %arg9[%swap3A_115, %swap3A_116], %mul3A_114 {strides = array<i32>} : memref<128x128xf32, #tpu.memory_space<vmem>>, vector<16xf32>,
        }
        %scan3A_58 = arith.constant 128 : i32
        "tpu.region"() ({
          %run_scoped3A = tpu.sem_alloc : memref<!tpu.dma_semaphore, #tpu.memory_space<semaphore_mem>>
          %dma_start3A = arith.constant 0 : i32
          %dma_start3A_59 = arith.constant 0 : i32
          %dma_start3A_60 = tpu.memref_slice %arg18[%dma_start3A, %dma_start3A_59] : memref<10000x128xf32, #tpu.memory_space<vmem_shared>> -> memref<10000x128xf32, #tpu.memory_space<vmem_shared>>
          tpu.enqueue_indirect_dma source(%arg9 : memref<128x128xf32, #tpu.memory_space<vmem>>) target(%dma_start3A_60 : memref<10000x128xf32, #tpu.memory_space<vmem_shared>>) offsets(%arg8 : memref<128xi32, #tpu.memory_space<vmem>>) semaphore(%run_scoped3A : memref<!tpu.dma_semaphore, #tpu.memory_space<semaphore_mem>>) {add = true}
          %dma_wait3A_61 = arith.constant 0 : i32
          %dma_wait3A_62 = arith.constant 0 : i32
          %dma_wait3A_63 = tpu.memref_slice %arg18[%dma_wait3A_61, %dma_wait3A_62] : memref<10000x128xf32, #tpu.memory_space<vmem_shared>> -> memref<10000x128xf32, #tpu.memory_space<vmem_shared>>
          tpu.wait_indirect_dma semaphore(%run_scoped3A : memref<!tpu.dma_semaphore, #tpu.memory_space<semaphore_mem>>) src(%arg9 : memref<128x128xf32, #tpu.memory_space<vmem>>) dst(%dma_wait3A_63 : memref<10000x128xf32, #tpu.memory_space<vmem_shared>>)
          tpu.yield
        }) : () -> ()
      } else {
      }
      %add3A_40 = arith.constant 64 : i32
      %add3A_41 = arith.addi %add3A_27, %add3A_40 : i32
      %lt3A_42 = arith.constant 2500 : i32
      %lt3A_43 = arith.cmpi slt, %add3A_41, %lt3A_42 : i32
      %convert_element_type3A_44 = arith.extui %lt3A_43 : i1 to i32
      %cond3A_45 = arith.constant 0 : i32
      %cond3A_46 = arith.cmpi ne, %convert_element_type3A_44, %cond3A_45 : i32
      scf.if %cond3A_46 {
        %add3A_52 = arith.constant 64 : i32
        %add3A_53 = arith.addi %add3A_27, %add3A_52 : i32
        %mul3A_54 = arith.constant 128 : i32
        %mul3A_55 = arith.muli %add3A_53, %mul3A_54 : i32
        %run_scoped3A = arith.constant 0 : i32
        "tpu.region"() ({
          %run_scoped3A_59 = tpu.sem_alloc : memref<!tpu.dma_semaphore, #tpu.memory_space<semaphore_mem>>
          %dma_start3A_60 = tpu.memref_slice %arg3[%run_scoped3A, %mul3A_55] : memref<2x320000xi32, #tpu.memory_space<hbm>> -> memref<1x128xi32, #tpu.memory_space<hbm>>
          %dma_start3A_61 = tpu.memref_squeeze %dma_start3A_60 : memref<1x128xi32, #tpu.memory_space<hbm>> -> memref<128xi32, #tpu.memory_space<hbm>>
          %dma_start3A_62 = tpu.memref_slice %arg3[%run_scoped3A, %mul3A_55] : memref<2x320000xi32, #tpu.memory_space<hbm>> -> memref<1x128xi32, #tpu.memory_space<hbm>>
          %dma_start3A_63 = tpu.memref_squeeze %dma_start3A_62 : memref<1x128xi32, #tpu.memory_space<hbm>> -> memref<128xi32, #tpu.memory_space<hbm>>
          tpu.enqueue_dma source(%dma_start3A_63 : memref<128xi32, #tpu.memory_space<hbm>>) target(%arg7 : memref<128xi32, #tpu.memory_space<vmem>>) target_semaphore(%run_scoped3A_59 : memref<!tpu.dma_semaphore, #tpu.memory_space<semaphore_mem>>)
          %dma_wait3A = tpu.memref_slice %arg3[%run_scoped3A, %mul3A_55] : memref<2x320000xi32, #tpu.memory_space<hbm>> -> memref<1x128xi32, #tpu.memory_space<hbm>>
          %dma_wait3A_64 = tpu.memref_squeeze %dma_wait3A : memref<1x128xi32, #tpu.memory_space<hbm>> -> memref<128xi32, #tpu.memory_space<hbm>>
          %dma_wait3A_65 = tpu.memref_slice %arg3[%run_scoped3A, %mul3A_55] : memref<2x320000xi32, #tpu.memory_space<hbm>> -> memref<1x128xi32, #tpu.memory_space<hbm>>
          %dma_wait3A_66 = tpu.memref_squeeze %dma_wait3A_65 : memref<1x128xi32, #tpu.memory_space<hbm>> -> memref<128xi32, #tpu.memory_space<hbm>>
          tpu.wait_dma2 semaphore(%run_scoped3A_59 : memref<!tpu.dma_semaphore, #tpu.memory_space<semaphore_mem>>) src(%dma_wait3A_66 : memref<128xi32, #tpu.memory_space<hbm>>) dst(%arg7 : memref<128xi32, #tpu.memory_space<vmem>>)
          tpu.yield
        }) : () -> ()
        %run_scoped3A_56 = arith.constant 1 : i32
        "tpu.region"() ({
          %run_scoped3A_59 = tpu.sem_alloc : memref<!tpu.dma_semaphore, #tpu.memory_space<semaphore_mem>>
          %dma_start3A_60 = tpu.memref_slice %arg3[%run_scoped3A_56, %mul3A_55] : memref<2x320000xi32, #tpu.memory_space<hbm>> -> memref<1x128xi32, #tpu.memory_space<hbm>>
          %dma_start3A_61 = tpu.memref_squeeze %dma_start3A_60 : memref<1x128xi32, #tpu.memory_space<hbm>> -> memref<128xi32, #tpu.memory_space<hbm>>
          %dma_start3A_62 = tpu.memref_slice %arg3[%run_scoped3A_56, %mul3A_55] : memref<2x320000xi32, #tpu.memory_space<hbm>> -> memref<1x128xi32, #tpu.memory_space<hbm>>
          %dma_start3A_63 = tpu.memref_squeeze %dma_start3A_62 : memref<1x128xi32, #tpu.memory_space<hbm>> -> memref<128xi32, #tpu.memory_space<hbm>>
          tpu.enqueue_dma source(%dma_start3A_63 : memref<128xi32, #tpu.memory_space<hbm>>) target(%arg8 : memref<128xi32, #tpu.memory_space<vmem>>) target_semaphore(%run_scoped3A_59 : memref<!tpu.dma_semaphore, #tpu.memory_space<semaphore_mem>>)
          %dma_wait3A = tpu.memref_slice %arg3[%run_scoped3A_56, %mul3A_55] : memref<2x320000xi32, #tpu.memory_space<hbm>> -> memref<1x128xi32, #tpu.memory_space<hbm>>
          %dma_wait3A_64 = tpu.memref_squeeze %dma_wait3A : memref<1x128xi32, #tpu.memory_space<hbm>> -> memref<128xi32, #tpu.memory_space<hbm>>
          %dma_wait3A_65 = tpu.memref_slice %arg3[%run_scoped3A_56, %mul3A_55] : memref<2x320000xi32, #tpu.memory_space<hbm>> -> memref<1x128xi32, #tpu.memory_space<hbm>>
          %dma_wait3A_66 = tpu.memref_squeeze %dma_wait3A_65 : memref<1x128xi32, #tpu.memory_space<hbm>> -> memref<128xi32, #tpu.memory_space<hbm>>
          tpu.wait_dma2 semaphore(%run_scoped3A_59 : memref<!tpu.dma_semaphore, #tpu.memory_space<semaphore_mem>>) src(%dma_wait3A_66 : memref<128xi32, #tpu.memory_space<hbm>>) dst(%arg8 : memref<128xi32, #tpu.memory_space<vmem>>)
          tpu.yield
        }) : () -> ()
        %dma_start3A = arith.constant 0 : i32
        %dma_start3A_57 = arith.constant 0 : i32
        %dma_start3A_58 = tpu.memref_slice %arg2[%dma_start3A, %dma_start3A_57] : memref<10000x128xf32, #tpu.memory_space<hbm>> -> memref<10000x128xf32, #tpu.memory_space<hbm>>
        tpu.enqueue_indirect_dma source(%dma_start3A_58 : memref<10000x128xf32, #tpu.memory_space<hbm>>) target(%arg9 : memref<128x128xf32, #tpu.memory_space<vmem>>) offsets(%arg7 : memref<128xi32, #tpu.memory_space<vmem>>) semaphore(%arg19 : memref<!tpu.dma_semaphore, #tpu.memory_space<semaphore_mem>>)
        "tpu.region"() ({
          %run_scoped3A_59 = tpu.sem_alloc : memref<!tpu.dma_semaphore, #tpu.memory_space<semaphore_mem>>
          %dma_start3A_60 = tpu.memref_slice %arg4[%mul3A_55] : memref<320000xf32, #tpu.memory_space<hbm>> -> memref<128xf32, #tpu.memory_space<hbm>>
          %dma_start3A_61 = tpu.memref_slice %arg4[%mul3A_55] : memref<320000xf32, #tpu.memory_space<hbm>> -> memref<128xf32, #tpu.memory_space<hbm>>
          tpu.enqueue_dma source(%dma_start3A_61 : memref<128xf32, #tpu.memory_space<hbm>>) target(%arg10 : memref<128xf32, #tpu.memory_space<vmem>>) target_semaphore(%run_scoped3A_59 : memref<!tpu.dma_semaphore, #tpu.memory_space<semaphore_mem>>)
          %dma_wait3A = tpu.memref_slice %arg4[%mul3A_55] : memref<320000xf32, #tpu.memory_space<hbm>> -> memref<128xf32, #tpu.memory_space<hbm>>
          %dma_wait3A_62 = tpu.memref_slice %arg4[%mul3A_55] : memref<320000xf32, #tpu.memory_space<hbm>> -> memref<128xf32, #tpu.memory_space<hbm>>
          tpu.wait_dma2 semaphore(%run_scoped3A_59 : memref<!tpu.dma_semaphore, #tpu.memory_space<semaphore_mem>>) src(%dma_wait3A_62 : memref<128xf32, #tpu.memory_space<hbm>>) dst(%arg10 : memref<128xf32, #tpu.memory_space<vmem>>)
          tpu.yield
        }) : () -> ()
      } else {
      }
      %lt3A_47 = arith.constant 2500 : i32
      %lt3A_48 = arith.cmpi slt, %add3A_29, %lt3A_47 : i32
      %convert_element_type3A_49 = arith.extui %lt3A_48 : i1 to i32
      %cond3A_50 = arith.constant 0 : i32
      %cond3A_51 = arith.cmpi ne, %convert_element_type3A_49, %cond3A_50 : i32
      scf.if %cond3A_51 {
        %dma_wait3A = arith.constant 0 : i32
        %dma_wait3A_52 = arith.constant 0 : i32
        %dma_wait3A_53 = tpu.memref_slice %arg2[%dma_wait3A, %dma_wait3A_52] : memref<10000x128xf32, #tpu.memory_space<hbm>> -> memref<10000x128xf32, #tpu.memory_space<hbm>>
        tpu.wait_indirect_dma semaphore(%arg20 : memref<!tpu.dma_semaphore, #tpu.memory_space<semaphore_mem>>) src(%dma_wait3A_53 : memref<10000x128xf32, #tpu.memory_space<hbm>>) dst(%arg13 : memref<128x128xf32, #tpu.memory_space<vmem>>)
        %scan3A_54 = arith.constant 0 : i32
        %scan3A_55 = arith.constant 128 : i32
        %scan3A_56 = arith.addi %scan3A_54, %scan3A_55 : i32
        %scan3A_57 = arith.constant 1 : i32
        scf.for %scan3A_59 = %scan3A_54 to %scan3A_56 step %scan3A_57  : i32 {
          %mul3A_60 = arith.constant 1 : i32
          %mul3A_61 = arith.muli %scan3A_59, %mul3A_60 : i32
          %add3A_62 = arith.constant 0 : i32
          %add3A_63 = arith.addi %add3A_62, %mul3A_61 : i32
          %broadcast_in_dim3A = vector.broadcast %add3A_63 : i32 to vector<16xi32>
          %gather3A = tpu.vector_load_idx %arg14[%broadcast_in_dim3A] : memref<128xf32, #tpu.memory_space<vmem>>[vector<16xi32>], vector<16xf32>,
          %get3A = arith.index_cast %add3A_63 : i32 to index
          %get3A_64 = arith.constant 0 : index
          %get3A_65 = tpu.vector_load %arg13[%get3A, %get3A_64] {strides = array<i32>} : memref<128x128xf32, #tpu.memory_space<vmem>>, vector<16xf32>,
          %mul3A_66 = arith.mulf %get3A_65, %gather3A : vector<16xf32>
          %swap3A = arith.index_cast %add3A_63 : i32 to index
          %swap3A_67 = arith.constant 0 : index
          %swap3A_68 = tpu.vector_load %arg13[%swap3A, %swap3A_67] {strides = array<i32>} : memref<128x128xf32, #tpu.memory_space<vmem>>, vector<16xf32>,
          tpu.vector_store %arg13[%swap3A, %swap3A_67], %mul3A_66 {strides = array<i32>} : memref<128x128xf32, #tpu.memory_space<vmem>>, vector<16xf32>,
          %get3A_69 = arith.index_cast %add3A_63 : i32 to index
          %get3A_70 = arith.constant 16 : index
          %get3A_71 = tpu.vector_load %arg13[%get3A_69, %get3A_70] {strides = array<i32>} : memref<128x128xf32, #tpu.memory_space<vmem>>, vector<16xf32>,
          %mul3A_72 = arith.mulf %get3A_71, %gather3A : vector<16xf32>
          %swap3A_73 = arith.index_cast %add3A_63 : i32 to index
          %swap3A_74 = arith.constant 16 : index
          %swap3A_75 = tpu.vector_load %arg13[%swap3A_73, %swap3A_74] {strides = array<i32>} : memref<128x128xf32, #tpu.memory_space<vmem>>, vector<16xf32>,
          tpu.vector_store %arg13[%swap3A_73, %swap3A_74], %mul3A_72 {strides = array<i32>} : memref<128x128xf32, #tpu.memory_space<vmem>>, vector<16xf32>,
          %get3A_76 = arith.index_cast %add3A_63 : i32 to index
          %get3A_77 = arith.constant 32 : index
          %get3A_78 = tpu.vector_load %arg13[%get3A_76, %get3A_77] {strides = array<i32>} : memref<128x128xf32, #tpu.memory_space<vmem>>, vector<16xf32>,
          %mul3A_79 = arith.mulf %get3A_78, %gather3A : vector<16xf32>
          %swap3A_80 = arith.index_cast %add3A_63 : i32 to index
          %swap3A_81 = arith.constant 32 : index
          %swap3A_82 = tpu.vector_load %arg13[%swap3A_80, %swap3A_81] {strides = array<i32>} : memref<128x128xf32, #tpu.memory_space<vmem>>, vector<16xf32>,
          tpu.vector_store %arg13[%swap3A_80, %swap3A_81], %mul3A_79 {strides = array<i32>} : memref<128x128xf32, #tpu.memory_space<vmem>>, vector<16xf32>,
          %get3A_83 = arith.index_cast %add3A_63 : i32 to index
          %get3A_84 = arith.constant 48 : index
          %get3A_85 = tpu.vector_load %arg13[%get3A_83, %get3A_84] {strides = array<i32>} : memref<128x128xf32, #tpu.memory_space<vmem>>, vector<16xf32>,
          %mul3A_86 = arith.mulf %get3A_85, %gather3A : vector<16xf32>
          %swap3A_87 = arith.index_cast %add3A_63 : i32 to index
          %swap3A_88 = arith.constant 48 : index
          %swap3A_89 = tpu.vector_load %arg13[%swap3A_87, %swap3A_88] {strides = array<i32>} : memref<128x128xf32, #tpu.memory_space<vmem>>, vector<16xf32>,
          tpu.vector_store %arg13[%swap3A_87, %swap3A_88], %mul3A_86 {strides = array<i32>} : memref<128x128xf32, #tpu.memory_space<vmem>>, vector<16xf32>,
          %get3A_90 = arith.index_cast %add3A_63 : i32 to index
          %get3A_91 = arith.constant 64 : index
          %get3A_92 = tpu.vector_load %arg13[%get3A_90, %get3A_91] {strides = array<i32>} : memref<128x128xf32, #tpu.memory_space<vmem>>, vector<16xf32>,
          %mul3A_93 = arith.mulf %get3A_92, %gather3A : vector<16xf32>
          %swap3A_94 = arith.index_cast %add3A_63 : i32 to index
          %swap3A_95 = arith.constant 64 : index
          %swap3A_96 = tpu.vector_load %arg13[%swap3A_94, %swap3A_95] {strides = array<i32>} : memref<128x128xf32, #tpu.memory_space<vmem>>, vector<16xf32>,
          tpu.vector_store %arg13[%swap3A_94, %swap3A_95], %mul3A_93 {strides = array<i32>} : memref<128x128xf32, #tpu.memory_space<vmem>>, vector<16xf32>,
          %get3A_97 = arith.index_cast %add3A_63 : i32 to index
          %get3A_98 = arith.constant 80 : index
          %get3A_99 = tpu.vector_load %arg13[%get3A_97, %get3A_98] {strides = array<i32>} : memref<128x128xf32, #tpu.memory_space<vmem>>, vector<16xf32>,
          %mul3A_100 = arith.mulf %get3A_99, %gather3A : vector<16xf32>
          %swap3A_101 = arith.index_cast %add3A_63 : i32 to index
          %swap3A_102 = arith.constant 80 : index
          %swap3A_103 = tpu.vector_load %arg13[%swap3A_101, %swap3A_102] {strides = array<i32>} : memref<128x128xf32, #tpu.memory_space<vmem>>, vector<16xf32>,
          tpu.vector_store %arg13[%swap3A_101, %swap3A_102], %mul3A_100 {strides = array<i32>} : memref<128x128xf32, #tpu.memory_space<vmem>>, vector<16xf32>,
          %get3A_104 = arith.index_cast %add3A_63 : i32 to index
          %get3A_105 = arith.constant 96 : index
          %get3A_106 = tpu.vector_load %arg13[%get3A_104, %get3A_105] {strides = array<i32>} : memref<128x128xf32, #tpu.memory_space<vmem>>, vector<16xf32>,
          %mul3A_107 = arith.mulf %get3A_106, %gather3A : vector<16xf32>
          %swap3A_108 = arith.index_cast %add3A_63 : i32 to index
          %swap3A_109 = arith.constant 96 : index
          %swap3A_110 = tpu.vector_load %arg13[%swap3A_108, %swap3A_109] {strides = array<i32>} : memref<128x128xf32, #tpu.memory_space<vmem>>, vector<16xf32>,
          tpu.vector_store %arg13[%swap3A_108, %swap3A_109], %mul3A_107 {strides = array<i32>} : memref<128x128xf32, #tpu.memory_space<vmem>>, vector<16xf32>,
          %get3A_111 = arith.index_cast %add3A_63 : i32 to index
          %get3A_112 = arith.constant 112 : index
          %get3A_113 = tpu.vector_load %arg13[%get3A_111, %get3A_112] {strides = array<i32>} : memref<128x128xf32, #tpu.memory_space<vmem>>, vector<16xf32>,
          %mul3A_114 = arith.mulf %get3A_113, %gather3A : vector<16xf32>
          %swap3A_115 = arith.index_cast %add3A_63 : i32 to index
          %swap3A_116 = arith.constant 112 : index
          %swap3A_117 = tpu.vector_load %arg13[%swap3A_115, %swap3A_116] {strides = array<i32>} : memref<128x128xf32, #tpu.memory_space<vmem>>, vector<16xf32>,
          tpu.vector_store %arg13[%swap3A_115, %swap3A_116], %mul3A_114 {strides = array<i32>} : memref<128x128xf32, #tpu.memory_space<vmem>>, vector<16xf32>,
        }
        %scan3A_58 = arith.constant 128 : i32
        "tpu.region"() ({
          %run_scoped3A = tpu.sem_alloc : memref<!tpu.dma_semaphore, #tpu.memory_space<semaphore_mem>>
          %dma_start3A = arith.constant 0 : i32
          %dma_start3A_59 = arith.constant 0 : i32
          %dma_start3A_60 = tpu.memref_slice %arg18[%dma_start3A, %dma_start3A_59] : memref<10000x128xf32, #tpu.memory_space<vmem_shared>> -> memref<10000x128xf32, #tpu.memory_space<vmem_shared>>
          tpu.enqueue_indirect_dma source(%arg13 : memref<128x128xf32, #tpu.memory_space<vmem>>) target(%dma_start3A_60 : memref<10000x128xf32, #tpu.memory_space<vmem_shared>>) offsets(%arg12 : memref<128xi32, #tpu.memory_space<vmem>>) semaphore(%run_scoped3A : memref<!tpu.dma_semaphore, #tpu.memory_space<semaphore_mem>>) {add = true}
          %dma_wait3A_61 = arith.constant 0 : i32
          %dma_wait3A_62 = arith.constant 0 : i32
          %dma_wait3A_63 = tpu.memref_slice %arg18[%dma_wait3A_61, %dma_wait3A_62] : memref<10000x128xf32, #tpu.memory_space<vmem_shared>> -> memref<10000x128xf32, #tpu.memory_space<vmem_shared>>
          tpu.wait_indirect_dma semaphore(%run_scoped3A : memref<!tpu.dma_semaphore, #tpu.memory_space<semaphore_mem>>) src(%arg13 : memref<128x128xf32, #tpu.memory_space<vmem>>) dst(%dma_wait3A_63 : memref<10000x128xf32, #tpu.memory_space<vmem_shared>>)
          tpu.yield
        }) : () -> ()
      } else {
      }
    }
    %scan3A_11 = arith.constant 40 : i32
    %barrier3A_12 = arith.constant 0 : index
    tpu.barrier barrier_id(%barrier3A_12)
    %scan3A_13 = arith.constant 0 : i32
    %scan3A_14 = arith.constant 5 : i32
    %scan3A_15 = arith.addi %scan3A_13, %scan3A_14 : i32
    %scan3A_16 = arith.constant 1 : i32
    scf.for %scan3A_18 = %scan3A_13 to %scan3A_15 step %scan3A_16  : i32 {
      %mul3A_19 = arith.constant 1 : i32
      %mul3A_20 = arith.muli %scan3A_18, %mul3A_19 : i32
      %add3A_21 = arith.constant 0 : i32
      %add3A_22 = arith.addi %add3A_21, %mul3A_20 : i32
      %mul3A_23 = arith.constant 16 : i32
      %mul3A_24 = arith.muli %add3A_22, %mul3A_23 : i32
      %add3A_25 = arith.addi %arg1, %mul3A_24 : i32
      %lt3A_26 = arith.constant 78 : i32
      %lt3A_27 = arith.cmpi slt, %add3A_25, %lt3A_26 : i32
      %convert_element_type3A_28 = arith.extui %lt3A_27 : i1 to i32
      %cond3A_29 = arith.constant 0 : i32
      %cond3A_30 = arith.cmpi ne, %convert_element_type3A_28, %cond3A_29 : i32
      scf.if %cond3A_30 {
        %scan3A_35 = arith.constant 0 : i32
        %scan3A_36 = arith.constant 8 : i32
        %scan3A_37 = arith.addi %scan3A_35, %scan3A_36 : i32
        %scan3A_38 = arith.constant 1 : i32
        scf.for %scan3A_42 = %scan3A_35 to %scan3A_37 step %scan3A_38  : i32 {
          %mul3A_43 = arith.constant 1 : i32
          %mul3A_44 = arith.muli %scan3A_42, %mul3A_43 : i32
          %add3A_45 = arith.constant 0 : i32
          %add3A_46 = arith.addi %add3A_45, %mul3A_44 : i32
          %mul3A_47 = arith.constant 128 : i32
          %mul3A_48 = arith.muli %add3A_25, %mul3A_47 : i32
          %mul3A_49 = arith.constant 16 : i32
          %mul3A_50 = arith.muli %add3A_46, %mul3A_49 : i32
          %add3A_51 = arith.addi %mul3A_48, %mul3A_50 : i32
          %add3A_52 = vector.broadcast %add3A_51 : i32 to vector<16xi32>
          %add3A_53 = arith.addi %add3A_52, %iota3A : vector<16xi32>
          %mul3A_54 = arith.constant 16 : i32
          %mul3A_55 = arith.muli %add3A_46, %mul3A_54 : i32
          %swap3A = arith.index_cast %mul3A_55 : i32 to index
          %swap3A_56 = tpu.vector_load %arg17[%swap3A] {strides = array<i32>} : memref<128xi32, #tpu.memory_space<vmem>>, vector<16xi32>,
          tpu.vector_store %arg17[%swap3A], %add3A_53 {strides = array<i32>} : memref<128xi32, #tpu.memory_space<vmem>>, vector<16xi32>,
        }
        %scan3A_39 = arith.constant 8 : i32
        "tpu.region"() ({
          %run_scoped3A = tpu.sem_alloc : memref<!tpu.dma_semaphore, #tpu.memory_space<semaphore_mem>>
          %dma_start3A = arith.constant 0 : i32
          %dma_start3A_42 = arith.constant 0 : i32
          %dma_start3A_43 = tpu.memref_slice %arg18[%dma_start3A, %dma_start3A_42] : memref<10000x128xf32, #tpu.memory_space<vmem_shared>> -> memref<10000x128xf32, #tpu.memory_space<vmem_shared>>
          tpu.enqueue_indirect_dma source(%dma_start3A_43 : memref<10000x128xf32, #tpu.memory_space<vmem_shared>>) target(%arg9 : memref<128x128xf32, #tpu.memory_space<vmem>>) offsets(%arg17 : memref<128xi32, #tpu.memory_space<vmem>>) semaphore(%run_scoped3A : memref<!tpu.dma_semaphore, #tpu.memory_space<semaphore_mem>>)
          %dma_wait3A = arith.constant 0 : i32
          %dma_wait3A_44 = arith.constant 0 : i32
          %dma_wait3A_45 = tpu.memref_slice %arg18[%dma_wait3A, %dma_wait3A_44] : memref<10000x128xf32, #tpu.memory_space<vmem_shared>> -> memref<10000x128xf32, #tpu.memory_space<vmem_shared>>
          tpu.wait_indirect_dma semaphore(%run_scoped3A : memref<!tpu.dma_semaphore, #tpu.memory_space<semaphore_mem>>) src(%dma_wait3A_45 : memref<10000x128xf32, #tpu.memory_space<vmem_shared>>) dst(%arg9 : memref<128x128xf32, #tpu.memory_space<vmem>>)
          tpu.yield
        }) : () -> ()
        %mul3A_40 = arith.constant 128 : i32
        %mul3A_41 = arith.muli %add3A_25, %mul3A_40 : i32
        "tpu.region"() ({
          %run_scoped3A = tpu.sem_alloc : memref<!tpu.dma_semaphore, #tpu.memory_space<semaphore_mem>>
          %dma_start3A = arith.constant 0 : i32
          %dma_start3A_42 = tpu.memref_slice %arg6[%arg0, %mul3A_41, %dma_start3A] : memref<2x10000x128xf32, #tpu.memory_space<hbm>> -> memref<1x128x128xf32, #tpu.memory_space<hbm>>
          %dma_start3A_43 = tpu.memref_squeeze %dma_start3A_42 : memref<1x128x128xf32, #tpu.memory_space<hbm>> -> memref<128x128xf32, #tpu.memory_space<hbm>>
          %dma_start3A_44 = arith.constant 0 : i32
          %dma_start3A_45 = tpu.memref_slice %arg6[%arg0, %mul3A_41, %dma_start3A_44] : memref<2x10000x128xf32, #tpu.memory_space<hbm>> -> memref<1x128x128xf32, #tpu.memory_space<hbm>>
          %dma_start3A_46 = tpu.memref_squeeze %dma_start3A_45 : memref<1x128x128xf32, #tpu.memory_space<hbm>> -> memref<128x128xf32, #tpu.memory_space<hbm>>
          tpu.enqueue_dma source(%arg9 : memref<128x128xf32, #tpu.memory_space<vmem>>) target(%dma_start3A_46 : memref<128x128xf32, #tpu.memory_space<hbm>>) target_semaphore(%run_scoped3A : memref<!tpu.dma_semaphore, #tpu.memory_space<semaphore_mem>>)
          %dma_wait3A = arith.constant 0 : i32
          %dma_wait3A_47 = tpu.memref_slice %arg6[%arg0, %mul3A_41, %dma_wait3A] : memref<2x10000x128xf32, #tpu.memory_space<hbm>> -> memref<1x128x128xf32, #tpu.memory_space<hbm>>
          %dma_wait3A_48 = tpu.memref_squeeze %dma_wait3A_47 : memref<1x128x128xf32, #tpu.memory_space<hbm>> -> memref<128x128xf32, #tpu.memory_space<hbm>>
          %dma_wait3A_49 = arith.constant 0 : i32
          %dma_wait3A_50 = tpu.memref_slice %arg6[%arg0, %mul3A_41, %dma_wait3A_49] : memref<2x10000x128xf32, #tpu.memory_space<hbm>> -> memref<1x128x128xf32, #tpu.memory_space<hbm>>
          %dma_wait3A_51 = tpu.memref_squeeze %dma_wait3A_50 : memref<1x128x128xf32, #tpu.memory_space<hbm>> -> memref<128x128xf32, #tpu.memory_space<hbm>>
          tpu.wait_dma2 semaphore(%run_scoped3A : memref<!tpu.dma_semaphore, #tpu.memory_space<semaphore_mem>>) src(%arg9 : memref<128x128xf32, #tpu.memory_space<vmem>>) dst(%dma_wait3A_51 : memref<128x128xf32, #tpu.memory_space<hbm>>)
          tpu.yield
        }) : () -> ()
      } else {
      }
      %eq3A = arith.constant 78 : i32
      %eq3A_31 = arith.cmpi eq, %add3A_25, %eq3A : i32
      %convert_element_type3A_32 = arith.extui %eq3A_31 : i1 to i32
      %cond3A_33 = arith.constant 0 : i32
      %cond3A_34 = arith.cmpi ne, %convert_element_type3A_32, %cond3A_33 : i32
      scf.if %cond3A_34 {
        %add3A_35 = arith.constant 9984 : i32
        %add3A_36 = vector.broadcast %add3A_35 : i32 to vector<16xi32>
        %add3A_37 = arith.addi %add3A_36, %iota3A : vector<16xi32>
        %swap3A = arith.constant 0 : index
        %swap3A_38 = tpu.vector_load %arg16[%swap3A] {strides = array<i32>} : memref<16xi32, #tpu.memory_space<vmem>>, vector<16xi32>,
        tpu.vector_store %arg16[%swap3A], %add3A_37 {strides = array<i32>} : memref<16xi32, #tpu.memory_space<vmem>>, vector<16xi32>,
        "tpu.region"() ({
          %run_scoped3A = tpu.sem_alloc : memref<!tpu.dma_semaphore, #tpu.memory_space<semaphore_mem>>
          %dma_start3A = arith.constant 0 : i32
          %dma_start3A_39 = arith.constant 0 : i32
          %dma_start3A_40 = tpu.memref_slice %arg18[%dma_start3A, %dma_start3A_39] : memref<10000x128xf32, #tpu.memory_space<vmem_shared>> -> memref<10000x128xf32, #tpu.memory_space<vmem_shared>>
          tpu.enqueue_indirect_dma source(%dma_start3A_40 : memref<10000x128xf32, #tpu.memory_space<vmem_shared>>) target(%arg15 : memref<16x128xf32, #tpu.memory_space<vmem>>) offsets(%arg16 : memref<16xi32, #tpu.memory_space<vmem>>) semaphore(%run_scoped3A : memref<!tpu.dma_semaphore, #tpu.memory_space<semaphore_mem>>)
          %dma_wait3A = arith.constant 0 : i32
          %dma_wait3A_41 = arith.constant 0 : i32
          %dma_wait3A_42 = tpu.memref_slice %arg18[%dma_wait3A, %dma_wait3A_41] : memref<10000x128xf32, #tpu.memory_space<vmem_shared>> -> memref<10000x128xf32, #tpu.memory_space<vmem_shared>>
          tpu.wait_indirect_dma semaphore(%run_scoped3A : memref<!tpu.dma_semaphore, #tpu.memory_space<semaphore_mem>>) src(%dma_wait3A_42 : memref<10000x128xf32, #tpu.memory_space<vmem_shared>>) dst(%arg15 : memref<16x128xf32, #tpu.memory_space<vmem>>)
          tpu.yield
        }) : () -> ()
        "tpu.region"() ({
          %run_scoped3A = tpu.sem_alloc : memref<!tpu.dma_semaphore, #tpu.memory_space<semaphore_mem>>
          %dma_start3A = arith.constant 9984 : i32
          %dma_start3A_39 = arith.constant 0 : i32
          %dma_start3A_40 = tpu.memref_slice %arg6[%arg0, %dma_start3A, %dma_start3A_39] : memref<2x10000x128xf32, #tpu.memory_space<hbm>> -> memref<1x16x128xf32, #tpu.memory_space<hbm>>
          %dma_start3A_41 = tpu.memref_squeeze %dma_start3A_40 : memref<1x16x128xf32, #tpu.memory_space<hbm>> -> memref<16x128xf32, #tpu.memory_space<hbm>>
          %dma_start3A_42 = arith.constant 9984 : i32
          %dma_start3A_43 = arith.constant 0 : i32
          %dma_start3A_44 = tpu.memref_slice %arg6[%arg0, %dma_start3A_42, %dma_start3A_43] : memref<2x10000x128xf32, #tpu.memory_space<hbm>> -> memref<1x16x128xf32, #tpu.memory_space<hbm>>
          %dma_start3A_45 = tpu.memref_squeeze %dma_start3A_44 : memref<1x16x128xf32, #tpu.memory_space<hbm>> -> memref<16x128xf32, #tpu.memory_space<hbm>>
          tpu.enqueue_dma source(%arg15 : memref<16x128xf32, #tpu.memory_space<vmem>>) target(%dma_start3A_45 : memref<16x128xf32, #tpu.memory_space<hbm>>) target_semaphore(%run_scoped3A : memref<!tpu.dma_semaphore, #tpu.memory_space<semaphore_mem>>)
          %dma_wait3A = arith.constant 9984 : i32
          %dma_wait3A_46 = arith.constant 0 : i32
          %dma_wait3A_47 = tpu.memref_slice %arg6[%arg0, %dma_wait3A, %dma_wait3A_46] : memref<2x10000x128xf32, #tpu.memory_space<hbm>> -> memref<1x16x128xf32, #tpu.memory_space<hbm>>
          %dma_wait3A_48 = tpu.memref_squeeze %dma_wait3A_47 : memref<1x16x128xf32, #tpu.memory_space<hbm>> -> memref<16x128xf32, #tpu.memory_space<hbm>>
          %dma_wait3A_49 = arith.constant 9984 : i32
          %dma_wait3A_50 = arith.constant 0 : i32
          %dma_wait3A_51 = tpu.memref_slice %arg6[%arg0, %dma_wait3A_49, %dma_wait3A_50] : memref<2x10000x128xf32, #tpu.memory_space<hbm>> -> memref<1x16x128xf32, #tpu.memory_space<hbm>>
          %dma_wait3A_52 = tpu.memref_squeeze %dma_wait3A_51 : memref<1x16x128xf32, #tpu.memory_space<hbm>> -> memref<16x128xf32, #tpu.memory_space<hbm>>
          tpu.wait_dma2 semaphore(%run_scoped3A : memref<!tpu.dma_semaphore, #tpu.memory_space<semaphore_mem>>) src(%arg15 : memref<16x128xf32, #tpu.memory_space<vmem>>) dst(%dma_wait3A_52 : memref<16x128xf32, #tpu.memory_space<hbm>>)
          tpu.yield
        }) : () -> ()
      } else {
      }
    }
    %scan3A_17 = arith.constant 5 : i32
    return
  }
}

#map = affine_map<(d0, d1) -> (0, 0)>
#map1 = affine_map<(d0, d1) -> (0)>
module attributes {stable_mosaic.version = 14 : i64} {
  func.func @_pass_b(%arg0: i32, %arg1: i32, %arg2: memref<2x320000xi32, #tpu.memory_space<hbm>>, %arg3: memref<320000xf32, #tpu.memory_space<hbm>>, %arg4: memref<320000xf32, #tpu.memory_space<hbm>>, %arg5: memref<80x128xf32, #tpu.memory_space<hbm>>, %arg6: memref<80x128xf32, #tpu.memory_space<hbm>>, %arg7: memref<320000xf32, #tpu.memory_space<hbm>>, %arg8: memref<128xi32, #tpu.memory_space<vmem>>, %arg9: memref<128xf32, #tpu.memory_space<vmem>>, %arg10: memref<128xf32, #tpu.memory_space<vmem>>, %arg11: memref<128xf32, #tpu.memory_space<vmem>>, %arg12: memref<80x128xf32, #tpu.memory_space<vmem>>, %arg13: memref<80x128xf32, #tpu.memory_space<vmem>>) attributes {dimension_semantics = [#tpu.dimension_semantics<core_parallel>, #tpu.dimension_semantics<subcore_parallel>], iteration_bounds = array<i64: 2, 16>, scalar_prefetch = 0 : i64, scratch_operands = 6 : i64, tpu.core_type = #tpu.core_type<sc_vector_subcore>, window_params = [{transform_indices = #map}, {transform_indices = #map1}, {transform_indices = #map1}, {transform_indices = #map}, {transform_indices = #map}, {transform_indices = #map1}]} {
    %mul3A = arith.constant 2 : i32
    %mul3A_0 = arith.muli %arg1, %mul3A : i32
    %add3A = arith.addi %mul3A_0, %arg0 : i32
    "tpu.region"() ({
      %run_scoped3A = tpu.sem_alloc : memref<!tpu.dma_semaphore, #tpu.memory_space<semaphore_mem>>
      tpu.enqueue_dma source(%arg5 : memref<80x128xf32, #tpu.memory_space<hbm>>) target(%arg12 : memref<80x128xf32, #tpu.memory_space<vmem>>) target_semaphore(%run_scoped3A : memref<!tpu.dma_semaphore, #tpu.memory_space<semaphore_mem>>)
      tpu.wait_dma2 semaphore(%run_scoped3A : memref<!tpu.dma_semaphore, #tpu.memory_space<semaphore_mem>>) src(%arg5 : memref<80x128xf32, #tpu.memory_space<hbm>>) dst(%arg12 : memref<80x128xf32, #tpu.memory_space<vmem>>)
      tpu.yield
    }) : () -> ()
    "tpu.region"() ({
      %run_scoped3A = tpu.sem_alloc : memref<!tpu.dma_semaphore, #tpu.memory_space<semaphore_mem>>
      tpu.enqueue_dma source(%arg6 : memref<80x128xf32, #tpu.memory_space<hbm>>) target(%arg13 : memref<80x128xf32, #tpu.memory_space<vmem>>) target_semaphore(%run_scoped3A : memref<!tpu.dma_semaphore, #tpu.memory_space<semaphore_mem>>)
      tpu.wait_dma2 semaphore(%run_scoped3A : memref<!tpu.dma_semaphore, #tpu.memory_space<semaphore_mem>>) src(%arg6 : memref<80x128xf32, #tpu.memory_space<hbm>>) dst(%arg13 : memref<80x128xf32, #tpu.memory_space<vmem>>)
      tpu.yield
    }) : () -> ()
    %scan3A = arith.constant 0 : i32
    %scan3A_1 = arith.constant 79 : i32
    %scan3A_2 = arith.addi %scan3A, %scan3A_1 : i32
    %scan3A_3 = arith.constant 1 : i32
    scf.for %scan3A_5 = %scan3A to %scan3A_2 step %scan3A_3  : i32 {
      %mul3A_6 = arith.constant 1 : i32
      %mul3A_7 = arith.muli %scan3A_5, %mul3A_6 : i32
      %add3A_8 = arith.constant 0 : i32
      %add3A_9 = arith.addi %add3A_8, %mul3A_7 : i32
      %mul3A_10 = arith.constant 32 : i32
      %mul3A_11 = arith.muli %add3A_9, %mul3A_10 : i32
      %add3A_12 = arith.addi %add3A, %mul3A_11 : i32
      %lt3A = arith.constant 2500 : i32
      %lt3A_13 = arith.cmpi slt, %add3A_12, %lt3A : i32
      %convert_element_type3A = arith.extui %lt3A_13 : i1 to i32
      %cond3A = arith.constant 0 : i32
      %cond3A_14 = arith.cmpi ne, %convert_element_type3A, %cond3A : i32
      scf.if %cond3A_14 {
        %mul3A_15 = arith.constant 128 : i32
        %mul3A_16 = arith.muli %add3A_12, %mul3A_15 : i32
        %run_scoped3A = arith.constant 1 : i32
        "tpu.region"() ({
          %run_scoped3A_22 = tpu.sem_alloc : memref<!tpu.dma_semaphore, #tpu.memory_space<semaphore_mem>>
          %dma_start3A = tpu.memref_slice %arg2[%run_scoped3A, %mul3A_16] : memref<2x320000xi32, #tpu.memory_space<hbm>> -> memref<1x128xi32, #tpu.memory_space<hbm>>
          %dma_start3A_23 = tpu.memref_squeeze %dma_start3A : memref<1x128xi32, #tpu.memory_space<hbm>> -> memref<128xi32, #tpu.memory_space<hbm>>
          %dma_start3A_24 = tpu.memref_slice %arg2[%run_scoped3A, %mul3A_16] : memref<2x320000xi32, #tpu.memory_space<hbm>> -> memref<1x128xi32, #tpu.memory_space<hbm>>
          %dma_start3A_25 = tpu.memref_squeeze %dma_start3A_24 : memref<1x128xi32, #tpu.memory_space<hbm>> -> memref<128xi32, #tpu.memory_space<hbm>>
          tpu.enqueue_dma source(%dma_start3A_25 : memref<128xi32, #tpu.memory_space<hbm>>) target(%arg8 : memref<128xi32, #tpu.memory_space<vmem>>) target_semaphore(%run_scoped3A_22 : memref<!tpu.dma_semaphore, #tpu.memory_space<semaphore_mem>>)
          %dma_wait3A = tpu.memref_slice %arg2[%run_scoped3A, %mul3A_16] : memref<2x320000xi32, #tpu.memory_space<hbm>> -> memref<1x128xi32, #tpu.memory_space<hbm>>
          %dma_wait3A_26 = tpu.memref_squeeze %dma_wait3A : memref<1x128xi32, #tpu.memory_space<hbm>> -> memref<128xi32, #tpu.memory_space<hbm>>
          %dma_wait3A_27 = tpu.memref_slice %arg2[%run_scoped3A, %mul3A_16] : memref<2x320000xi32, #tpu.memory_space<hbm>> -> memref<1x128xi32, #tpu.memory_space<hbm>>
          %dma_wait3A_28 = tpu.memref_squeeze %dma_wait3A_27 : memref<1x128xi32, #tpu.memory_space<hbm>> -> memref<128xi32, #tpu.memory_space<hbm>>
          tpu.wait_dma2 semaphore(%run_scoped3A_22 : memref<!tpu.dma_semaphore, #tpu.memory_space<semaphore_mem>>) src(%dma_wait3A_28 : memref<128xi32, #tpu.memory_space<hbm>>) dst(%arg8 : memref<128xi32, #tpu.memory_space<vmem>>)
          tpu.yield
        }) : () -> ()
        "tpu.region"() ({
          %run_scoped3A_22 = tpu.sem_alloc : memref<!tpu.dma_semaphore, #tpu.memory_space<semaphore_mem>>
          %dma_start3A = tpu.memref_slice %arg3[%mul3A_16] : memref<320000xf32, #tpu.memory_space<hbm>> -> memref<128xf32, #tpu.memory_space<hbm>>
          %dma_start3A_23 = tpu.memref_slice %arg3[%mul3A_16] : memref<320000xf32, #tpu.memory_space<hbm>> -> memref<128xf32, #tpu.memory_space<hbm>>
          tpu.enqueue_dma source(%dma_start3A_23 : memref<128xf32, #tpu.memory_space<hbm>>) target(%arg9 : memref<128xf32, #tpu.memory_space<vmem>>) target_semaphore(%run_scoped3A_22 : memref<!tpu.dma_semaphore, #tpu.memory_space<semaphore_mem>>)
          %dma_wait3A = tpu.memref_slice %arg3[%mul3A_16] : memref<320000xf32, #tpu.memory_space<hbm>> -> memref<128xf32, #tpu.memory_space<hbm>>
          %dma_wait3A_24 = tpu.memref_slice %arg3[%mul3A_16] : memref<320000xf32, #tpu.memory_space<hbm>> -> memref<128xf32, #tpu.memory_space<hbm>>
          tpu.wait_dma2 semaphore(%run_scoped3A_22 : memref<!tpu.dma_semaphore, #tpu.memory_space<semaphore_mem>>) src(%dma_wait3A_24 : memref<128xf32, #tpu.memory_space<hbm>>) dst(%arg9 : memref<128xf32, #tpu.memory_space<vmem>>)
          tpu.yield
        }) : () -> ()
        "tpu.region"() ({
          %run_scoped3A_22 = tpu.sem_alloc : memref<!tpu.dma_semaphore, #tpu.memory_space<semaphore_mem>>
          %dma_start3A = tpu.memref_slice %arg4[%mul3A_16] : memref<320000xf32, #tpu.memory_space<hbm>> -> memref<128xf32, #tpu.memory_space<hbm>>
          %dma_start3A_23 = tpu.memref_slice %arg4[%mul3A_16] : memref<320000xf32, #tpu.memory_space<hbm>> -> memref<128xf32, #tpu.memory_space<hbm>>
          tpu.enqueue_dma source(%dma_start3A_23 : memref<128xf32, #tpu.memory_space<hbm>>) target(%arg10 : memref<128xf32, #tpu.memory_space<vmem>>) target_semaphore(%run_scoped3A_22 : memref<!tpu.dma_semaphore, #tpu.memory_space<semaphore_mem>>)
          %dma_wait3A = tpu.memref_slice %arg4[%mul3A_16] : memref<320000xf32, #tpu.memory_space<hbm>> -> memref<128xf32, #tpu.memory_space<hbm>>
          %dma_wait3A_24 = tpu.memref_slice %arg4[%mul3A_16] : memref<320000xf32, #tpu.memory_space<hbm>> -> memref<128xf32, #tpu.memory_space<hbm>>
          tpu.wait_dma2 semaphore(%run_scoped3A_22 : memref<!tpu.dma_semaphore, #tpu.memory_space<semaphore_mem>>) src(%dma_wait3A_24 : memref<128xf32, #tpu.memory_space<hbm>>) dst(%arg10 : memref<128xf32, #tpu.memory_space<vmem>>)
          tpu.yield
        }) : () -> ()
        %scan3A_17 = arith.constant 0 : i32
        %scan3A_18 = arith.constant 8 : i32
        %scan3A_19 = arith.addi %scan3A_17, %scan3A_18 : i32
        %scan3A_20 = arith.constant 1 : i32
        scf.for %scan3A_22 = %scan3A_17 to %scan3A_19 step %scan3A_20  : i32 {
          %mul3A_23 = arith.constant 1 : i32
          %mul3A_24 = arith.muli %scan3A_22, %mul3A_23 : i32
          %add3A_25 = arith.constant 0 : i32
          %add3A_26 = arith.addi %add3A_25, %mul3A_24 : i32
          %mul3A_27 = arith.constant 16 : i32
          %mul3A_28 = arith.muli %add3A_26, %mul3A_27 : i32
          %get3A = arith.index_cast %mul3A_28 : i32 to index
          %get3A_29 = tpu.vector_load %arg8[%get3A] {strides = array<i32>} : memref<128xi32, #tpu.memory_space<vmem>>, vector<16xi32>,
          %shift_right_logical3A = arith.constant 7 : i32
          %shift_right_logical3A_30 = vector.broadcast %shift_right_logical3A : i32 to vector<16xi32>
          %shift_right_logical3A_31 = arith.shrui %get3A_29, %shift_right_logical3A_30 : vector<16xi32>
          %and3A = arith.constant 127 : i32
          %and3A_32 = vector.broadcast %and3A : i32 to vector<16xi32>
          %and3A_33 = arith.andi %get3A_29, %and3A_32 : vector<16xi32>
          %gather3A = tpu.vector_load_idx %arg12[%shift_right_logical3A_31, %and3A_33] : memref<80x128xf32, #tpu.memory_space<vmem>>[vector<16xi32>, vector<16xi32>], vector<16xf32>,
          %gather3A_34 = tpu.vector_load_idx %arg13[%shift_right_logical3A_31, %and3A_33] : memref<80x128xf32, #tpu.memory_space<vmem>>[vector<16xi32>, vector<16xi32>], vector<16xf32>,
          %mul3A_35 = arith.constant 16 : i32
          %mul3A_36 = arith.muli %add3A_26, %mul3A_35 : i32
          %get3A_37 = arith.index_cast %mul3A_36 : i32 to index
          %get3A_38 = tpu.vector_load %arg9[%get3A_37] {strides = array<i32>} : memref<128xf32, #tpu.memory_space<vmem>>, vector<16xf32>,
          %sub3A = arith.subf %get3A_38, %gather3A : vector<16xf32>
          %exp3A = math.exp %sub3A : vector<16xf32>
          %mul3A_39 = arith.constant 16 : i32
          %mul3A_40 = arith.muli %add3A_26, %mul3A_39 : i32
          %get3A_41 = arith.index_cast %mul3A_40 : i32 to index
          %get3A_42 = tpu.vector_load %arg10[%get3A_41] {strides = array<i32>} : memref<128xf32, #tpu.memory_space<vmem>>, vector<16xf32>,
          %sub3A_43 = arith.subf %get3A_42, %gather3A_34 : vector<16xf32>
          %exp3A_44 = math.exp %sub3A_43 : vector<16xf32>
          %mul3A_45 = arith.constant 5.000000e-01 : f32
          %mul3A_46 = vector.broadcast %mul3A_45 : f32 to vector<16xf32>
          %mul3A_47 = arith.mulf %mul3A_46, %exp3A : vector<16xf32>
          %mul3A_48 = arith.constant 5.000000e-01 : f32
          %mul3A_49 = vector.broadcast %mul3A_48 : f32 to vector<16xf32>
          %mul3A_50 = arith.mulf %mul3A_49, %exp3A_44 : vector<16xf32>
          %add3A_51 = arith.addf %mul3A_47, %mul3A_50 : vector<16xf32>
          %mul3A_52 = arith.constant 16 : i32
          %mul3A_53 = arith.muli %add3A_26, %mul3A_52 : i32
          %swap3A = arith.index_cast %mul3A_53 : i32 to index
          %swap3A_54 = tpu.vector_load %arg11[%swap3A] {strides = array<i32>} : memref<128xf32, #tpu.memory_space<vmem>>, vector<16xf32>,
          tpu.vector_store %arg11[%swap3A], %add3A_51 {strides = array<i32>} : memref<128xf32, #tpu.memory_space<vmem>>, vector<16xf32>,
        }
        %scan3A_21 = arith.constant 8 : i32
        "tpu.region"() ({
          %run_scoped3A_22 = tpu.sem_alloc : memref<!tpu.dma_semaphore, #tpu.memory_space<semaphore_mem>>
          %dma_start3A = tpu.memref_slice %arg7[%mul3A_16] : memref<320000xf32, #tpu.memory_space<hbm>> -> memref<128xf32, #tpu.memory_space<hbm>>
          %dma_start3A_23 = tpu.memref_slice %arg7[%mul3A_16] : memref<320000xf32, #tpu.memory_space<hbm>> -> memref<128xf32, #tpu.memory_space<hbm>>
          tpu.enqueue_dma source(%arg11 : memref<128xf32, #tpu.memory_space<vmem>>) target(%dma_start3A_23 : memref<128xf32, #tpu.memory_space<hbm>>) target_semaphore(%run_scoped3A_22 : memref<!tpu.dma_semaphore, #tpu.memory_space<semaphore_mem>>)
          %dma_wait3A = tpu.memref_slice %arg7[%mul3A_16] : memref<320000xf32, #tpu.memory_space<hbm>> -> memref<128xf32, #tpu.memory_space<hbm>>
          %dma_wait3A_24 = tpu.memref_slice %arg7[%mul3A_16] : memref<320000xf32, #tpu.memory_space<hbm>> -> memref<128xf32, #tpu.memory_space<hbm>>
          tpu.wait_dma2 semaphore(%run_scoped3A_22 : memref<!tpu.dma_semaphore, #tpu.memory_space<semaphore_mem>>) src(%arg11 : memref<128xf32, #tpu.memory_space<vmem>>) dst(%dma_wait3A_24 : memref<128xf32, #tpu.memory_space<hbm>>)
          tpu.yield
        }) : () -> ()
      } else {
      }
    }
    %scan3A_4 = arith.constant 79 : i32
    return
  }
}

module attributes {stable_mosaic.version = 14 : i64} {
  func.func @_ab_body(%arg0: memref<80x128x128xf32, #tpu.memory_space<vmem>>, %arg1: memref<1x128xf32, #tpu.memory_space<vmem>>, %arg2: memref<1x128xf32, #tpu.memory_space<vmem>>, %arg3: memref<80x128xf32, #tpu.memory_space<vmem>>, %arg4: memref<80x128xf32, #tpu.memory_space<vmem>>) attributes {dimension_semantics = [], scalar_prefetch = 0 : i64, scratch_operands = 0 : i64, tpu.core_type = #tpu.core_type<tc>} {
    %get3A = arith.constant 0 : index
    %get3A_0 = arith.constant 0 : index
    %get3A_1 = arith.constant 0 : index
    %get3A_2 = vector.load %arg0[%get3A, %get3A_0, %get3A_1] : memref<80x128x128xf32, #tpu.memory_space<vmem>>, vector<80x128x128xf32>
    %get3A_3 = arith.constant 0 : index
    %get3A_4 = arith.constant 0 : index
    %get3A_5 = vector.load %arg1[%get3A_3, %get3A_4] : memref<1x128xf32, #tpu.memory_space<vmem>>, vector<1x128xf32>
    %squeeze3A = vector.shape_cast %get3A_5 : vector<1x128xf32> to vector<128xf32>
    %broadcast_in_dim3A = vector.shape_cast %squeeze3A : vector<128xf32> to vector<1x1x128xf32>
    %mul3A = vector.broadcast %broadcast_in_dim3A : vector<1x1x128xf32> to vector<80x128x128xf32>
    %mul3A_6 = arith.mulf %get3A_2, %mul3A : vector<80x128x128xf32>
    %reduce_sum3A = arith.constant dense<0.000000e+00> : vector<80x128xf32>
    %reduce_sum3A_7 = vector.multi_reduction <add>, %mul3A_6, %reduce_sum3A [2] : vector<80x128x128xf32> to vector<80x128xf32>
    %swap3A = arith.constant 0 : index
    %swap3A_8 = arith.constant 0 : index
    %swap3A_9 = vector.load %arg3[%swap3A, %swap3A_8] : memref<80x128xf32, #tpu.memory_space<vmem>>, vector<80x128xf32>
    tpu.vector_store %arg3[%swap3A, %swap3A_8], %reduce_sum3A_7 {strides = array<i32>} : memref<80x128xf32, #tpu.memory_space<vmem>>, vector<80x128xf32>,
    %get3A_10 = arith.constant 0 : index
    %get3A_11 = arith.constant 0 : index
    %get3A_12 = vector.load %arg2[%get3A_10, %get3A_11] : memref<1x128xf32, #tpu.memory_space<vmem>>, vector<1x128xf32>
    %squeeze3A_13 = vector.shape_cast %get3A_12 : vector<1x128xf32> to vector<128xf32>
    %broadcast_in_dim3A_14 = vector.shape_cast %squeeze3A_13 : vector<128xf32> to vector<1x1x128xf32>
    %mul3A_15 = vector.broadcast %broadcast_in_dim3A_14 : vector<1x1x128xf32> to vector<80x128x128xf32>
    %mul3A_16 = arith.mulf %get3A_2, %mul3A_15 : vector<80x128x128xf32>
    %reduce_sum3A_17 = arith.constant dense<0.000000e+00> : vector<80x128xf32>
    %reduce_sum3A_18 = vector.multi_reduction <add>, %mul3A_16, %reduce_sum3A_17 [2] : vector<80x128x128xf32> to vector<80x128xf32>
    %swap3A_19 = arith.constant 0 : index
    %swap3A_20 = arith.constant 0 : index
    %swap3A_21 = vector.load %arg4[%swap3A_19, %swap3A_20] : memref<80x128xf32, #tpu.memory_space<vmem>>, vector<80x128xf32>
    tpu.vector_store %arg4[%swap3A_19, %swap3A_20], %reduce_sum3A_18 {strides = array<i32>} : memref<80x128xf32, #tpu.memory_space<vmem>>, vector<80x128xf32>,
    return
  }
}

module attributes {stable_mosaic.version = 14 : i64} {
  func.func @_q_body(%arg0: memref<32x80x128xf32, #tpu.memory_space<vmem>>, %arg1: memref<32x80x128xf32, #tpu.memory_space<vmem>>, %arg2: memref<32x80x128xf32, #tpu.memory_space<vmem>>, %arg3: memref<80x128xf32, #tpu.memory_space<vmem>>, %arg4: memref<80x128xf32, #tpu.memory_space<vmem>>) attributes {dimension_semantics = [], scalar_prefetch = 0 : i64, scratch_operands = 0 : i64, tpu.core_type = #tpu.core_type<tc>} {
    %get3A = arith.constant 0 : index
    %get3A_0 = arith.constant 0 : index
    %get3A_1 = arith.constant 0 : index
    %get3A_2 = vector.load %arg2[%get3A, %get3A_0, %get3A_1] : memref<32x80x128xf32, #tpu.memory_space<vmem>>, vector<32x80x128xf32>
    %reduce_sum3A = arith.constant dense<0.000000e+00> : vector<80x128xf32>
    %reduce_sum3A_3 = vector.multi_reduction <add>, %get3A_2, %reduce_sum3A [0] : vector<32x80x128xf32> to vector<80x128xf32>
    %get3A_4 = arith.constant 0 : index
    %get3A_5 = arith.constant 0 : index
    %get3A_6 = arith.constant 0 : index
    %get3A_7 = vector.load %arg0[%get3A_4, %get3A_5, %get3A_6] : memref<32x80x128xf32, #tpu.memory_space<vmem>>, vector<32x80x128xf32>
    %reduce_max3A = arith.constant dense<0xFF800000> : vector<80x128xf32>
    %reduce_max3A_8 = vector.multi_reduction <maximumf>, %get3A_7, %reduce_max3A [0] : vector<32x80x128xf32> to vector<80x128xf32>
    %get3A_9 = arith.constant 0 : index
    %get3A_10 = arith.constant 0 : index
    %get3A_11 = arith.constant 0 : index
    %get3A_12 = vector.load %arg1[%get3A_9, %get3A_10, %get3A_11] : memref<32x80x128xf32, #tpu.memory_space<vmem>>, vector<32x80x128xf32>
    %get3A_13 = arith.constant 0 : index
    %get3A_14 = arith.constant 0 : index
    %get3A_15 = arith.constant 0 : index
    %get3A_16 = vector.load %arg0[%get3A_13, %get3A_14, %get3A_15] : memref<32x80x128xf32, #tpu.memory_space<vmem>>, vector<32x80x128xf32>
    %broadcast_in_dim3A = vector.shape_cast %reduce_max3A_8 : vector<80x128xf32> to vector<1x80x128xf32>
    %sub3A = vector.broadcast %broadcast_in_dim3A : vector<1x80x128xf32> to vector<32x80x128xf32>
    %sub3A_17 = arith.subf %get3A_16, %sub3A : vector<32x80x128xf32>
    %exp3A = math.exp %sub3A_17 : vector<32x80x128xf32>
    %mul3A = arith.mulf %get3A_12, %exp3A : vector<32x80x128xf32>
    %reduce_sum3A_18 = arith.constant dense<0.000000e+00> : vector<80x128xf32>
    %reduce_sum3A_19 = vector.multi_reduction <add>, %mul3A, %reduce_sum3A_18 [0] : vector<32x80x128xf32> to vector<80x128xf32>
    %log3A = math.log %reduce_sum3A_3 : vector<80x128xf32>
    %swap3A = arith.constant 0 : index
    %swap3A_20 = arith.constant 0 : index
    %swap3A_21 = vector.load %arg3[%swap3A, %swap3A_20] : memref<80x128xf32, #tpu.memory_space<vmem>>, vector<80x128xf32>
    tpu.vector_store %arg3[%swap3A, %swap3A_20], %log3A {strides = array<i32>} : memref<80x128xf32, #tpu.memory_space<vmem>>, vector<80x128xf32>,
    %log3A_22 = math.log %reduce_sum3A_19 : vector<80x128xf32>
    %add3A = arith.addf %reduce_max3A_8, %log3A_22 : vector<80x128xf32>
    %swap3A_23 = arith.constant 0 : index
    %swap3A_24 = arith.constant 0 : index
    %swap3A_25 = vector.load %arg4[%swap3A_23, %swap3A_24] : memref<80x128xf32, #tpu.memory_space<vmem>>, vector<80x128xf32>
    tpu.vector_store %arg4[%swap3A_23, %swap3A_24], %add3A {strides = array<i32>} : memref<80x128xf32, #tpu.memory_space<vmem>>, vector<80x128xf32>,
    return
  }
}

module attributes {stable_mosaic.version = 14 : i64} {
  func.func @_out_body(%arg0: memref<2x10000x128xf32, #tpu.memory_space<vmem>>, %arg1: memref<128x128xf32, #tpu.memory_space<vmem>>, %arg2: memref<1x128xf32, #tpu.memory_space<vmem>>, %arg3: memref<10000x128xf32, #tpu.memory_space<vmem>>) attributes {dimension_semantics = [], scalar_prefetch = 0 : i64, scratch_operands = 0 : i64, tpu.core_type = #tpu.core_type<tc>} {
    %get3A = arith.constant 0 : index
    %get3A_0 = arith.constant 0 : index
    %get3A_1 = arith.constant 0 : index
    %get3A_2 = vector.load %arg0[%get3A, %get3A_0, %get3A_1] : memref<2x10000x128xf32, #tpu.memory_space<vmem>>, vector<1x10000x128xf32>
    %get3A_3 = vector.shape_cast %get3A_2 : vector<1x10000x128xf32> to vector<10000x128xf32>
    %get3A_4 = arith.constant 1 : index
    %get3A_5 = arith.constant 0 : index
    %get3A_6 = arith.constant 0 : index
    %get3A_7 = vector.load %arg0[%get3A_4, %get3A_5, %get3A_6] : memref<2x10000x128xf32, #tpu.memory_space<vmem>>, vector<1x10000x128xf32>
    %get3A_8 = vector.shape_cast %get3A_7 : vector<1x10000x128xf32> to vector<10000x128xf32>
    %add3A = arith.addf %get3A_3, %get3A_8 : vector<10000x128xf32>
    %get3A_9 = arith.constant 0 : index
    %get3A_10 = arith.constant 0 : index
    %get3A_11 = vector.load %arg1[%get3A_9, %get3A_10] : memref<128x128xf32, #tpu.memory_space<vmem>>, vector<128x128xf32>
    %dot_general3A = arith.constant dense<0.000000e+00> : vector<10000x128xf32>
    %dot_general3A_12 = tpu.matmul %add3A, %get3A_11, %dot_general3A {dimension_numbers = #tpu.dot_dimension_numbers<[1], [1], [0], [0], [0, 0, 1, 0], [], []>, transpose_lhs_hint = false} : vector<10000x128xf32>, vector<128x128xf32>, vector<10000x128xf32> -> vector<10000x128xf32>
    %get3A_13 = arith.constant 0 : index
    %get3A_14 = arith.constant 0 : index
    %get3A_15 = vector.load %arg2[%get3A_13, %get3A_14] : memref<1x128xf32, #tpu.memory_space<vmem>>, vector<1x128xf32>
    %add3A_16 = vector.broadcast %get3A_15 : vector<1x128xf32> to vector<10000x128xf32>
    %add3A_17 = arith.addf %dot_general3A_12, %add3A_16 : vector<10000x128xf32>
    %swap3A = arith.constant 0 : index
    %swap3A_18 = arith.constant 0 : index
    %swap3A_19 = vector.load %arg3[%swap3A, %swap3A_18] : memref<10000x128xf32, #tpu.memory_space<vmem>>, vector<10000x128xf32>
    tpu.vector_store %arg3[%swap3A, %swap3A_18], %add3A_17 {strides = array<i32>} : memref<10000x128xf32, #tpu.memory_space<vmem>>, vector<10000x128xf32>,
    return
  }
}

</mosaic_0001>

<sc_bundles>
// kernel: kernel.11.cloned.1.call-start
scs
__scs_entry_jumppad:
0x0: {  	(pc) =	sbr.rel $0x88, $3  }
0x1: {  	(tag) =	ssettag $0x0;
	lr =	simm.s32 $0x1  }
0x2: {  	[smem:$0x3F9B] =	sst lr;
	_ =	strace $0xD0000000  }
0x3: {  	_ = 	snop  }
0x4: {  	_ = 	snop  }
0x5: {  	_ = 	snop  }
0x6: {  	_ = 	snop  }
0x7: {  	_ = 	snop  }
__scs_overlays_trampoline_lowered:
0x8: {  	[smem:$0x3FAA] =	sst s0  }
0x9: {  	[smem:$0x3FAB] =	sst s1  }
0xa: {  	[smem:$0x3FAC] =	sst s2  }
0xb: {  	[smem:$0x3FAD] =	sst s3  }
0xc: {  	[smem:$0x3FAE] =	sst s4  }
0xd: {  	[smem:$0x3FAF] =	sst s5  }
0xe: {  	[smem:$0x3FB0] =	sst s6  }
0xf: {  	[smem:$0x3FB1] =	sst s7  }
0x10: {  	[smem:$0x3FB2] =	sst s8  }
0x11: {  	[smem:$0x3FB3] =	sst s9;
	s0 =	simm.s32 @!p0 $0x0  }
0x12: {  	s1 =	sld [smem:$0x3F99];
	s0 =	simm.s32 @p0 $0x1  }
0x13: {  	[smem:$0x3FB4] =	sst s0;
	s0 =	simm.s32 @!p1 $0x0  }
0x14: {  	s2 =	sld [smem:$0x3F98];
	s0 =	simm.s32 @p1 $0x1  }
0x15: {  	[smem:$0x3FB5] =	sst s0;
	s0 =	simm.s32 @!p2 $0x0  }
0x16: {  	s3 =	sld [smem:$0x3FDB];
	s0 =	simm.s32 @p2 $0x1  }
0x17: {  	s4 =	simm.s32 $0x1BF5;
	[smem:$0x3FB7] =	sst s0  }
0x18: {  	s0 =	sld [smem:$0x3F9A];
	_ =	swait.ge [sflag:s4], $0x0  }
0x19: {  	s7 =	sld [smem:$0x3F9B]  }
0x1a: {  	s8 =	sadd.s32 $0xFFFFE003, lr  }
0x1b: {  	s9 =	sadd.s32 $0xFFFFFEF7, lr;
	s5 =	simm.s32 $0xFFFFFFFF;
	p2 =	slt.u32 s8, $0xFFFFF086  }
0x1c: {  	p1 =	slt.u32 s9, $0xF7A;
	s5 =	simm.s32 @!p2 $0x0  }
0x1d: {  	s5 =	simm.s32 @p1 $0x1;
	p0 =	seq.s32 s7, s2  }
0x1e: {  	s7 =	smul.u32 @!p0 $0xF7A, s2;
	p2 =	seq.s32 @!p0 s5, $0x0  }
0x1f: {  	s9 =	smul.u32 $0xF7A, s1;
	s8 =	simm.s32 @!p0 $0x1BF5;
	p2 =	por !p2, p0  }
0x20: {  	[sflag:s8] =	ssyncset.s32 @!p0 $0xFFFFF086;
	s6 =	sadd.s32 @!p0 s3, s7;
	s7 =	simm.s32 @!p0 $0x108  }
0x21: {  	s3 =	sadd.s32 s3, s9;
	s6 =	sadd.s32 @!p0 $0x88, s6;
	s7 =	simm.s32 @p2 $0x1082  }
0x22: {  	[simem:s7], [sflag:s8] =	dma.local @!p0 [hbm:s6], $0xF7A  }
0x23: {  	s9 =	sor.u32 $0xD0000000, s2;
	s6 =	simm.s32 $0x108;
	_ =	swait.ge @!p0 [sflag:s8], $0x0  }
0x24: {  	s3 =	sadd.s32 $0x88, s3;
	s6 =	simm.s32 @!p1 $0x1082;
	[sflag:s4] =	ssyncset.s32 $0xFFFFF086  }
0x25: {  	[simem:s6], [sflag:s4] =	dma.local [hbm:s3], $0xF7A  }
0x26: {  	[smem:$0x3F9B] =	sst s1;
	(tag) =	ssettag s2;
	_ =	strace s9  }
0x27: {  	s1 =	sld [smem:$0x3FAB]  }
0x28: {  	s2 =	sld [smem:$0x3FAC]  }
0x29: {  	s4 =	sld [smem:$0x3FAE]  }
0x2a: {  	p0 =	seq.s32 s5, $0x0;
	s5 =	sld [smem:$0x3FAF]  }
0x2b: {  	s6 =	sld [smem:$0x3FB0]  }
0x2c: {  	s7 =	sld [smem:$0x3FB1]  }
0x2d: {  	s3 =	simm.s32 $0x108;
	s8 =	sld [smem:$0x3FB2]  }
0x2e: {  	s3 =	simm.s32 @!p0 $0x1082;
	s9 =	sld [smem:$0x3FB3]  }
0x2f: {  	lr =	sadd.s32 s0, s3;
	s0 =	sld [smem:$0x3FAA]  }
0x30: {  	s3 =	sld [smem:$0x3FAD]  }
0x31: {  	[smem:$0x3FB6] =	sst s10  }
0x32: {  	s10 =	sld [smem:$0x3FB4];
	_ =	sdelay $0x3  }
0x33: {  	p0 =	seq.s32 s10, $0x1;
	s10 =	sld [smem:$0x3FB6];
	_ =	sdelay $0x3  }
0x34: {  	[smem:$0x3FB6] =	sst s10  }
0x35: {  	s10 =	sld [smem:$0x3FB5];
	_ =	sdelay $0x3  }
0x36: {  	p1 =	seq.s32 s10, $0x1;
	s10 =	sld [smem:$0x3FB6];
	_ =	sdelay $0x3  }
0x37: {  	[smem:$0x3FB6] =	sst s10  }
0x38: {  	s10 =	sld [smem:$0x3FB7]  }
0x39: {  	_ = 	snop;
	(pc) =	sbr.ind lr, $3  }
0x3a: {  	_ = 	snop  }
0x3b: {  	_ = 	snop  }
0x3c: {  	p2 =	seq.s32 s10, $0x1;
	s10 =	sld [smem:$0x3FB6]  }
0x3d: {  	_ =	shalt  }
0x3e: {  	_ =	shalt  }
0x3f: {  	_ =	shalt  }
0x40: {  	_ =	shalt  }
0x41: {  	_ =	shalt  }
0x42: {  	_ =	shalt  }
0x43: {  	_ =	shalt  }
0x44: {  	_ =	shalt  }
0x45: {  	_ =	shalt  }
0x46: {  	_ =	shalt  }
0x47: {  	_ =	shalt  }
0x48: {  	_ =	shalt  }
0x49: {  	_ =	shalt  }
0x4a: {  	_ =	shalt  }
0x4b: {  	_ =	shalt  }
0x4c: {  	_ =	shalt  }
0x4d: {  	_ =	shalt  }
0x4e: {  	_ =	shalt  }
0x4f: {  	_ =	shalt  }
0x50: {  	_ =	shalt  }
0x51: {  	_ =	shalt  }
0x52: {  	_ =	shalt  }
0x53: {  	_ =	shalt  }
0x54: {  	_ =	shalt  }
0x55: {  	_ =	shalt  }
0x56: {  	_ =	shalt  }
0x57: {  	_ =	shalt  }
0x58: {  	_ =	shalt  }
0x59: {  	_ =	shalt  }
0x5a: {  	_ =	shalt  }
0x5b: {  	_ =	shalt  }
0x5c: {  	_ =	shalt  }
0x5d: {  	_ =	shalt  }
0x5e: {  	_ =	shalt  }
0x5f: {  	_ =	shalt  }
0x60: {  	_ =	shalt  }
0x61: {  	_ =	shalt  }
0x62: {  	_ =	shalt  }
0x63: {  	_ =	shalt  }
0x64: {  	_ =	shalt  }
0x65: {  	_ =	shalt  }
0x66: {  	_ =	shalt  }
0x67: {  	_ =	shalt  }
0x68: {  	_ =	shalt  }
0x69: {  	_ =	shalt  }
0x6a: {  	_ =	shalt  }
0x6b: {  	_ =	shalt  }
0x6c: {  	_ =	shalt  }
0x6d: {  	_ =	shalt  }
0x6e: {  	_ =	shalt  }
0x6f: {  	_ =	shalt  }
0x70: {  	_ =	shalt  }
0x71: {  	_ =	shalt  }
0x72: {  	_ =	shalt  }
0x73: {  	_ =	shalt  }
0x74: {  	_ =	shalt  }
0x75: {  	_ =	shalt  }
0x76: {  	_ =	shalt  }
0x77: {  	_ =	shalt  }
0x78: {  	_ =	shalt  }
0x79: {  	_ =	shalt  }
0x7a: {  	_ =	shalt  }
0x7b: {  	_ =	shalt  }
0x7c: {  	_ =	shalt  }
0x7d: {  	_ =	shalt  }
0x7e: {  	_ =	shalt  }
0x7f: {  	_ =	shalt  }
0x80: {  	_ =	shalt  }
0x81: {  	_ =	shalt  }
0x82: {  	_ =	shalt  }
0x83: {  	_ =	shalt  }
0x84: {  	_ =	shalt  }
0x85: {  	_ =	shalt  }
0x86: {  	_ =	shalt  }
0x87: {  	_ =	shalt  }
.Lfunc_end0:
.L_simem_size_0:
called_computation.1_lowered:
.L_overlay_start_0:
0x88: {  	s2 =	sld [smem:$0x3FD9]  }
0x89: {  	s3 =	sld [smem:$0x3FFE];
	_ =	sdelay $0x1  }
0x8a: {  	s1 =	srdreg.scid  }
0x8b: {  	s0 =	sand.u32 $0x1, s1  }
0x8c: {  	s17 =	sshll.u32 s0, $0xA;
	s2 =	sadd.s32 s3, s2  }
0x8d: {  	s2 =	sadd.s32 s2, s17  }
0x8e: {  	[smem:$0x3FC2] =	sst s2  }
0x8f: {  	_ = 	snop  }
0x90: {  	s2 =	sld [smem:$0x3FC7]  }
0x91: {  	s18 =	sld [smem:$0x3FD0];
	(tm) =	ssettm $0x1  }
0x92: {  	s4 =	sld [smem:$0x3FFB];
	_ =	sdelay $0x3  }
0x93: {  	_ =	strace s4  }
0x94: {  	s4 =	sld [smem:$0x3FFC];
	_ =	sdelay $0x3  }
0x95: {  	_ =	strace s4  }
0x96: {  	s4 =	sld [smem:$0x3FFD];
	_ =	sdelay $0x3  }
0x97: {  	_ =	strace s4  }
0x98: {  	_ =	strace $0x8FFFFFFF  }
0x99: {  	s19 =	sld [smem:$0x3FDB];
	_ =	sdelay $0x1  }
0x9a: {  	s5 =	simm.s32 $_scs_section_size  }
0x9b: {  	s6 =	simm.s32 $_size__tile_overlayer_lowered;
	s7 =	simm.s32 $_tile_overlayer_lowered  }
0x9c: {  	s22 =	simm.s32 $0x1BFF;
	s21 =	sshll.u32 s7, $0x1;
	s4 =	sadd.s32 s5, s19  }
0x9d: {  	s8 =	simm.s32 $0x0;
	s20 =	sshll.u32 s6, $0x1;
	s6 =	sadd.s32 s21, s4  }
0x9e: {  	[timem:s8], [sflag:s22] =	dma.local [hbm:s6], s20  }
0x9f: {  	_ =	swait.ge [sflag:s22], s20  }
0xa0: {  	s5 =	ssub.s32 $0x0, s20;
	[sflag:s22] =	ssyncset.done $0x0  }
0xa1: {  	[sflag:s22] =	ssyncadd.s32 s5;
	_ =	sdelay $0x1  }
0xa2: {  	s23 =	simm.s32 $0x1B8B  }
0xa3: {  	_ =	swait.ge [sflag:s23], $0x1  }
0xa4: {  	[sflag:s23] =	ssyncset.done $0x0  }
0xa5: {  	s25 =	simm.s32 $0x1B8E;
	s24 =	sld [smem:$0x3FFE];
	[sflag:s23] =	ssyncadd.s32 $0xFFFFFFFF  }
0xa6: {  	s26 =	simm.s32 $execute0_lowered;
	[smem:$0x3FD2] =	sst s25  }
0xa7: {  	s6 =	sshll.u32 s26, $0x1;
	_ =	strace $0x80000049;
	[dreg:$0x1] =	wrdreg $0xFFFFFFFF  }
0xa8: {  	s28 =	simm.s32 $_size_execute0_lowered;
	s4 =	sadd.s32 s4, s6;
	[dreg:$0x0] =	wrdreg $0x0  }
0xa9: {  	s6 =	sshll.u32 s28, $0x1;
	[dreg:$0x2] =	wrdreg s4  }
0xaa: {  	[dreg:$0x3] =	wrdreg s6  }
0xab: {  	[dreg:$0x4] =	wrdreg $0xC0  }
0xac: {  	_ =	task [dreg:s8], $0x5FFFF  }
0xad: {  	[dreg:$0x1] =	wrdreg $0xFFFFFFFF  }
0xae: {  	[dreg:$0x0] =	wrdreg $0x60  }
0xaf: {  	[dreg:$0x2] =	wrdreg s2  }
0xb0: {  	[dreg:$0x3] =	wrdreg s24  }
0xb1: {  	[dreg:$0x4] =	wrdreg s18  }
0xb2: {  	[dreg:$0x5] =	wrdreg $0x9  }
0xb3: {  	_ =	task.clear_ibuf [dreg:s8], $0x6FFFF;
	_ =	strace $0x90000049  }
0xb4: {  	s29 =	simm.s32 $0x9;
	_ =	strace $0x8000004B  }
0xb5: {  	_ =	swait.ge [sflag:s29], $0x1  }
0xb6: {  	[sflag:s29] =	ssyncadd.s32 $0xFFFFFFFF  }
0xb7: {  	_ =	strace $0x9000004B  }
0xb8: {  	_ =	sfence  }
0xb9: {  	s30 =	sld [smem:$0x0];
	_ =	sdelay $0x2  }
0xba: {  	s31 =	sshll.u32 s1, $0xD;
	s1 =	sshrl.u32 s1, $0x2  }
0xbb: {  	s3 =	sand.u32 $0x4000, s31;
	s1 =	sadd.s32 s1, s30  }
0xbc: {  	s0 =	sor.u32 s3, s0;
	s1 =	sshll.u32 s1, $0x11  }
0xbd: {  	s0 =	sor.u32 s1, s0  }
0xbe: {  	s0 =	sadd.s32 $0x8F2B, s0  }
0xbf: {  	[sflag:s0] =	ssyncadd.remote.s32 $0x1  }
0xc0: {  	_ =	sfence.sel $0xFFFF  }
0xc1: {  	[dreg:$0x0] =	wrdreg $0xFFFFFFFF;
	(pc) =	sbr.abs _section_cstart, $3  }
0xc2: {  	[dreg:$0x1] =	wrdreg $0xFFFFFFFF  }
0xc3: {  	_ =	task.clear_ibuf [dreg:s8], $0x2FFFF;
	_ =	strace $0x9FFFFFFF  }
0xc4: {  	(tm) =	ssettm $0x7FFFFFFF  }
0xc5: {  	_ =	shalt  }
tec
execute0_lowered:
.L_overlay_start_1:
0x0: {  	(tag) =	ssettag $0x1  }
0x1: {  	s7 =	rddreg [dreg:$0x0]  }
0x2: {  	s4 =	rddreg [dreg:$0x1]  }
0x3: {  	s8 =	rddreg [dreg:$0x2]  }
0x4: {  	s0 =	rddreg [dreg:$0x3];
	s3 =	srdreg.scid;
	s2 =	simm.s32 $0x0  }
0x5: {  	s1 =	stileid.u32;
	s13 =	simm.s32 $0x2A00;
	s14 =	simm.s32 $0x2  }
0x6: {  	s15 =	simm.s32 $0x80;
	s16 =	simm.s32 $0x100;
	s17 =	simm.s32 $0x180  }
0x7: {  	s18 =	simm.s32 $0x0;
	s9 =	sand.u32 $0x1, s3;
	[smem:$0x7FF] =	sst s2  }
0x8: {  	s10 =	sshll.u32 s1, $0x5;
	s3 =	sadd.s32 $0x2A00, s4;
	s12 =	sshll.u32 s1, $0x6  }
0x9: {  	s5 =	ssub.s32 $0x2, s9;
	_ =	strace $0x8000004A;
	s11 =	sadd.s32 s10, s4  }
0xa: {  	s4 =	sadd.s32 $0x3000, s4;
	s7 =	sadd.s32 s12, s7;
	s30 =	sshll.u32 s9, $0x5  }
.Ltmp0:
0xb: {  	s9 =	sshll.u32 s9, $0x4;
	s8 =	sadd.s32 s10, s8;
	(pc) =	sbr.rel .LBB2_1-.Ltmp0, $4  }
0xc: {  	s12 =	simm.s32 $0x1;
	s6 =	sshrl.u32 s5, $0x1;
	s7 =	sadd.s32 s30, s7  }
0xd: {  	s31 =	sadd.s32 s9, s11;
	s8 =	sadd.s32 s9, s8;
	s11 =	simm.s32 $0x200  }
0xe: {  	s6 =	ssub.s32 s5, s6;
	s5 =	sshll.u32 s1, $0x1;
	s7 =	sadd.s32 $0x10, s7  }
0xf: {  	s9 =	sadd.s32 $0x22000, s31;
	s10 =	sadd.s32 $0x18200, s31;
	s6 =	smax.u32 s6, $0x1  }
.LBB2_5:
0x10: {  	s18 =	sadd.s32 $0x1, s18  }
0x11: {  	p0 =	sne.s32 s18, s6  }
.Ltmp1:
0x12: {  	_ = 	snop;
	(pc) =	sbr.rel @!p0 .LBB2_6-.Ltmp1, $1  }
0x13: {  	_ =	sdelay $0x3  }
.LBB2_1:
0x14: {  	[tilespmem:s11], [sflag:$0x1] =	stream.linear.gather [hbm4b:s3+s2], $0x2800, $0x38;
	[tilespmem:$0x5200] =	vst v63  }
0x15: {  	_ =	swait.ge [sflag:s12], $0x2800  }
0x16: {  	[sflag:s12] =	ssyncset.done $0x0  }
.Ltmp2:
0x17: {  	[sflag:s12] =	ssyncadd.s32 $0xFFFFD800;
	(pc) =	sbr.rel .LBB2_2-.Ltmp2, $4  }
0x18: {  	[tilespmem:s13], [sflag:$0x1] =	stream.linear.gather [hbm4b:s4+s2], $0x2800, $0x38;
	[tilespmem:$0x5200] =	vst v63  }
0x19: {  	_ =	swait.ge [sflag:s12], $0x2800  }
0x1a: {  	s19 =	smov.u32 s5;
	[sflag:s12] =	ssyncset.done $0x0  }
0x1b: {  	s20 =	smov.u32 s7;
	s21 =	simm.s32 $0x0;
	[sflag:s12] =	ssyncadd.s32 $0xFFFFD800  }
.LBB2_4:
0x1c: {  	s21 =	sadd.s32 $0x200, s21  }
0x1d: {  	p0 =	sne.s32 s21, $0x9E00  }
.Ltmp3:
0x1e: {  	_ = 	snop;
	(pc) =	sbr.rel @!p0 .LBB2_5-.Ltmp3, $2  }
0x1f: {  	_ =	sdelay $0x2  }
0x20: {  	s20 =	sadd.s32 $0x400, s20;
	s19 =	sadd.s32 $0x20, s19  }
.LBB2_2:
0x21: {  	p0 =	sgt.u32 s19, $0x9C3  }
.Ltmp4:
0x22: {  	_ = 	snop;
	(pc) =	sbr.rel @p0 .LBB2_4-.Ltmp4, $1  }
0x23: {  	_ =	sdelay $0x3  }
0x24: {  	[tilespmem:s2], [sflag:$0x2] =	stream.linear.gather [hbm4b:s20+s2], $0x80, $0x38;
	[tilespmem:$0x5200] =	vst v63  }
0x25: {  	_ =	swait.ge [sflag:s14], $0x80  }
0x26: {  	[sflag:s14] =	ssyncset.done $0x0  }
0x27: {  	s22 =	sadd.s32 s21, s10;
	[sflag:s14] =	ssyncadd.s32 $0xFFFFFF80  }
0x28: {  	[tilespmem:s15], [sflag:$0x2] =	stream.linear.gather [hbm4b:s22+s2], $0x80, $0x38;
	[tilespmem:$0x5200] =	vst v63  }
0x29: {  	_ =	swait.ge [sflag:s14], $0x80  }
0x2a: {  	[sflag:s14] =	ssyncset.done $0x0  }
0x2b: {  	s30 =	sadd.s32 s21, s9;
	[sflag:s14] =	ssyncadd.s32 $0xFFFFFF80  }
0x2c: {  	[tilespmem:s16], [sflag:$0x2] =	stream.linear.gather [hbm4b:s30+s2], $0x80, $0x38;
	[tilespmem:$0x5200] =	vst v63  }
0x2d: {  	_ =	swait.ge [sflag:s14], $0x80  }
0x2e: {  	[sflag:s14] =	ssyncset.done $0x0  }
0x2f: {  	[sflag:s14] =	ssyncadd.s32 $0xFFFFFF80  }
0x30: {  	v0 =	vld [tilespmem:$0x0];
	_ =	sdelay $0x5  }
0x31: {  	v2 =	vld [tilespmem:$0x80]  }
0x32: {  	v3 =	vld [tilespmem:$0x100]  }
0x33: {  	v1 =	vld.idx.msk [tilespmem:v0+s11+$0x0], $0xffff  }
0x34: {  	v0 =	vld.idx.msk [tilespmem:v0+s13+$0x0], $0xffff;
	_ =	sdelay $0x3  }
0x35: {  	v1 =	vsub.f32 v2, v1  }
0x36: {  	v0 =	vsub.f32 v3, v0  }
0x37: {  	v1 =	vmul.f32 $1.442695020e+00, v1  }
0x38: {  	v0 =	vmul.f32 $1.442695020e+00, v0  }
0x39: {  	(erf) = vpow2.f32 v1  }
0x3a: {  	(erf) = vpow2.f32 v0;
	_ =	sdelay $0x6  }
0x3b: {  	v34 =	vld [tilespmem:$0x10]  }
0x3c: {  	v1 =	vpop (erf)  }
0x3d: {  	v35 =	vpop (erf)  }
0x3e: {  	v1 =	vmul.f32 $5.000000000e-01, v1;
	v2 =	vmul.f32 $5.000000000e-01, v35;
	_ =	sdelay $0x1  }
0x3f: {  	v1 =	vadd.f32 v2, v1  }
0x40: {  	v36 =	vld [tilespmem:$0x90]  }
0x41: {  	v37 =	vld [tilespmem:$0x110];
	[tilespmem:$0x180] =	vst v1  }
0x42: {  	v1 =	vld.idx.msk [tilespmem:v34+s11+$0x0], $0xffff  }
0x43: {  	v0 =	vld.idx.msk [tilespmem:v34+s13+$0x0], $0xffff;
	_ =	sdelay $0x3  }
0x44: {  	v1 =	vsub.f32 v36, v1  }
0x45: {  	v0 =	vsub.f32 v37, v0  }
0x46: {  	v1 =	vmul.f32 $1.442695020e+00, v1  }
0x47: {  	v0 =	vmul.f32 $1.442695020e+00, v0  }
0x48: {  	(erf) = vpow2.f32 v1  }
0x49: {  	(erf) = vpow2.f32 v0;
	_ =	sdelay $0x6  }
0x4a: {  	v38 =	vld [tilespmem:$0x20]  }
0x4b: {  	v1 =	vpop (erf)  }
0x4c: {  	v39 =	vpop (erf)  }
0x4d: {  	v1 =	vmul.f32 $5.000000000e-01, v1;
	v2 =	vmul.f32 $5.000000000e-01, v39;
	_ =	sdelay $0x1  }
0x4e: {  	v1 =	vadd.f32 v2, v1  }
0x4f: {  	v40 =	vld [tilespmem:$0xA0]  }
0x50: {  	v41 =	vld [tilespmem:$0x120];
	[tilespmem:$0x190] =	vst v1  }
0x51: {  	v1 =	vld.idx.msk [tilespmem:v38+s11+$0x0], $0xffff  }
0x52: {  	v0 =	vld.idx.msk [tilespmem:v38+s13+$0x0], $0xffff;
	_ =	sdelay $0x3  }
0x53: {  	v1 =	vsub.f32 v40, v1  }
0x54: {  	v0 =	vsub.f32 v41, v0  }
0x55: {  	v1 =	vmul.f32 $1.442695020e+00, v1  }
0x56: {  	v0 =	vmul.f32 $1.442695020e+00, v0  }
0x57: {  	(erf) = vpow2.f32 v1  }
0x58: {  	(erf) = vpow2.f32 v0;
	_ =	sdelay $0x6  }
0x59: {  	v42 =	vld [tilespmem:$0x30]  }
0x5a: {  	v1 =	vpop (erf)  }
0x5b: {  	v43 =	vpop (erf)  }
0x5c: {  	v1 =	vmul.f32 $5.000000000e-01, v1;
	v2 =	vmul.f32 $5.000000000e-01, v43;
	_ =	sdelay $0x1  }
0x5d: {  	v1 =	vadd.f32 v2, v1  }
0x5e: {  	v44 =	vld [tilespmem:$0xB0]  }
0x5f: {  	v45 =	vld [tilespmem:$0x130];
	[tilespmem:$0x1A0] =	vst v1  }
0x60: {  	v1 =	vld.idx.msk [tilespmem:v42+s11+$0x0], $0xffff  }
0x61: {  	v0 =	vld.idx.msk [tilespmem:v42+s13+$0x0], $0xffff;
	_ =	sdelay $0x3  }
0x62: {  	v1 =	vsub.f32 v44, v1  }
0x63: {  	v0 =	vsub.f32 v45, v0  }
0x64: {  	v1 =	vmul.f32 $1.442695020e+00, v1  }
0x65: {  	v0 =	vmul.f32 $1.442695020e+00, v0  }
0x66: {  	(erf) = vpow2.f32 v1  }
0x67: {  	(erf) = vpow2.f32 v0;
	_ =	sdelay $0x6  }
0x68: {  	v46 =	vld [tilespmem:$0x40]  }
0x69: {  	v1 =	vpop (erf)  }
0x6a: {  	v47 =	vpop (erf)  }
0x6b: {  	v1 =	vmul.f32 $5.000000000e-01, v1;
	v2 =	vmul.f32 $5.000000000e-01, v47;
	_ =	sdelay $0x1  }
0x6c: {  	v1 =	vadd.f32 v2, v1  }
0x6d: {  	v48 =	vld [tilespmem:$0xC0]  }
0x6e: {  	v49 =	vld [tilespmem:$0x140];
	[tilespmem:$0x1B0] =	vst v1  }
0x6f: {  	v1 =	vld.idx.msk [tilespmem:v46+s11+$0x0], $0xffff  }
0x70: {  	v0 =	vld.idx.msk [tilespmem:v46+s13+$0x0], $0xffff;
	_ =	sdelay $0x3  }
0x71: {  	v1 =	vsub.f32 v48, v1  }
0x72: {  	v0 =	vsub.f32 v49, v0  }
0x73: {  	v1 =	vmul.f32 $1.442695020e+00, v1  }
0x74: {  	v0 =	vmul.f32 $1.442695020e+00, v0  }
0x75: {  	(erf) = vpow2.f32 v1  }
0x76: {  	(erf) = vpow2.f32 v0;
	_ =	sdelay $0x6  }
0x77: {  	v50 =	vld [tilespmem:$0x50]  }
0x78: {  	v1 =	vpop (erf)  }
0x79: {  	v51 =	vpop (erf)  }
0x7a: {  	v1 =	vmul.f32 $5.000000000e-01, v1;
	v2 =	vmul.f32 $5.000000000e-01, v51;
	_ =	sdelay $0x1  }
0x7b: {  	v1 =	vadd.f32 v2, v1  }
0x7c: {  	v52 =	vld [tilespmem:$0xD0]  }
0x7d: {  	v53 =	vld [tilespmem:$0x150];
	[tilespmem:$0x1C0] =	vst v1  }
0x7e: {  	v1 =	vld.idx.msk [tilespmem:v50+s11+$0x0], $0xffff  }
0x7f: {  	v0 =	vld.idx.msk [tilespmem:v50+s13+$0x0], $0xffff;
	_ =	sdelay $0x3  }
0x80: {  	v1 =	vsub.f32 v52, v1  }
0x81: {  	v0 =	vsub.f32 v53, v0  }
0x82: {  	v1 =	vmul.f32 $1.442695020e+00, v1  }
0x83: {  	v0 =	vmul.f32 $1.442695020e+00, v0  }
0x84: {  	(erf) = vpow2.f32 v1  }
0x85: {  	(erf) = vpow2.f32 v0;
	_ =	sdelay $0x6  }
0x86: {  	v54 =	vld [tilespmem:$0x60]  }
0x87: {  	v1 =	vpop (erf)  }
0x88: {  	v55 =	vpop (erf)  }
0x89: {  	v1 =	vmul.f32 $5.000000000e-01, v1;
	v2 =	vmul.f32 $5.000000000e-01, v55;
	_ =	sdelay $0x1  }
0x8a: {  	v1 =	vadd.f32 v2, v1  }
0x8b: {  	v56 =	vld [tilespmem:$0xE0]  }
0x8c: {  	v57 =	vld [tilespmem:$0x160];
	[tilespmem:$0x1D0] =	vst v1  }
0x8d: {  	v1 =	vld.idx.msk [tilespmem:v54+s11+$0x0], $0xffff  }
0x8e: {  	v0 =	vld.idx.msk [tilespmem:v54+s13+$0x0], $0xffff;
	_ =	sdelay $0x3  }
0x8f: {  	v1 =	vsub.f32 v56, v1  }
0x90: {  	v0 =	vsub.f32 v57, v0  }
0x91: {  	v1 =	vmul.f32 $1.442695020e+00, v1  }
0x92: {  	v0 =	vmul.f32 $1.442695020e+00, v0  }
0x93: {  	(erf) = vpow2.f32 v1  }
0x94: {  	(erf) = vpow2.f32 v0;
	_ =	sdelay $0x6  }
0x95: {  	v58 =	vld [tilespmem:$0x70]  }
0x96: {  	v1 =	vpop (erf)  }
0x97: {  	v59 =	vpop (erf)  }
0x98: {  	v1 =	vmul.f32 $5.000000000e-01, v1;
	v2 =	vmul.f32 $5.000000000e-01, v59;
	_ =	sdelay $0x1  }
0x99: {  	v1 =	vadd.f32 v2, v1  }
0x9a: {  	v60 =	vld [tilespmem:$0xF0]  }
0x9b: {  	v61 =	vld [tilespmem:$0x170];
	[tilespmem:$0x1E0] =	vst v1  }
0x9c: {  	v1 =	vld.idx.msk [tilespmem:v58+s11+$0x0], $0xffff  }
0x9d: {  	v0 =	vld.idx.msk [tilespmem:v58+s13+$0x0], $0xffff;
	_ =	sdelay $0x3  }
0x9e: {  	v1 =	vsub.f32 v60, v1  }
0x9f: {  	v0 =	vsub.f32 v61, v0  }
0xa0: {  	v1 =	vmul.f32 $1.442695020e+00, v1  }
0xa1: {  	v0 =	vmul.f32 $1.442695020e+00, v0  }
0xa2: {  	(erf) = vpow2.f32 v1  }
0xa3: {  	(erf) = vpow2.f32 v0;
	_ =	sdelay $0x7  }
0xa4: {  	v62 =	vpop (erf)  }
0xa5: {  	v63 =	vpop (erf)  }
0xa6: {  	v0 =	vmul.f32 $5.000000000e-01, v62;
	v1 =	vmul.f32 $5.000000000e-01, v63;
	_ =	sdelay $0x1  }
0xa7: {  	v0 =	vadd.f32 v1, v0;
	_ =	sdelay $0x1  }
.Ltmp5:
0xa8: {  	s31 =	sadd.s32 s21, s8;
	[tilespmem:$0x1F0] =	vst v0;
	(pc) =	sbr.rel .LBB2_4-.Ltmp5, $4  }
0xa9: {  	[hbm4b:s31+s2] =	stream.linear.scatter [tilespmem:s17], [sflag:$0x1], $0x80, $0x38;
	[tilespmem:$0x5200] =	vst v63  }
0xaa: {  	_ =	swait.ge [sflag:s12], $0x80  }
0xab: {  	[sflag:s12] =	ssyncset.done $0x0  }
0xac: {  	[sflag:s12] =	ssyncadd.s32 $0xFFFFFF80  }
.LBB2_6:
0xad: {  	_ =	sfence.sel $0x180000  }
0xae: {  	[bflag:$0x0] =	sbarrier.arrive $0xFFFF  }
0xaf: {  	p0 =	sne.s32 s1, $0x0;
	_ =	strace $0x9000004A  }
0xb0: {  	s0 =	sadd.s32 @!p0 $0x100000, s0;
	[bflag:$0x2] =	sbarrier.arrive $0xFFFF  }
0xb1: {  	[sflag:s0] =	ssyncadd.tile.s32 @!p0 $0x1;
	_ =	shalt  }
.Lfunc_end2:
_tile_overlayer_lowered:
.L_overlay_start_2:
0xb2: {  	(tag) =	ssettag $0x2  }
0xb3: {  	s0 =	rddreg [dreg:$0x0];
	s2 =	stileid.u32  }
0xb4: {  	s1 =	rddreg [dreg:$0x1];
	p0 =	sne.s32 s2, $0x0  }
0xb5: {  	s3 =	rddreg [dreg:$0x2];
	[bflag:$0x3] =	sbarrier.arrive $0xFFFF;
	s2 =	simm.s32 @!p0 $0x1C01  }
0xb6: {  	[timem:s3], [sflag:s2] =	dma.local @!p0 [hbm:s0], s1  }
0xb7: {  	s0 =	simm.s32 @!p0 $0x1  }
0xb8: {  	_ =	swait.ge @!p0 [sflag:s0], s1  }
0xb9: {  	s1 =	ssub.s32 @!p0 $0x0, s1;
	[sflag:s0] =	ssyncset.done @!p0 $0x0  }
0xba: {  	[sflag:s0] =	ssyncadd.s32 @!p0 s1  }
0xbb: {  	[bflag:$0x3] =	sbarrier.arrive $0xFFFF  }
0xbc: {  	_ =	shalt  }

// kernel: kernel.14.cloned.1.call-start
scs
__scs_entry_jumppad:
0x0: {  	(pc) =	sbr.rel $0x88, $3  }
0x1: {  	(tag) =	ssettag $0x0;
	lr =	simm.s32 $0x1  }
0x2: {  	[smem:$0x3F9B] =	sst lr;
	_ =	strace $0xD0000000  }
0x3: {  	_ = 	snop  }
0x4: {  	_ = 	snop  }
0x5: {  	_ = 	snop  }
0x6: {  	_ = 	snop  }
0x7: {  	_ = 	snop  }
__scs_overlays_trampoline_lowered:
0x8: {  	[smem:$0x3FAA] =	sst s0  }
0x9: {  	[smem:$0x3FAB] =	sst s1  }
0xa: {  	[smem:$0x3FAC] =	sst s2  }
0xb: {  	[smem:$0x3FAD] =	sst s3  }
0xc: {  	[smem:$0x3FAE] =	sst s4  }
0xd: {  	[smem:$0x3FAF] =	sst s5  }
0xe: {  	[smem:$0x3FB0] =	sst s6  }
0xf: {  	[smem:$0x3FB1] =	sst s7  }
0x10: {  	[smem:$0x3FB2] =	sst s8  }
0x11: {  	[smem:$0x3FB3] =	sst s9;
	s0 =	simm.s32 @!p0 $0x0  }
0x12: {  	s1 =	sld [smem:$0x3F99];
	s0 =	simm.s32 @p0 $0x1  }
0x13: {  	[smem:$0x3FB4] =	sst s0;
	s0 =	simm.s32 @!p1 $0x0  }
0x14: {  	s2 =	sld [smem:$0x3F98];
	s0 =	simm.s32 @p1 $0x1  }
0x15: {  	[smem:$0x3FB5] =	sst s0;
	s0 =	simm.s32 @!p2 $0x0  }
0x16: {  	s3 =	sld [smem:$0x3FDB];
	s0 =	simm.s32 @p2 $0x1  }
0x17: {  	s4 =	simm.s32 $0x1BF5;
	[smem:$0x3FB7] =	sst s0  }
0x18: {  	s0 =	sld [smem:$0x3F9A];
	_ =	swait.ge [sflag:s4], $0x0  }
0x19: {  	s7 =	sld [smem:$0x3F9B]  }
0x1a: {  	s8 =	sadd.s32 $0xFFFFE003, lr  }
0x1b: {  	s9 =	sadd.s32 $0xFFFFFEF7, lr;
	s5 =	simm.s32 $0xFFFFFFFF;
	p2 =	slt.u32 s8, $0xFFFFF086  }
0x1c: {  	p1 =	slt.u32 s9, $0xF7A;
	s5 =	simm.s32 @!p2 $0x0  }
0x1d: {  	s5 =	simm.s32 @p1 $0x1;
	p0 =	seq.s32 s7, s2  }
0x1e: {  	s7 =	smul.u32 @!p0 $0xF7A, s2;
	p2 =	seq.s32 @!p0 s5, $0x0  }
0x1f: {  	s9 =	smul.u32 $0xF7A, s1;
	s8 =	simm.s32 @!p0 $0x1BF5;
	p2 =	por !p2, p0  }
0x20: {  	[sflag:s8] =	ssyncset.s32 @!p0 $0xFFFFF086;
	s6 =	sadd.s32 @!p0 s3, s7;
	s7 =	simm.s32 @!p0 $0x108  }
0x21: {  	s3 =	sadd.s32 s3, s9;
	s6 =	sadd.s32 @!p0 $0x88, s6;
	s7 =	simm.s32 @p2 $0x1082  }
0x22: {  	[simem:s7], [sflag:s8] =	dma.local @!p0 [hbm:s6], $0xF7A  }
0x23: {  	s9 =	sor.u32 $0xD0000000, s2;
	s6 =	simm.s32 $0x108;
	_ =	swait.ge @!p0 [sflag:s8], $0x0  }
0x24: {  	s3 =	sadd.s32 $0x88, s3;
	s6 =	simm.s32 @!p1 $0x1082;
	[sflag:s4] =	ssyncset.s32 $0xFFFFF086  }
0x25: {  	[simem:s6], [sflag:s4] =	dma.local [hbm:s3], $0xF7A  }
0x26: {  	[smem:$0x3F9B] =	sst s1;
	(tag) =	ssettag s2;
	_ =	strace s9  }
0x27: {  	s1 =	sld [smem:$0x3FAB]  }
0x28: {  	s2 =	sld [smem:$0x3FAC]  }
0x29: {  	s4 =	sld [smem:$0x3FAE]  }
0x2a: {  	p0 =	seq.s32 s5, $0x0;
	s5 =	sld [smem:$0x3FAF]  }
0x2b: {  	s6 =	sld [smem:$0x3FB0]  }
0x2c: {  	s7 =	sld [smem:$0x3FB1]  }
0x2d: {  	s3 =	simm.s32 $0x108;
	s8 =	sld [smem:$0x3FB2]  }
0x2e: {  	s3 =	simm.s32 @!p0 $0x1082;
	s9 =	sld [smem:$0x3FB3]  }
0x2f: {  	lr =	sadd.s32 s0, s3;
	s0 =	sld [smem:$0x3FAA]  }
0x30: {  	s3 =	sld [smem:$0x3FAD]  }
0x31: {  	[smem:$0x3FB6] =	sst s10  }
0x32: {  	s10 =	sld [smem:$0x3FB4];
	_ =	sdelay $0x3  }
0x33: {  	p0 =	seq.s32 s10, $0x1;
	s10 =	sld [smem:$0x3FB6];
	_ =	sdelay $0x3  }
0x34: {  	[smem:$0x3FB6] =	sst s10  }
0x35: {  	s10 =	sld [smem:$0x3FB5];
	_ =	sdelay $0x3  }
0x36: {  	p1 =	seq.s32 s10, $0x1;
	s10 =	sld [smem:$0x3FB6];
	_ =	sdelay $0x3  }
0x37: {  	[smem:$0x3FB6] =	sst s10  }
0x38: {  	s10 =	sld [smem:$0x3FB7]  }
0x39: {  	_ = 	snop;
	(pc) =	sbr.ind lr, $3  }
0x3a: {  	_ = 	snop  }
0x3b: {  	_ = 	snop  }
0x3c: {  	p2 =	seq.s32 s10, $0x1;
	s10 =	sld [smem:$0x3FB6]  }
0x3d: {  	_ =	shalt  }
0x3e: {  	_ =	shalt  }
0x3f: {  	_ =	shalt  }
0x40: {  	_ =	shalt  }
0x41: {  	_ =	shalt  }
0x42: {  	_ =	shalt  }
0x43: {  	_ =	shalt  }
0x44: {  	_ =	shalt  }
0x45: {  	_ =	shalt  }
0x46: {  	_ =	shalt  }
0x47: {  	_ =	shalt  }
0x48: {  	_ =	shalt  }
0x49: {  	_ =	shalt  }
0x4a: {  	_ =	shalt  }
0x4b: {  	_ =	shalt  }
0x4c: {  	_ =	shalt  }
0x4d: {  	_ =	shalt  }
0x4e: {  	_ =	shalt  }
0x4f: {  	_ =	shalt  }
0x50: {  	_ =	shalt  }
0x51: {  	_ =	shalt  }
0x52: {  	_ =	shalt  }
0x53: {  	_ =	shalt  }
0x54: {  	_ =	shalt  }
0x55: {  	_ =	shalt  }
0x56: {  	_ =	shalt  }
0x57: {  	_ =	shalt  }
0x58: {  	_ =	shalt  }
0x59: {  	_ =	shalt  }
0x5a: {  	_ =	shalt  }
0x5b: {  	_ =	shalt  }
0x5c: {  	_ =	shalt  }
0x5d: {  	_ =	shalt  }
0x5e: {  	_ =	shalt  }
0x5f: {  	_ =	shalt  }
0x60: {  	_ =	shalt  }
0x61: {  	_ =	shalt  }
0x62: {  	_ =	shalt  }
0x63: {  	_ =	shalt  }
0x64: {  	_ =	shalt  }
0x65: {  	_ =	shalt  }
0x66: {  	_ =	shalt  }
0x67: {  	_ =	shalt  }
0x68: {  	_ =	shalt  }
0x69: {  	_ =	shalt  }
0x6a: {  	_ =	shalt  }
0x6b: {  	_ =	shalt  }
0x6c: {  	_ =	shalt  }
0x6d: {  	_ =	shalt  }
0x6e: {  	_ =	shalt  }
0x6f: {  	_ =	shalt  }
0x70: {  	_ =	shalt  }
0x71: {  	_ =	shalt  }
0x72: {  	_ =	shalt  }
0x73: {  	_ =	shalt  }
0x74: {  	_ =	shalt  }
0x75: {  	_ =	shalt  }
0x76: {  	_ =	shalt  }
0x77: {  	_ =	shalt  }
0x78: {  	_ =	shalt  }
0x79: {  	_ =	shalt  }
0x7a: {  	_ =	shalt  }
0x7b: {  	_ =	shalt  }
0x7c: {  	_ =	shalt  }
0x7d: {  	_ =	shalt  }
0x7e: {  	_ =	shalt  }
0x7f: {  	_ =	shalt  }
0x80: {  	_ =	shalt  }
0x81: {  	_ =	shalt  }
0x82: {  	_ =	shalt  }
0x83: {  	_ =	shalt  }
0x84: {  	_ =	shalt  }
0x85: {  	_ =	shalt  }
0x86: {  	_ =	shalt  }
0x87: {  	_ =	shalt  }
.Lfunc_end0:
.L_simem_size_0:
called_computation.2_lowered:
.L_overlay_start_0:
0x88: {  	s2 =	sld [smem:$0x3FD9]  }
0x89: {  	s3 =	sld [smem:$0x3FFE];
	_ =	sdelay $0x1  }
0x8a: {  	s1 =	srdreg.scid  }
0x8b: {  	s0 =	sand.u32 $0x1, s1  }
0x8c: {  	s17 =	sshll.u32 s0, $0xA;
	s2 =	sadd.s32 s3, s2  }
0x8d: {  	s2 =	sadd.s32 s2, s17  }
0x8e: {  	[smem:$0x3FC2] =	sst s2  }
0x8f: {  	_ = 	snop  }
0x90: {  	s2 =	sld [smem:$0x3FC9]  }
0x91: {  	s18 =	sld [smem:$0x3FC7]  }
0x92: {  	s4 =	sld [smem:$0x3FD0];
	(tm) =	ssettm $0x1  }
0x93: {  	s5 =	sld [smem:$0x3FFB];
	_ =	sdelay $0x3  }
0x94: {  	_ =	strace s5  }
0x95: {  	s5 =	sld [smem:$0x3FFC];
	_ =	sdelay $0x3  }
0x96: {  	_ =	strace s5  }
0x97: {  	s5 =	sld [smem:$0x3FFD];
	_ =	sdelay $0x3  }
0x98: {  	_ =	strace s5  }
0x99: {  	_ =	strace $0x8FFFFFFF  }
0x9a: {  	s19 =	sld [smem:$0x3FDB];
	_ =	sdelay $0x1  }
0x9b: {  	s6 =	simm.s32 $_scs_section_size  }
0x9c: {  	s7 =	simm.s32 $_size__tile_overlayer_lowered;
	s8 =	simm.s32 $_tile_overlayer_lowered  }
0x9d: {  	s22 =	simm.s32 $0x1BFF;
	s21 =	sshll.u32 s8, $0x1;
	s5 =	sadd.s32 s6, s19  }
0x9e: {  	s9 =	simm.s32 $0x0;
	s20 =	sshll.u32 s7, $0x1;
	s7 =	sadd.s32 s21, s5  }
0x9f: {  	[timem:s9], [sflag:s22] =	dma.local [hbm:s7], s20  }
0xa0: {  	_ =	swait.ge [sflag:s22], s20  }
0xa1: {  	s6 =	ssub.s32 $0x0, s20;
	[sflag:s22] =	ssyncset.done $0x0  }
0xa2: {  	[sflag:s22] =	ssyncadd.s32 s6;
	_ =	sdelay $0x1  }
0xa3: {  	s23 =	simm.s32 $0x1B8B  }
0xa4: {  	_ =	swait.ge [sflag:s23], $0x1  }
0xa5: {  	[sflag:s23] =	ssyncset.done $0x0  }
0xa6: {  	s25 =	simm.s32 $0x1B8E;
	s24 =	sld [smem:$0x3FFE];
	[sflag:s23] =	ssyncadd.s32 $0xFFFFFFFF  }
0xa7: {  	s26 =	simm.s32 $execute0_lowered;
	[smem:$0x3FD2] =	sst s25  }
0xa8: {  	s7 =	sshll.u32 s26, $0x1;
	_ =	strace $0x8000004C;
	[dreg:$0x1] =	wrdreg $0xFFFFFFFF  }
0xa9: {  	s28 =	simm.s32 $_size_execute0_lowered;
	s5 =	sadd.s32 s5, s7;
	[dreg:$0x0] =	wrdreg $0x0  }
0xaa: {  	s7 =	sshll.u32 s28, $0x1;
	[dreg:$0x2] =	wrdreg s5  }
0xab: {  	[dreg:$0x3] =	wrdreg s7  }
0xac: {  	[dreg:$0x4] =	wrdreg $0xC0  }
0xad: {  	_ =	task [dreg:s9], $0x5FFFF  }
0xae: {  	[dreg:$0x1] =	wrdreg $0xFFFFFFFF  }
0xaf: {  	[dreg:$0x0] =	wrdreg $0x60  }
0xb0: {  	[dreg:$0x2] =	wrdreg s2  }
0xb1: {  	[dreg:$0x3] =	wrdreg s18  }
0xb2: {  	[dreg:$0x4] =	wrdreg s4  }
0xb3: {  	[dreg:$0x5] =	wrdreg s24  }
0xb4: {  	[dreg:$0x6] =	wrdreg $0x8C000  }
0xb5: {  	[dreg:$0x7] =	wrdreg $0x9  }
0xb6: {  	_ =	task.clear_ibuf [dreg:s9], $0x8FFFF;
	_ =	strace $0x9000004C  }
0xb7: {  	s29 =	simm.s32 $0x9;
	_ =	strace $0x8000004E  }
0xb8: {  	_ =	swait.ge [sflag:s29], $0x1  }
0xb9: {  	[sflag:s29] =	ssyncadd.s32 $0xFFFFFFFF  }
0xba: {  	_ =	strace $0x9000004E  }
0xbb: {  	_ =	sfence  }
0xbc: {  	s30 =	sld [smem:$0x0];
	_ =	sdelay $0x2  }
0xbd: {  	s31 =	sshll.u32 s1, $0xD;
	s1 =	sshrl.u32 s1, $0x2  }
0xbe: {  	s3 =	sand.u32 $0x4000, s31;
	s1 =	sadd.s32 s1, s30  }
0xbf: {  	s0 =	sor.u32 s3, s0;
	s1 =	sshll.u32 s1, $0x11  }
0xc0: {  	s0 =	sor.u32 s1, s0  }
0xc1: {  	s0 =	sadd.s32 $0x8F2B, s0  }
0xc2: {  	[sflag:s0] =	ssyncadd.remote.s32 $0x1  }
0xc3: {  	_ =	sfence.sel $0xFFFF  }
0xc4: {  	[dreg:$0x0] =	wrdreg $0xFFFFFFFF;
	(pc) =	sbr.abs _section_cstart, $3  }
0xc5: {  	[dreg:$0x1] =	wrdreg $0xFFFFFFFF  }
0xc6: {  	_ =	task.clear_ibuf [dreg:s9], $0x2FFFF;
	_ =	strace $0x9FFFFFFF  }
0xc7: {  	(tm) =	ssettm $0x7FFFFFFF  }
tec
execute0_lowered:
.L_overlay_start_1:
0x0: {  	(tag) =	ssettag $0x1  }
0x1: {  	s1 =	rddreg [dreg:$0x0]  }
0x2: {  	s2 =	rddreg [dreg:$0x1]  }
0x3: {  	s3 =	rddreg [dreg:$0x2]  }
0x4: {  	s0 =	rddreg [dreg:$0x3]  }
0x5: {  	s4 =	rddreg [dreg:$0x4]  }
0x6: {  	s6 =	simm.s32 $0x0;
	s7 =	srdreg.scid;
	s5 =	stileid.u32  }
0x7: {  	s19 =	simm.s32 $0x3;
	s20 =	simm.s32 $0x80;
	s21 =	simm.s32 $0x100  }
0x8: {  	s22 =	simm.s32 $0x4100;
	s15 =	simm.s32 $0x4200;
	s28 =	simm.s32 $0x4280  }
0x9: {  	[smem:$0x7FF] =	sst s6;
	s7 =	sand.u32 $0x1, s7;
	s8 =	sadd.s32 $0x2A00, s0  }
0xa: {  	s23 =	sshll.u32 s5, $0x1;
	s0 =	sadd.s32 $0x2C00, s0;
	s9 =	sadd.s32 $0x10, s2  }
0xb: {  	s13 =	sshll.u32 s5, $0xE;
	s31 =	sshll.u32 s5, $0x4;
	s16 =	sshll.u32 s5, $0x7  }
0xc: {  	_ =	strace $0x8000004D;
	[dreg:$0x6] =	wrdreg s8;
	s10 =	ssub.s32 $0x2, s7  }
0xd: {  	s8 =	sor.u32 s7, s23;
	s7 =	smul.u32 $0x138800, s7;
	[dreg:$0xb] =	wrdreg s31  }
0xe: {  	s23 =	simm.s32 $0x1;
	s11 =	sshrl.u32 s10, $0x1;
	s12 =	sshll.u32 s8, $0x5  }
0xf: {  	s26 =	sshll.u32 s8, $0x4;
	s10 =	ssub.s32 s10, s11;
	s24 =	sadd.s32 s2, s12  }
0x10: {  	s25 =	sadd.s32 s12, s9;
	s29 =	sshrl.u32 s7, $0x3;
	[dreg:$0x7] =	wrdreg s24  }
0x11: {  	s11 =	sadd.s32 s3, s26;
	s7 =	sadd.s32 s13, s7;
	[dreg:$0x8] =	wrdreg s25  }
0x12: {  	s26 =	simm.s32 $0x8280;
	[dreg:$0x9] =	wrdreg s11;
	s30 =	sadd.s32 s0, s29  }
0x13: {  	s10 =	smax.u32 s10, $0x1;
	s7 =	sshrl.u32 s7, $0x3;
	s24 =	simm.s32 $0x4  }
0x14: {  	s25 =	simm.s32 $0x2;
	[dreg:$0xa] =	wrdreg s10;
	s0 =	sadd.s32 s7, s0  }
0x15: {  	s13 =	sadd.s32 $0x27000, s30;
	s7 =	simm.s32 $0x0;
	[dreg:$0xc] =	wrdreg s0  }
.LBB2_1:
0x16: {  	[dreg:$0xd] =	wrdreg s7  }
0x17: {  	s0 =	rddreg [dreg:$0x6];
	s29 =	simm.s32 $0x8300;
	s30 =	sadd.s32 $0x0, s5  }
0x18: {  	[tilespmem:s29], [sflag:$0x3] =	stream.linear.gather [hbm4b:s0+s6], $0x800, $0x38;
	[tilespmem:$0x1C480] =	vst v63  }
0x19: {  	p0 =	sgt.u32 s30, $0x270;
	_ =	swait.ge [sflag:s19], $0x800  }
0x1a: {  	v0 =	vlaneseq.u32 @!p0;
	p0 =	por p0, p0;
	[sflag:s19] =	ssyncset.done $0x0;
	s7 =	rddreg [dreg:$0xb]  }
0x1b: {  	s31 =	sadd.s32 $0x10, s5;
	s0 =	simm.s32 @!p0 $0x3;
	[sflag:s19] =	ssyncadd.s32 $0xFFFFF800;
	v0 =	vor.u32 @!p0 s7, v0  }
0x1c: {  	s10 =	simm.s32 @!p0 $0x10;
	s11 =	simm.s32 @!p0 $0x8B00;
	s12 =	simm.s32 @!p0 $0x8300;
	[tilespmem:$0x8B00] =	vst @!p0 v0  }
0x1d: {  	[spmem:s4] =	stream.indirect.scatter @!p0 [tilespmem:s12], [sflag:$0x3], $0x80, s11, s10, $0xb8;
	[tilespmem:$0x1C480] =	vst v63  }
0x1e: {  	p1 =	sgt.u32 s31, $0x270;
	_ =	swait.ge @!p0 [sflag:s0], $0x800  }
0x1f: {  	s10 =	simm.s32 $0x20;
	s11 =	smov.u32 s7;
	[sflag:s0] =	ssyncset.done @!p0 $0x0  }
.LBB2_2:
0x20: {  	[sflag:s0] =	ssyncadd.s32 @!p0 $0xFFFFF800;
	s12 =	smov.u32 s10;
	s10 =	sadd.s32 $0x10, s10  }
0x21: {  	v0 =	vlaneseq.u32 @!p1;
	s11 =	sadd.s32 $0x100, s11;
	p0 =	por p1, p1;
	p2 =	sne.s32 s10, $0x280  }
.Ltmp0:
0x22: {  	v0 =	vor.u32 @!p0 s11, v0;
	s0 =	simm.s32 @!p0 $0x3;
	(pc) =	sbr.rel @p2 .LBB2_2-.Ltmp0, $4  }
0x23: {  	s14 =	simm.s32 @!p0 $0x10;
	s17 =	simm.s32 @!p0 $0x8B00;
	s18 =	simm.s32 @!p0 $0x8300;
	[tilespmem:$0x8B00] =	vst @!p0 v0  }
0x24: {  	[spmem:s4] =	stream.indirect.scatter @!p0 [tilespmem:s18], [sflag:$0x3], $0x80, s17, s14, $0xb8;
	[tilespmem:$0x1C480] =	vst v63  }
0x25: {  	s12 =	sadd.s32 s12, s5;
	_ =	swait.ge @!p0 [sflag:s0], $0x800  }
0x26: {  	p1 =	sgt.u32 s12, $0x270;
	[sflag:s0] =	ssyncset.done @!p0 $0x0  }
0x27: {  	v0 =	vlaneseq.u32 @!p1;
	s10 =	sadd.s32 $0x100, s11;
	p1 =	por p1, p1  }
0x28: {  	[sflag:s0] =	ssyncadd.s32 @!p0 $0xFFFFF800;
	v0 =	vor.u32 @!p1 s10, v0;
	s0 =	simm.s32 @!p1 $0x3  }
0x29: {  	s10 =	simm.s32 @!p1 $0x10;
	s11 =	simm.s32 @!p1 $0x8B00;
	s12 =	simm.s32 @!p1 $0x8300;
	[tilespmem:$0x8B00] =	vst @!p1 v0  }
0x2a: {  	[spmem:s4] =	stream.indirect.scatter @!p1 [tilespmem:s12], [sflag:$0x3], $0x80, s11, s10, $0xb8;
	[tilespmem:$0x1C480] =	vst v63  }
0x2b: {  	_ =	swait.ge @!p1 [sflag:s0], $0x800  }
0x2c: {  	[sflag:s0] =	ssyncset.done @!p1 $0x0  }
0x2d: {  	[sflag:s0] =	ssyncadd.s32 @!p1 $0xFFFFF800  }
0x2e: {  	[bflag:$0x0] =	sbarrier.arrive $0xFFFF  }
0x2f: {  	s31 =	simm.s32 $0x0;
	s18 =	rddreg [dreg:$0x7]  }
0x30: {  	[tilespmem:s31], [sflag:$0x3] =	stream.linear.gather [hbm4b:s18+s31], $0x80, $0x38;
	[tilespmem:$0x1C480] =	vst v63  }
0x31: {  	_ =	swait.ge [sflag:s19], $0x80  }
0x32: {  	[sflag:s19] =	ssyncset.done $0x0  }
0x33: {  	s29 =	rddreg [dreg:$0x8];
	[sflag:s19] =	ssyncadd.s32 $0xFFFFFF80  }
0x34: {  	[tilespmem:s20], [sflag:$0x3] =	stream.linear.gather [hbm4b:s29+s31], $0x80, $0x38;
	[tilespmem:$0x1C480] =	vst v63  }
0x35: {  	_ =	swait.ge [sflag:s19], $0x80  }
0x36: {  	[sflag:s19] =	ssyncset.done $0x0  }
0x37: {  	[sflag:s19] =	ssyncadd.s32 $0xFFFFFF80  }
0x38: {  	[tilespmem:s21], [sflag:$0x1] =	stream.indirect.gather [hbm4b:s1+s20], $0x80, s31, s20, $0xb8;
	[tilespmem:$0x1C480] =	vst v63  }
.Ltmp1:
0x39: {  	s30 =	rddreg [dreg:$0x9];
	(pc) =	sbr.rel .LBB2_4-.Ltmp1, $4  }
0x3a: {  	[tilespmem:s22], [sflag:$0x3] =	stream.linear.gather [hbm4b:s30+s31], $0x80, $0x38;
	[tilespmem:$0x1C480] =	vst v63  }
0x3b: {  	_ =	swait.ge [sflag:s19], $0x80  }
0x3c: {  	[sflag:s19] =	ssyncset.done $0x0  }
0x3d: {  	[sflag:s19] =	ssyncadd.s32 $0xFFFFFF80  }
.LBB2_13:
0x3e: {  	s31 =	sadd.s32 $0x1, s31  }
0x3f: {  	p0 =	sne.s32 s31, $0x28  }
.Ltmp2:
0x40: {  	_ = 	snop;
	(pc) =	sbr.rel @!p0 .LBB2_14-.Ltmp2, $1  }
0x41: {  	_ =	sdelay $0x3  }
.LBB2_4:
0x42: {  	s0 =	sshll.u32 s31, $0x6  }
0x43: {  	s0 =	sor.u32 s8, s0  }
0x44: {  	s10 =	sor.u32 $0x20, s0  }
0x45: {  	p0 =	sgt.u32 s10, $0x9C3  }
0x46: {  	s11 =	sshll.u32 @!p0 s10, $0x5  }
0x47: {  	s14 =	simm.s32 @!p0 $0x0;
	s17 =	simm.s32 @!p0 $0x4180;
	s12 =	sadd.s32 @!p0 s2, s11  }
0x48: {  	[tilespmem:s17], [sflag:$0x4] =	stream.linear.gather @!p0 [hbm4b:s12+s14], $0x80, $0x38;
	[tilespmem:$0x1C480] =	vst v63  }
0x49: {  	s12 =	simm.s32 @!p0 $0x4  }
0x4a: {  	_ =	swait.ge @!p0 [sflag:s12], $0x80  }
0x4b: {  	[sflag:s12] =	ssyncset.done @!p0 $0x0  }
0x4c: {  	s18 =	simm.s32 @!p0 $0x4200;
	s11 =	sadd.s32 @!p0 s11, s9;
	[sflag:s12] =	ssyncadd.s32 @!p0 $0xFFFFFF80  }
0x4d: {  	[tilespmem:s18], [sflag:$0x4] =	stream.linear.gather @!p0 [hbm4b:s11+s14], $0x80, $0x38;
	[tilespmem:$0x1C480] =	vst v63  }
0x4e: {  	_ =	swait.ge @!p0 [sflag:s12], $0x80  }
0x4f: {  	p1 =	sgt.u32 s0, $0x9C3;
	s10 =	sshll.u32 @!p0 s10, $0x4;
	[sflag:s12] =	ssyncset.done @!p0 $0x0  }
0x50: {  	s11 =	simm.s32 @!p0 $0x80;
	s18 =	simm.s32 @!p0 $0x4280;
	[sflag:s12] =	ssyncadd.s32 @!p0 $0xFFFFFF80  }
0x51: {  	[tilespmem:s18], [sflag:$0x2] =	stream.indirect.gather @!p0 [hbm4b:s1+s11], $0x80, s17, s11, $0xb8;
	[tilespmem:$0x1C480] =	vst v63  }
.Ltmp3:
0x52: {  	s10 =	sadd.s32 @!p0 s3, s10;
	s11 =	simm.s32 @!p0 $0x8280;
	(pc) =	sbr.rel @p1 .LBB2_13-.Ltmp3, $4  }
0x53: {  	[tilespmem:s11], [sflag:$0x4] =	stream.linear.gather @!p0 [hbm4b:s10+s14], $0x80, $0x38;
	[tilespmem:$0x1C480] =	vst v63  }
0x54: {  	_ =	swait.ge @!p0 [sflag:s12], $0x80  }
0x55: {  	[sflag:s12] =	ssyncset.done @!p0 $0x0  }
0x56: {  	[sflag:s12] =	ssyncadd.s32 @!p0 $0xFFFFFF80  }
0x57: {  	_ =	swait.ge [sflag:s23], $0x4000;
	s10 =	simm.s32 $0x0  }
0x58: {  	[sflag:s23] =	ssyncset.done $0x0;
	v0 =	vmov s10  }
0x59: {  	s10 =	simm.s32 $0x140;
	[sflag:s23] =	ssyncadd.s32 $0xFFFFC000  }
0x5a: {  	v4 =	vld [tilespmem:s10+$0x30]  }
0x5b: {  	v7 =	vld [tilespmem:s10+$0x10]  }
0x5c: {  	v5 =	vld [tilespmem:s10+$0xFFFFFFC0]  }
0x5d: {  	v1 =	vld.idx.msk [tilespmem:v0+s22+$0x0], $0xffff  }
0x5e: {  	v9 =	vld [tilespmem:s10+$0xFFFFFFE0]  }
0x5f: {  	v2 =	vld [tilespmem:s10+$0x20]  }
0x60: {  	v3 =	vld [tilespmem:s10+$0xFFFFFFD0]  }
0x61: {  	v0 =	vld [tilespmem:s10+$0xFFFFFFF0]  }
0x62: {  	v8 =	vmul.f32 v4, v1;
	v4 =	vld [tilespmem:s10+$0x0]  }
0x63: {  	v6 =	vmul.f32 v5, v1  }
0x64: {  	s11 =	simm.s32 $0x1;
	s12 =	simm.s32 $0x140;
	v5 =	vmul.f32 v9, v1;
	v7 =	vmul.f32 v7, v1  }
.LBB2_6:
0x65: {  	p1 =	sne.s32 s11, $0x7F  }
0x66: {  	v3 =	vmul.f32 v3, v1;
	v2 =	vmul.f32 v2, v1;
	[tilespmem:s10+$0x30] =	vst v8;
	s12 =	sadd.s32 $0x80, s12;
	s14 =	smov.u32 s11;
	s11 =	sadd.s32 $0x1, s11  }
0x67: {  	[tilespmem:s10+$0xFFFFFFC0] =	vst v6;
	v6 =	vmul.f32 v0, v1;
	v1 =	vmul.f32 v4, v1  }
0x68: {  	[tilespmem:s10+$0x10] =	vst v7  }
0x69: {  	v4 =	vmov s14;
	[tilespmem:s10+$0xFFFFFFE0] =	vst v5  }
0x6a: {  	v0 =	vld [tilespmem:s12+$0xFFFFFFF0];
	[tilespmem:s10+$0xFFFFFFF0] =	vst v6  }
0x6b: {  	v5 =	vld [tilespmem:s12+$0x30];
	[tilespmem:s10+$0x0] =	vst v1  }
0x6c: {  	v7 =	vld [tilespmem:s12+$0x10];
	[tilespmem:s10+$0x20] =	vst v2  }
0x6d: {  	v6 =	vld [tilespmem:s12+$0xFFFFFFC0];
	[tilespmem:s10+$0xFFFFFFD0] =	vst v3;
	s10 =	smov.u32 s12  }
0x6e: {  	v1 =	vld.idx.msk [tilespmem:v4+s22+$0x0], $0xffff  }
0x6f: {  	v9 =	vld [tilespmem:s12+$0xFFFFFFE0]  }
0x70: {  	v2 =	vld [tilespmem:s12+$0x20]  }
.Ltmp4:
0x71: {  	v3 =	vld [tilespmem:s12+$0xFFFFFFD0];
	(pc) =	sbr.rel @p1 .LBB2_6-.Ltmp4, $3  }
0x72: {  	v4 =	vld [tilespmem:s12+$0x0];
	_ =	sdelay $0x1  }
0x73: {  	v6 =	vmul.f32 v6, v1;
	v8 =	vmul.f32 v5, v1  }
0x74: {  	v7 =	vmul.f32 v7, v1;
	v5 =	vmul.f32 v9, v1  }
0x75: {  	[tilespmem:s10+$0x30] =	vst v8  }
0x76: {  	[tilespmem:s10+$0xFFFFFFC0] =	vst v6  }
0x77: {  	v0 =	vmul.f32 v0, v1;
	[tilespmem:s10+$0x10] =	vst v7  }
0x78: {  	v2 =	vmul.f32 v2, v1;
	[tilespmem:s10+$0xFFFFFFE0] =	vst v5  }
0x79: {  	v63 =	vmul.f32 v3, v1;
	[tilespmem:s10+$0xFFFFFFF0] =	vst v0  }
0x7a: {  	v4 =	vmul.f32 v4, v1;
	[tilespmem:s10+$0x20] =	vst v2  }
0x7b: {  	p1 =	sgt.u32 s0, $0x983;
	[tilespmem:s10+$0xFFFFFFD0] =	vst v63  }
.Ltmp5:
0x7c: {  	[tilespmem:s10+$0x0] =	vst v4;
	(pc) =	sbr.rel @p1 .LBB2_9-.Ltmp5, $4  }
0x7d: {  	[spmem:s4] =	stream.indirect.scatter.add.f32 [tilespmem:s21], [sflag:$0x4], $0x80, s20, s20, $0xb8;
	[tilespmem:$0x1C480] =	vst v63  }
0x7e: {  	_ =	swait.ge [sflag:s24], $0x4000  }
0x7f: {  	[sflag:s24] =	ssyncset.done $0x0  }
0x80: {  	[sflag:s24] =	ssyncadd.s32 $0xFFFFC000  }
0x81: {  	s0 =	sadd.s32 $0x40, s0  }
0x82: {  	s10 =	sshll.u32 s0, $0x5  }
0x83: {  	s11 =	sadd.s32 s2, s10  }
0x84: {  	[tilespmem:s6], [sflag:$0x4] =	stream.linear.gather [hbm4b:s11+s6], $0x80, $0x38;
	[tilespmem:$0x1C480] =	vst v63  }
0x85: {  	_ =	swait.ge [sflag:s24], $0x80  }
0x86: {  	[sflag:s24] =	ssyncset.done $0x0  }
0x87: {  	s10 =	sadd.s32 s10, s9;
	[sflag:s24] =	ssyncadd.s32 $0xFFFFFF80  }
0x88: {  	[tilespmem:s20], [sflag:$0x4] =	stream.linear.gather [hbm4b:s10+s6], $0x80, $0x38;
	[tilespmem:$0x1C480] =	vst v63  }
0x89: {  	_ =	swait.ge [sflag:s24], $0x80  }
0x8a: {  	[sflag:s24] =	ssyncset.done $0x0  }
0x8b: {  	s0 =	sshll.u32 s0, $0x4;
	[sflag:s24] =	ssyncadd.s32 $0xFFFFFF80  }
0x8c: {  	[tilespmem:s21], [sflag:$0x1] =	stream.indirect.gather [hbm4b:s1+s20], $0x80, s6, s20, $0xb8;
	[tilespmem:$0x1C480] =	vst v63  }
.Ltmp6:
0x8d: {  	s0 =	sadd.s32 s3, s0;
	(pc) =	sbr.rel .LBB2_10-.Ltmp6, $4  }
0x8e: {  	[tilespmem:s22], [sflag:$0x4] =	stream.linear.gather [hbm4b:s0+s6], $0x80, $0x38;
	[tilespmem:$0x1C480] =	vst v63  }
0x8f: {  	_ =	swait.ge [sflag:s24], $0x80  }
0x90: {  	[sflag:s24] =	ssyncset.done $0x0  }
0x91: {  	[sflag:s24] =	ssyncadd.s32 $0xFFFFFF80  }
.LBB2_9:
.Ltmp7:
0x92: {  	(pc) =	sbr.rel @p0 .LBB2_13-.Ltmp7, $1  }
0x93: {  	_ =	sdelay $0x3  }
.LBB2_10:
0x94: {  	_ =	swait.ge [sflag:s25], $0x4000;
	s0 =	simm.s32 $0x0  }
0x95: {  	[sflag:s25] =	ssyncset.done $0x0;
	v0 =	vmov s0  }
0x96: {  	s0 =	simm.s32 $0x42C0;
	[sflag:s25] =	ssyncadd.s32 $0xFFFFC000  }
0x97: {  	v4 =	vld [tilespmem:s0+$0x30]  }
0x98: {  	v7 =	vld [tilespmem:s0+$0x10]  }
0x99: {  	v5 =	vld [tilespmem:s0+$0xFFFFFFC0]  }
0x9a: {  	v1 =	vld.idx.msk [tilespmem:v0+s26+$0x0], $0xffff  }
0x9b: {  	v9 =	vld [tilespmem:s0+$0xFFFFFFE0]  }
0x9c: {  	v2 =	vld [tilespmem:s0+$0x20]  }
0x9d: {  	v3 =	vld [tilespmem:s0+$0xFFFFFFD0]  }
0x9e: {  	v0 =	vld [tilespmem:s0+$0xFFFFFFF0]  }
0x9f: {  	v8 =	vmul.f32 v4, v1;
	v4 =	vld [tilespmem:s0+$0x0]  }
0xa0: {  	v6 =	vmul.f32 v5, v1  }
0xa1: {  	s10 =	simm.s32 $0x1;
	s11 =	simm.s32 $0x42C0;
	v5 =	vmul.f32 v9, v1;
	v7 =	vmul.f32 v7, v1  }
.LBB2_11:
0xa2: {  	p0 =	sne.s32 s10, $0x7F  }
0xa3: {  	v3 =	vmul.f32 v3, v1;
	v2 =	vmul.f32 v2, v1;
	[tilespmem:s0+$0x30] =	vst v8;
	s11 =	sadd.s32 $0x80, s11;
	s12 =	smov.u32 s10;
	s10 =	sadd.s32 $0x1, s10  }
0xa4: {  	[tilespmem:s0+$0xFFFFFFC0] =	vst v6;
	v6 =	vmul.f32 v0, v1;
	v1 =	vmul.f32 v4, v1  }
0xa5: {  	[tilespmem:s0+$0x10] =	vst v7  }
0xa6: {  	v4 =	vmov s12;
	[tilespmem:s0+$0xFFFFFFE0] =	vst v5  }
0xa7: {  	v0 =	vld [tilespmem:s11+$0xFFFFFFF0];
	[tilespmem:s0+$0xFFFFFFF0] =	vst v6  }
0xa8: {  	v5 =	vld [tilespmem:s11+$0x30];
	[tilespmem:s0+$0x0] =	vst v1  }
0xa9: {  	v7 =	vld [tilespmem:s11+$0x10];
	[tilespmem:s0+$0x20] =	vst v2  }
0xaa: {  	v6 =	vld [tilespmem:s11+$0xFFFFFFC0];
	[tilespmem:s0+$0xFFFFFFD0] =	vst v3;
	s0 =	smov.u32 s11  }
0xab: {  	v1 =	vld.idx.msk [tilespmem:v4+s26+$0x0], $0xffff  }
0xac: {  	v9 =	vld [tilespmem:s11+$0xFFFFFFE0]  }
0xad: {  	v2 =	vld [tilespmem:s11+$0x20]  }
.Ltmp8:
0xae: {  	v3 =	vld [tilespmem:s11+$0xFFFFFFD0];
	(pc) =	sbr.rel @p0 .LBB2_11-.Ltmp8, $3  }
0xaf: {  	v4 =	vld [tilespmem:s11+$0x0];
	_ =	sdelay $0x1  }
0xb0: {  	v6 =	vmul.f32 v6, v1;
	v8 =	vmul.f32 v5, v1  }
0xb1: {  	v7 =	vmul.f32 v7, v1;
	v5 =	vmul.f32 v9, v1  }
0xb2: {  	[tilespmem:s0+$0x30] =	vst v8  }
0xb3: {  	[tilespmem:s0+$0xFFFFFFC0] =	vst v6  }
0xb4: {  	v0 =	vmul.f32 v0, v1;
	[tilespmem:s0+$0x10] =	vst v7  }
0xb5: {  	v2 =	vmul.f32 v2, v1;
	[tilespmem:s0+$0xFFFFFFE0] =	vst v5  }
0xb6: {  	v63 =	vmul.f32 v3, v1;
	[tilespmem:s0+$0xFFFFFFF0] =	vst v0  }
0xb7: {  	v4 =	vmul.f32 v4, v1;
	[tilespmem:s0+$0x20] =	vst v2  }
0xb8: {  	[tilespmem:s0+$0xFFFFFFD0] =	vst v63  }
.Ltmp9:
0xb9: {  	[tilespmem:s0+$0x0] =	vst v4;
	(pc) =	sbr.rel .LBB2_13-.Ltmp9, $4  }
0xba: {  	[spmem:s4] =	stream.indirect.scatter.add.f32 [tilespmem:s28], [sflag:$0x3], $0x80, s15, s20, $0xb8;
	[tilespmem:$0x1C480] =	vst v63  }
0xbb: {  	_ =	swait.ge [sflag:s19], $0x4000  }
0xbc: {  	[sflag:s19] =	ssyncset.done $0x0  }
0xbd: {  	[sflag:s19] =	ssyncadd.s32 $0xFFFFC000  }
.LBB2_14:
0xbe: {  	s0 =	sadd.s32 $0x0, s16  }
0xbf: {  	p1 =	sgt.u32 s5, $0x4D;
	s0 =	sadd.s32 $0xFFFFD900, s0  }
0xc0: {  	p0 =	sne.s32 @p1 s0, $0x0  }
0xc1: {  	p0 =	por p0, !p1  }
0xc2: {  	v0 =	vlaneseq.u32 @!p0  }
0xc3: {  	[bflag:$0x0] =	sbarrier.arrive $0xFFFF;
	s0 =	simm.s32 @!p0 $0x8300;
	v0 =	vor.u32 @!p0 $0x2700, v0  }
0xc4: {  	s10 =	simm.s32 @!p0 $0x4;
	s11 =	simm.s32 @!p0 $0x10;
	s12 =	simm.s32 @!p0 $0x8B00;
	[tilespmem:$0x8B00] =	vst @!p0 v0  }
0xc5: {  	[tilespmem:s0], [sflag:$0x4] =	stream.indirect.gather @!p0 [spmem:s4], $0x80, s12, s11, $0xb8;
	[tilespmem:$0x1C480] =	vst v63  }
0xc6: {  	_ =	swait.ge @!p0 [sflag:s10], $0x800  }
0xc7: {  	[sflag:s10] =	ssyncset.done @!p0 $0x0  }
0xc8: {  	s11 =	simm.s32 @!p0 $0x0;
	s12 =	simm.s32 @!p0 $0x3;
	[sflag:s10] =	ssyncadd.s32 @!p0 $0xFFFFF800  }
0xc9: {  	[hbm4b:s13+s11] =	stream.linear.scatter @!p0 [tilespmem:s0], [sflag:$0x3], $0x800, $0x38;
	[tilespmem:$0x1C480] =	vst v63  }
0xca: {  	s10 =	sadd.s32 @!p1 $0x0, s16;
	_ =	swait.ge @!p0 [sflag:s12], $0x800  }
0xcb: {  	s18 =	sadd.s32 $0x10, s5;
	v1 =	vlaneseq.u32 @!p1;
	s0 =	sadd.s32 @!p1 $0x60, s10;
	[sflag:s12] =	ssyncset.done @!p0 $0x0  }
0xcc: {  	s11 =	sadd.s32 @!p1 $0x50, s10;
	v0 =	vor.u32 @!p1 s0, v1;
	[sflag:s12] =	ssyncadd.s32 @!p0 $0xFFFFF800;
	p0 =	por p1, p1  }
0xcd: {  	s14 =	sadd.s32 @!p1 $0x10, s10;
	s17 =	sadd.s32 @!p1 $0x20, s10;
	v2 =	vor.u32 @!p1 s11, v1;
	s11 =	sadd.s32 @!p1 $0x30, s10;
	[tilespmem:$0x8BE0] =	vst @!p0 v0  }
0xce: {  	s0 =	simm.s32 $0x800;
	v4 =	vor.u32 @!p1 s11, v1;
	s31 =	rddreg [dreg:$0xc];
	s12 =	sadd.s32 @!p1 $0x40, s10;
	[tilespmem:$0x8BD0] =	vst @!p0 v2  }
0xcf: {  	v3 =	vor.u32 @!p1 s12, v1;
	v0 =	vor.u32 @!p1 s10, v1;
	s12 =	sadd.s32 @!p1 $0x70, s10;
	s10 =	simm.s32 @!p0 $0x4;
	s11 =	simm.s32 @!p0 $0x0;
	[tilespmem:$0x8BB0] =	vst @!p0 v4  }
0xd0: {  	v2 =	vor.u32 @!p1 s14, v1;
	s14 =	simm.s32 @!p0 $0x8B80;
	[tilespmem:$0x8BC0] =	vst @!p0 v3;
	v3 =	vor.u32 @!p1 s17, v1;
	v1 =	vor.u32 @!p1 s12, v1;
	s12 =	simm.s32 @!p0 $0x100;
	s17 =	smov.u32 s31  }
.LBB2_15:
0xd1: {  	s15 =	sadd.s32 s0, s16  }
0xd2: {  	[tilespmem:$0x8BA0] =	vst @!p0 v3;
	s17 =	sadd.s32 $0x8000, s17;
	s7 =	smov.u32 s0;
	s0 =	sadd.s32 $0x800, s0  }
0xd3: {  	p3 =	sgt.u32 s18, $0x4D;
	s15 =	sadd.s32 $0xFFFFD900, s15;
	p1 =	sne.s32 s0, $0x2800;
	[tilespmem:$0x8B80] =	vst @!p0 v0  }
0xd4: {  	s7 =	sadd.s32 @!p3 s7, s16;
	p2 =	sne.s32 @p3 s15, $0x0;
	[tilespmem:$0x8B90] =	vst @!p0 v2;
	s15 =	simm.s32 @!p0 $0x80  }
0xd5: {  	s28 =	sadd.s32 @!p3 $0x10, s7;
	s29 =	sadd.s32 @!p3 $0x20, s7;
	p2 =	por p2, !p3;
	[tilespmem:$0x8BF0] =	vst @!p0 v1  }
0xd6: {  	[tilespmem:s12], [sflag:$0x4] =	stream.indirect.gather @!p0 [spmem:s4], $0x80, s14, s15, $0xb8;
	[tilespmem:$0x1C480] =	vst v63  }
0xd7: {  	v4 =	vlaneseq.u32 @!p3;
	s14 =	sadd.s32 @!p3 $0x50, s7;
	s15 =	sadd.s32 @!p3 $0x60, s7;
	_ =	swait.ge @!p0 [sflag:s10], $0x4000  }
0xd8: {  	v0 =	vor.u32 @!p3 s7, v4;
	s30 =	sadd.s32 @!p3 $0x70, s7;
	v3 =	vor.u32 @!p3 s29, v4;
	s29 =	sadd.s32 @!p3 $0x40, s7;
	v1 =	vlaneseq.u32 @!p2;
	[sflag:s10] =	ssyncset.done @!p0 $0x0  }
0xd9: {  	v5 =	vor.u32 @!p2 $0x2700, v1;
	v6 =	vor.u32 @!p3 s14, v4;
	v7 =	vor.u32 @!p3 s15, v4;
	[sflag:s10] =	ssyncadd.s32 @!p0 $0xFFFFC000  }
0xda: {  	v2 =	vor.u32 @!p3 s28, v4;
	v8 =	vor.u32 @!p3 s29, v4;
	v1 =	vor.u32 @!p3 s30, v4;
	[hbm4b:s31+s11] =	stream.linear.scatter @!p0 [tilespmem:s12], [sflag:$0x4], $0x4000, $0x38;
	[tilespmem:$0x1C480] =	vst v63  }
0xdb: {  	s7 =	sadd.s32 @!p3 $0x30, s7;
	s11 =	simm.s32 @!p2 $0x8300;
	_ =	swait.ge @!p0 [sflag:s10], $0x4000  }
0xdc: {  	s31 =	smov.u32 s17;
	[sflag:s10] =	ssyncset.done @!p0 $0x0  }
0xdd: {  	v4 =	vor.u32 @!p3 s7, v4;
	s12 =	simm.s32 @!p2 $0x4;
	[sflag:s10] =	ssyncadd.s32 @!p0 $0xFFFFC000;
	p0 =	por p3, p3  }
0xde: {  	s7 =	simm.s32 @!p2 $0x10;
	s10 =	simm.s32 @!p2 $0x8B00;
	[tilespmem:$0x8B00] =	vst @!p2 v5  }
0xdf: {  	[tilespmem:s11], [sflag:$0x4] =	stream.indirect.gather @!p2 [spmem:s4], $0x80, s10, s7, $0xb8;
	[tilespmem:$0x1C480] =	vst v63  }
0xe0: {  	_ =	swait.ge @!p2 [sflag:s12], $0x800  }
0xe1: {  	s7 =	simm.s32 @!p2 $0x0;
	s10 =	simm.s32 @!p2 $0x3;
	[sflag:s12] =	ssyncset.done @!p2 $0x0  }
0xe2: {  	[sflag:s12] =	ssyncadd.s32 @!p2 $0xFFFFF800  }
0xe3: {  	[hbm4b:s13+s7] =	stream.linear.scatter @!p2 [tilespmem:s11], [sflag:$0x3], $0x800, $0x38;
	[tilespmem:$0x1C480] =	vst v63  }
0xe4: {  	_ =	swait.ge @!p2 [sflag:s10], $0x800  }
0xe5: {  	[sflag:s10] =	ssyncset.done @!p2 $0x0  }
.Ltmp10:
0xe6: {  	[sflag:s10] =	ssyncadd.s32 @!p2 $0xFFFFF800;
	(pc) =	sbr.rel @p1 .LBB2_15-.Ltmp10, $4  }
0xe7: {  	[tilespmem:$0x8BE0] =	vst @!p0 v7  }
0xe8: {  	[tilespmem:$0x8BD0] =	vst @!p0 v6  }
0xe9: {  	s11 =	simm.s32 @!p0 $0x0;
	s10 =	simm.s32 @!p0 $0x4;
	[tilespmem:$0x8BC0] =	vst @!p0 v8  }
0xea: {  	s18 =	sadd.s32 $0x10, s18;
	s14 =	simm.s32 @!p0 $0x8B80;
	s12 =	simm.s32 @!p0 $0x100;
	[tilespmem:$0x8BB0] =	vst @!p0 v4  }
0xeb: {  	[tilespmem:$0x8BA0] =	vst @!p0 v3  }
0xec: {  	[tilespmem:$0x8B80] =	vst @!p0 v0  }
0xed: {  	[tilespmem:$0x8B90] =	vst @!p0 v2  }
0xee: {  	s0 =	simm.s32 @!p0 $0x80;
	[tilespmem:$0x8BF0] =	vst @!p0 v1  }
0xef: {  	[tilespmem:s12], [sflag:$0x4] =	stream.indirect.gather @!p0 [spmem:s4], $0x80, s14, s0, $0xb8;
	[tilespmem:$0x1C480] =	vst v63  }
0xf0: {  	_ =	swait.ge @!p0 [sflag:s10], $0x4000  }
0xf1: {  	[sflag:s10] =	ssyncset.done @!p0 $0x0  }
0xf2: {  	[sflag:s10] =	ssyncadd.s32 @!p0 $0xFFFFC000  }
0xf3: {  	[hbm4b:s31+s11] =	stream.linear.scatter @!p0 [tilespmem:s12], [sflag:$0x4], $0x4000, $0x38;
	[tilespmem:$0x1C480] =	vst v63  }
0xf4: {  	_ =	swait.ge @!p0 [sflag:s10], $0x4000  }
0xf5: {  	s7 =	rddreg [dreg:$0xd]  }
0xf6: {  	s31 =	rddreg [dreg:$0xa];
	s7 =	sadd.s32 $0x1, s7  }
0xf7: {  	p1 =	sne.s32 s7, s31  }
.Ltmp11:
0xf8: {  	_ = 	snop;
	(pc) =	sbr.rel @p1 .LBB2_1-.Ltmp11, $3  }
0xf9: {  	_ =	sdelay $0x1  }
0xfa: {  	[sflag:s10] =	ssyncset.done @!p0 $0x0  }
0xfb: {  	s15 =	simm.s32 $0x4200;
	s28 =	simm.s32 $0x4280;
	[sflag:s10] =	ssyncadd.s32 @!p0 $0xFFFFC000  }
0xfc: {  	_ =	sfence.sel $0x180000  }
0xfd: {  	[bflag:$0x0] =	sbarrier.arrive $0xFFFF  }
0xfe: {  	_ =	strace $0x9000004D  }
0xff: {  	[bflag:$0x2] =	sbarrier.arrive $0xFFFF  }
0x100: {  	p0 =	sne.s32 s5, $0x0;
	s0 =	rddreg [dreg:$0x5]  }
0x101: {  	s0 =	sadd.s32 @!p0 $0x100000, s0  }
0x102: {  	[sflag:s0] =	ssyncadd.tile.s32 @!p0 $0x1;
	_ =	shalt  }
.Lfunc_end2:
_tile_overlayer_lowered:
.L_overlay_start_2:
0x103: {  	(tag) =	ssettag $0x2  }
0x104: {  	s0 =	rddreg [dreg:$0x0];
	s2 =	stileid.u32  }
0x105: {  	s1 =	rddreg [dreg:$0x1];
	p0 =	sne.s32 s2, $0x0  }
0x106: {  	s3 =	rddreg [dreg:$0x2];
	[bflag:$0x3] =	sbarrier.arrive $0xFFFF;
	s2 =	simm.s32 @!p0 $0x1C03  }
0x107: {  	[timem:s3], [sflag:s2] =	dma.local @!p0 [hbm:s0], s1  }
0x108: {  	s0 =	simm.s32 @!p0 $0x3  }
0x109: {  	_ =	swait.ge @!p0 [sflag:s0], s1  }
0x10a: {  	s1 =	ssub.s32 @!p0 $0x0, s1;
	[sflag:s0] =	ssyncset.done @!p0 $0x0  }
0x10b: {  	[sflag:s0] =	ssyncadd.s32 @!p0 s1  }
0x10c: {  	[bflag:$0x3] =	sbarrier.arrive $0xFFFF  }
0x10d: {  	_ =	shalt  }

// kernel: kernel.8.cloned.1.call-start
scs
__scs_entry_jumppad:
0x0: {  	(pc) =	sbr.rel $0x88, $3  }
0x1: {  	(tag) =	ssettag $0x0;
	lr =	simm.s32 $0x1  }
0x2: {  	[smem:$0x3F9B] =	sst lr;
	_ =	strace $0xD0000000  }
0x3: {  	_ = 	snop  }
0x4: {  	_ = 	snop  }
0x5: {  	_ = 	snop  }
0x6: {  	_ = 	snop  }
0x7: {  	_ = 	snop  }
__scs_overlays_trampoline_lowered:
0x8: {  	[smem:$0x3FAA] =	sst s0  }
0x9: {  	[smem:$0x3FAB] =	sst s1  }
0xa: {  	[smem:$0x3FAC] =	sst s2  }
0xb: {  	[smem:$0x3FAD] =	sst s3  }
0xc: {  	[smem:$0x3FAE] =	sst s4  }
0xd: {  	[smem:$0x3FAF] =	sst s5  }
0xe: {  	[smem:$0x3FB0] =	sst s6  }
0xf: {  	[smem:$0x3FB1] =	sst s7  }
0x10: {  	[smem:$0x3FB2] =	sst s8  }
0x11: {  	[smem:$0x3FB3] =	sst s9;
	s0 =	simm.s32 @!p0 $0x0  }
0x12: {  	s1 =	sld [smem:$0x3F99];
	s0 =	simm.s32 @p0 $0x1  }
0x13: {  	[smem:$0x3FB4] =	sst s0;
	s0 =	simm.s32 @!p1 $0x0  }
0x14: {  	s2 =	sld [smem:$0x3F98];
	s0 =	simm.s32 @p1 $0x1  }
0x15: {  	[smem:$0x3FB5] =	sst s0;
	s0 =	simm.s32 @!p2 $0x0  }
0x16: {  	s3 =	sld [smem:$0x3FDB];
	s0 =	simm.s32 @p2 $0x1  }
0x17: {  	s4 =	simm.s32 $0x1BF5;
	[smem:$0x3FB7] =	sst s0  }
0x18: {  	s0 =	sld [smem:$0x3F9A];
	_ =	swait.ge [sflag:s4], $0x0  }
0x19: {  	s7 =	sld [smem:$0x3F9B]  }
0x1a: {  	s8 =	sadd.s32 $0xFFFFE003, lr  }
0x1b: {  	s9 =	sadd.s32 $0xFFFFFEF7, lr;
	s5 =	simm.s32 $0xFFFFFFFF;
	p2 =	slt.u32 s8, $0xFFFFF086  }
0x1c: {  	p1 =	slt.u32 s9, $0xF7A;
	s5 =	simm.s32 @!p2 $0x0  }
0x1d: {  	s5 =	simm.s32 @p1 $0x1;
	p0 =	seq.s32 s7, s2  }
0x1e: {  	s7 =	smul.u32 @!p0 $0xF7A, s2;
	p2 =	seq.s32 @!p0 s5, $0x0  }
0x1f: {  	s9 =	smul.u32 $0xF7A, s1;
	s8 =	simm.s32 @!p0 $0x1BF5;
	p2 =	por !p2, p0  }
0x20: {  	[sflag:s8] =	ssyncset.s32 @!p0 $0xFFFFF086;
	s6 =	sadd.s32 @!p0 s3, s7;
	s7 =	simm.s32 @!p0 $0x108  }
0x21: {  	s3 =	sadd.s32 s3, s9;
	s6 =	sadd.s32 @!p0 $0x88, s6;
	s7 =	simm.s32 @p2 $0x1082  }
0x22: {  	[simem:s7], [sflag:s8] =	dma.local @!p0 [hbm:s6], $0xF7A  }
0x23: {  	s9 =	sor.u32 $0xD0000000, s2;
	s6 =	simm.s32 $0x108;
	_ =	swait.ge @!p0 [sflag:s8], $0x0  }
0x24: {  	s3 =	sadd.s32 $0x88, s3;
	s6 =	simm.s32 @!p1 $0x1082;
	[sflag:s4] =	ssyncset.s32 $0xFFFFF086  }
0x25: {  	[simem:s6], [sflag:s4] =	dma.local [hbm:s3], $0xF7A  }
0x26: {  	[smem:$0x3F9B] =	sst s1;
	(tag) =	ssettag s2;
	_ =	strace s9  }
0x27: {  	s1 =	sld [smem:$0x3FAB]  }
0x28: {  	s2 =	sld [smem:$0x3FAC]  }
0x29: {  	s4 =	sld [smem:$0x3FAE]  }
0x2a: {  	p0 =	seq.s32 s5, $0x0;
	s5 =	sld [smem:$0x3FAF]  }
0x2b: {  	s6 =	sld [smem:$0x3FB0]  }
0x2c: {  	s7 =	sld [smem:$0x3FB1]  }
0x2d: {  	s3 =	simm.s32 $0x108;
	s8 =	sld [smem:$0x3FB2]  }
0x2e: {  	s3 =	simm.s32 @!p0 $0x1082;
	s9 =	sld [smem:$0x3FB3]  }
0x2f: {  	lr =	sadd.s32 s0, s3;
	s0 =	sld [smem:$0x3FAA]  }
0x30: {  	s3 =	sld [smem:$0x3FAD]  }
0x31: {  	[smem:$0x3FB6] =	sst s10  }
0x32: {  	s10 =	sld [smem:$0x3FB4];
	_ =	sdelay $0x3  }
0x33: {  	p0 =	seq.s32 s10, $0x1;
	s10 =	sld [smem:$0x3FB6];
	_ =	sdelay $0x3  }
0x34: {  	[smem:$0x3FB6] =	sst s10  }
0x35: {  	s10 =	sld [smem:$0x3FB5];
	_ =	sdelay $0x3  }
0x36: {  	p1 =	seq.s32 s10, $0x1;
	s10 =	sld [smem:$0x3FB6];
	_ =	sdelay $0x3  }
0x37: {  	[smem:$0x3FB6] =	sst s10  }
0x38: {  	s10 =	sld [smem:$0x3FB7]  }
0x39: {  	_ = 	snop;
	(pc) =	sbr.ind lr, $3  }
0x3a: {  	_ = 	snop  }
0x3b: {  	_ = 	snop  }
0x3c: {  	p2 =	seq.s32 s10, $0x1;
	s10 =	sld [smem:$0x3FB6]  }
0x3d: {  	_ =	shalt  }
0x3e: {  	_ =	shalt  }
0x3f: {  	_ =	shalt  }
0x40: {  	_ =	shalt  }
0x41: {  	_ =	shalt  }
0x42: {  	_ =	shalt  }
0x43: {  	_ =	shalt  }
0x44: {  	_ =	shalt  }
0x45: {  	_ =	shalt  }
0x46: {  	_ =	shalt  }
0x47: {  	_ =	shalt  }
0x48: {  	_ =	shalt  }
0x49: {  	_ =	shalt  }
0x4a: {  	_ =	shalt  }
0x4b: {  	_ =	shalt  }
0x4c: {  	_ =	shalt  }
0x4d: {  	_ =	shalt  }
0x4e: {  	_ =	shalt  }
0x4f: {  	_ =	shalt  }
0x50: {  	_ =	shalt  }
0x51: {  	_ =	shalt  }
0x52: {  	_ =	shalt  }
0x53: {  	_ =	shalt  }
0x54: {  	_ =	shalt  }
0x55: {  	_ =	shalt  }
0x56: {  	_ =	shalt  }
0x57: {  	_ =	shalt  }
0x58: {  	_ =	shalt  }
0x59: {  	_ =	shalt  }
0x5a: {  	_ =	shalt  }
0x5b: {  	_ =	shalt  }
0x5c: {  	_ =	shalt  }
0x5d: {  	_ =	shalt  }
0x5e: {  	_ =	shalt  }
0x5f: {  	_ =	shalt  }
0x60: {  	_ =	shalt  }
0x61: {  	_ =	shalt  }
0x62: {  	_ =	shalt  }
0x63: {  	_ =	shalt  }
0x64: {  	_ =	shalt  }
0x65: {  	_ =	shalt  }
0x66: {  	_ =	shalt  }
0x67: {  	_ =	shalt  }
0x68: {  	_ =	shalt  }
0x69: {  	_ =	shalt  }
0x6a: {  	_ =	shalt  }
0x6b: {  	_ =	shalt  }
0x6c: {  	_ =	shalt  }
0x6d: {  	_ =	shalt  }
0x6e: {  	_ =	shalt  }
0x6f: {  	_ =	shalt  }
0x70: {  	_ =	shalt  }
0x71: {  	_ =	shalt  }
0x72: {  	_ =	shalt  }
0x73: {  	_ =	shalt  }
0x74: {  	_ =	shalt  }
0x75: {  	_ =	shalt  }
0x76: {  	_ =	shalt  }
0x77: {  	_ =	shalt  }
0x78: {  	_ =	shalt  }
0x79: {  	_ =	shalt  }
0x7a: {  	_ =	shalt  }
0x7b: {  	_ =	shalt  }
0x7c: {  	_ =	shalt  }
0x7d: {  	_ =	shalt  }
0x7e: {  	_ =	shalt  }
0x7f: {  	_ =	shalt  }
0x80: {  	_ =	shalt  }
0x81: {  	_ =	shalt  }
0x82: {  	_ =	shalt  }
0x83: {  	_ =	shalt  }
0x84: {  	_ =	shalt  }
0x85: {  	_ =	shalt  }
0x86: {  	_ =	shalt  }
0x87: {  	_ =	shalt  }
.Lfunc_end0:
.L_simem_size_0:
called_computation_lowered:
.L_overlay_start_0:
0x88: {  	s2 =	sld [smem:$0x3FD9]  }
0x89: {  	s3 =	sld [smem:$0x3FFE];
	_ =	sdelay $0x1  }
0x8a: {  	s1 =	srdreg.scid  }
0x8b: {  	s0 =	sand.u32 $0x1, s1  }
0x8c: {  	s17 =	sshll.u32 s0, $0xA;
	s2 =	sadd.s32 s3, s2  }
0x8d: {  	s2 =	sadd.s32 s2, s17  }
0x8e: {  	[smem:$0x3FC2] =	sst s2  }
0x8f: {  	_ = 	snop  }
0x90: {  	s2 =	sld [smem:$0x3FC8]  }
0x91: {  	s18 =	sld [smem:$0x3FC7]  }
0x92: {  	s4 =	sld [smem:$0x3FD0];
	(tm) =	ssettm $0x1  }
0x93: {  	s5 =	sld [smem:$0x3FFB];
	_ =	sdelay $0x3  }
0x94: {  	_ =	strace s5  }
0x95: {  	s5 =	sld [smem:$0x3FFC];
	_ =	sdelay $0x3  }
0x96: {  	_ =	strace s5  }
0x97: {  	s5 =	sld [smem:$0x3FFD];
	_ =	sdelay $0x3  }
0x98: {  	_ =	strace s5  }
0x99: {  	_ =	strace $0x8FFFFFFF  }
0x9a: {  	s19 =	sld [smem:$0x3FDB];
	_ =	sdelay $0x1  }
0x9b: {  	s6 =	simm.s32 $_scs_section_size  }
0x9c: {  	s7 =	simm.s32 $_size__tile_overlayer_lowered;
	s8 =	simm.s32 $_tile_overlayer_lowered  }
0x9d: {  	s22 =	simm.s32 $0x1BFF;
	s21 =	sshll.u32 s8, $0x1;
	s5 =	sadd.s32 s6, s19  }
0x9e: {  	s9 =	simm.s32 $0x0;
	s20 =	sshll.u32 s7, $0x1;
	s7 =	sadd.s32 s21, s5  }
0x9f: {  	[timem:s9], [sflag:s22] =	dma.local [hbm:s7], s20  }
0xa0: {  	_ =	swait.ge [sflag:s22], s20  }
0xa1: {  	s6 =	ssub.s32 $0x0, s20;
	[sflag:s22] =	ssyncset.done $0x0  }
0xa2: {  	[sflag:s22] =	ssyncadd.s32 s6;
	_ =	sdelay $0x1  }
0xa3: {  	s23 =	simm.s32 $0x1B8B  }
0xa4: {  	_ =	swait.ge [sflag:s23], $0x1  }
0xa5: {  	[sflag:s23] =	ssyncset.done $0x0  }
0xa6: {  	s25 =	simm.s32 $0x1B8E;
	s24 =	sld [smem:$0x3FFE];
	[sflag:s23] =	ssyncadd.s32 $0xFFFFFFFF  }
0xa7: {  	s26 =	simm.s32 $execute0_lowered;
	[smem:$0x3FD2] =	sst s25  }
0xa8: {  	s7 =	sshll.u32 s26, $0x1;
	_ =	strace $0x80000046;
	[dreg:$0x1] =	wrdreg $0xFFFFFFFF  }
0xa9: {  	s28 =	simm.s32 $_size_execute0_lowered;
	s5 =	sadd.s32 s5, s7;
	[dreg:$0x0] =	wrdreg $0x0  }
0xaa: {  	s7 =	sshll.u32 s28, $0x1;
	[dreg:$0x2] =	wrdreg s5  }
0xab: {  	[dreg:$0x3] =	wrdreg s7  }
0xac: {  	[dreg:$0x4] =	wrdreg $0xC0  }
0xad: {  	_ =	task [dreg:s9], $0x5FFFF  }
0xae: {  	[dreg:$0x1] =	wrdreg $0xFFFFFFFF  }
0xaf: {  	[dreg:$0x0] =	wrdreg $0x60  }
0xb0: {  	[dreg:$0x2] =	wrdreg s2  }
0xb1: {  	[dreg:$0x3] =	wrdreg s18  }
0xb2: {  	[dreg:$0x4] =	wrdreg s24  }
0xb3: {  	[dreg:$0x5] =	wrdreg s4  }
0xb4: {  	[dreg:$0x6] =	wrdreg $0x9  }
0xb5: {  	_ =	task.clear_ibuf [dreg:s9], $0x7FFFF;
	_ =	strace $0x90000046  }
0xb6: {  	s29 =	simm.s32 $0x9;
	_ =	strace $0x80000048  }
0xb7: {  	_ =	swait.ge [sflag:s29], $0x1  }
0xb8: {  	[sflag:s29] =	ssyncadd.s32 $0xFFFFFFFF  }
0xb9: {  	_ =	strace $0x90000048  }
0xba: {  	_ =	sfence  }
0xbb: {  	s30 =	sld [smem:$0x0];
	_ =	sdelay $0x2  }
0xbc: {  	s31 =	sshll.u32 s1, $0xD;
	s1 =	sshrl.u32 s1, $0x2  }
0xbd: {  	s3 =	sand.u32 $0x4000, s31;
	s1 =	sadd.s32 s1, s30  }
0xbe: {  	s0 =	sor.u32 s3, s0;
	s1 =	sshll.u32 s1, $0x11  }
0xbf: {  	s0 =	sor.u32 s1, s0  }
0xc0: {  	s0 =	sadd.s32 $0x8F2B, s0  }
0xc1: {  	[sflag:s0] =	ssyncadd.remote.s32 $0x1  }
0xc2: {  	_ =	sfence.sel $0xFFFF  }
0xc3: {  	[dreg:$0x0] =	wrdreg $0xFFFFFFFF;
	(pc) =	sbr.abs _section_cstart, $3  }
0xc4: {  	[dreg:$0x1] =	wrdreg $0xFFFFFFFF  }
0xc5: {  	_ =	task.clear_ibuf [dreg:s9], $0x2FFFF;
	_ =	strace $0x9FFFFFFF  }
0xc6: {  	(tm) =	ssettm $0x7FFFFFFF  }
0xc7: {  	_ =	shalt  }
tec
execute0_lowered:
.L_overlay_start_1:
0x0: {  	(tag) =	ssettag $0x1  }
0x1: {  	s0 =	rddreg [dreg:$0x0]  }
0x2: {  	s1 =	rddreg [dreg:$0x1]  }
0x3: {  	s2 =	rddreg [dreg:$0x2]  }
0x4: {  	s4 =	rddreg [dreg:$0x3]  }
0x5: {  	s3 =	simm.s32 $0x0;
	s5 =	srdreg.scid;
	s6 =	stileid.u32  }
0x6: {  	v0 =	vimm.s32 $0xFFEDCBA9;
	v1 =	vimm.s32 $0x87654321;
	s28 =	simm.s32 $0x4100;
	s29 =	simm.s32 $0x1;
	s30 =	simm.s32 $0x2  }
0x7: {  	v2 =	vimm.s32 $0xEDCBA987;
	v3 =	vimm.s32 $0x65432100;
	s31 =	simm.s32 $0x10280;
	[smem:$0x7FF] =	sst s3;
	s5 =	sand.u32 $0x1, s5  }
0x8: {  	v0 =	vunpack.c.l.s4.s8 v0;
	v1 =	vunpack.c.l.s4.s8 v1;
	v2 =	vunpack.c.l.s4.s8 v2;
	s6 =	sshll.u32 s6, $0x1;
	s7 =	sadd.s32 $0x2A00, s2;
	s19 =	sadd.s32 $0x3000, s2  }
0x9: {  	vm0 =	vcmask $0x3F3C;
	v3 =	vunpack.c.l.s4.s8 v3;
	s20 =	sadd.s32 $0x3C00, s2;
	_ =	strace $0x80000047;
	[dreg:$0x5] =	wrdreg s7  }
0xa: {  	s21 =	sadd.s32 $0x3600, s2;
	s10 =	sadd.s32 $0x18200, s2;
	[dreg:$0x6] =	wrdreg s19;
	v0 =	vunpack.c.0.s8.s32 v0;
	v1 =	vunpack.c.0.s8.s32 v1;
	v2 =	vunpack.c.0.s8.s32 v2  }
0xb: {  	v5 =	vimm.s32 $0x32100000;
	v6 =	vimm.s32 $0xE40000;
	s11 =	sadd.s32 $0x22000, s2;
	s13 =	sadd.s32 $0x10, s1;
	[dreg:$0x7] =	wrdreg s20;
	v3 =	vunpack.c.0.s8.s32 v3  }
0xc: {  	v6 =	vunpack.c.l.s2.s4 v6;
	s7 =	sor.u32 s5, s6;
	[dreg:$0x8] =	wrdreg s21;
	s5 =	ssub.s32 $0x2, s5;
	v0 =	vcombine.low v1, v0;
	v1 =	vand.u32 $0xF, v2  }
0xd: {  	s19 =	simm.s32 $0x10300;
	s20 =	simm.s32 $0x5;
	s21 =	simm.s32 $0x12B00;
	v2 =	vimm.s32 $0x54321000;
	v1 =	vcombine.low v3, v1;
	v3 =	vimm.s32 $0xDCBA9876  }
0xe: {  	s22 =	smul.u32 $0x500, s7;
	s8 =	sshrl.u32 s5, $0x1;
	s12 =	sshll.u32 s7, $0x5;
	v4 =	vunpack.c.l.s4.s8 v2;
	v2 =	vunpack.c.l.s4.s8 v3;
	v3 =	vimm.s32 $0xBA987654  }
0xf: {  	vm1 =	vcmask $0x3F04;
	v5 =	vunpack.c.l.s4.s8 v5;
	s6 =	simm.s32 $0x0;
	s5 =	ssub.s32 s5, s8;
	s23 =	sadd.s32 s1, s12;
	v3 =	vunpack.c.l.s4.s8 v3  }
0x10: {  	vm2 =	vcmask $0x3F08;
	v6 =	vunpack.c.l.s4.s8 v6;
	s24 =	sadd.s32 s12, s13;
	s2 =	sadd.s32 s22, s2;
	[dreg:$0x9] =	wrdreg s23;
	v7 =	vunpack.c.0.s8.s32 v2  }
0x11: {  	v5 =	vunpack.c.0.s8.s32 v5;
	[dreg:$0xa] =	wrdreg s24;
	s4 =	sadd.s32 s4, s22;
	s26 =	smax.u32 s5, $0x1;
	v4 =	vunpack.c.0.s8.s32 v4;
	v8 =	vunpack.c.0.s8.s32 v3  }
.Ltmp0:
0x12: {  	s22 =	simm.s32 $0x15300;
	s23 =	simm.s32 $0x17B00;
	v6 =	vunpack.c.0.s8.s32 v6;
	v3 =	vand.u32 $0xF, v7;
	v7 =	vimm.f32 $1.000000000e+00;
	(pc) =	sbr.rel .LBB2_1-.Ltmp0, $4  }
0x13: {  	s24 =	simm.s32 $0x1A300;
	s5 =	simm.s32 $0x4;
	[dreg:$0xb] =	wrdreg s4;
	v3 =	vcombine.low v4, v3;
	v4 =	vand.u32 $0xF, v8;
	v8 =	vimm.s32 $0x7060504  }
0x14: {  	s25 =	sadd.s32 $0x4200, s2;
	s2 =	sadd.s32 $0xE200, s2;
	[dreg:$0xe] =	wrdreg s26;
	v4 =	vcombine.low v5, v4;
	v5 =	vperm.xlane v7, v1;
	v7 =	vunpack.c.0.s8.s32 v8  }
0x15: {  	vm4 =	vcmask $0x3F30;
	vm3 =	vcmask $0x3F10;
	s26 =	simm.s32 $0x100;
	s4 =	simm.s32 $0x3;
	[dreg:$0xc] =	wrdreg s25;
	v6 =	vand.u32 $0x3, v6  }
0x16: {  	[dreg:$0xd] =	wrdreg s2;
	s25 =	simm.s32 $0x80;
	s2 =	simm.s32 $0x10200;
	v2 =	vlaneseq.u32;
	v6 =	vsel vm4, v7, v6;
	vm4 =	vcmask $0x3F20  }
.LBB2_16:
0x17: {  	s8 =	rddreg [dreg:$0xb]  }
0x18: {  	[hbm4b:s8+s3] =	stream.linear.scatter [tilespmem:s22], [sflag:$0x5], $0x2800, $0x38;
	[tilespmem:$0x1CB00] =	vst v63  }
0x19: {  	_ =	swait.ge [sflag:s20], $0x2800  }
0x1a: {  	[sflag:s20] =	ssyncset.done $0x0  }
0x1b: {  	s16 =	rddreg [dreg:$0xc];
	[sflag:s20] =	ssyncadd.s32 $0xFFFFD800  }
0x1c: {  	[hbm4b:s16+s3] =	stream.linear.scatter [tilespmem:s23], [sflag:$0x5], $0x2800, $0x38;
	[tilespmem:$0x1CB00] =	vst v63  }
0x1d: {  	_ =	swait.ge [sflag:s20], $0x2800  }
0x1e: {  	[sflag:s20] =	ssyncset.done $0x0  }
0x1f: {  	s17 =	rddreg [dreg:$0xd];
	[sflag:s20] =	ssyncadd.s32 $0xFFFFD800  }
0x20: {  	[hbm4b:s17+s3] =	stream.linear.scatter [tilespmem:s24], [sflag:$0x5], $0x2800, $0x38;
	[tilespmem:$0x1CB00] =	vst v63  }
0x21: {  	_ =	swait.ge [sflag:s20], $0x2800  }
0x22: {  	s6 =	sadd.s32 $0x1, s6;
	s18 =	rddreg [dreg:$0xe]  }
0x23: {  	p0 =	sne.s32 s6, s18  }
.Ltmp1:
0x24: {  	_ = 	snop;
	(pc) =	sbr.rel @!p0 .LBB2_17-.Ltmp1, $3  }
0x25: {  	_ =	sdelay $0x1  }
0x26: {  	[sflag:s20] =	ssyncset.done $0x0  }
0x27: {  	[sflag:s20] =	ssyncadd.s32 $0xFFFFD800  }
.LBB2_1:
0x28: {  	s8 =	rddreg [dreg:$0x5]  }
0x29: {  	[tilespmem:s19], [sflag:$0x5] =	stream.linear.gather [hbm4b:s8+s3], $0x2800, $0x38;
	[tilespmem:$0x1CB00] =	vst v63  }
0x2a: {  	_ =	swait.ge [sflag:s20], $0x2800  }
0x2b: {  	[sflag:s20] =	ssyncset.done $0x0  }
0x2c: {  	s14 =	rddreg [dreg:$0x6];
	[sflag:s20] =	ssyncadd.s32 $0xFFFFD800  }
0x2d: {  	[tilespmem:s21], [sflag:$0x5] =	stream.linear.gather [hbm4b:s14+s3], $0x2800, $0x38;
	[tilespmem:$0x1CB00] =	vst v63  }
0x2e: {  	_ =	swait.ge [sflag:s20], $0x2800  }
0x2f: {  	[sflag:s20] =	ssyncset.done $0x0  }
0x30: {  	s15 =	rddreg [dreg:$0x7];
	[sflag:s20] =	ssyncadd.s32 $0xFFFFD800  }
0x31: {  	[tilespmem:s22], [sflag:$0x5] =	stream.linear.gather [hbm4b:s15+s3], $0x2800, $0x38;
	[tilespmem:$0x1CB00] =	vst v63  }
0x32: {  	_ =	swait.ge [sflag:s20], $0x2800  }
0x33: {  	[sflag:s20] =	ssyncset.done $0x0  }
0x34: {  	s16 =	rddreg [dreg:$0x8];
	[sflag:s20] =	ssyncadd.s32 $0xFFFFD800  }
0x35: {  	[tilespmem:s23], [sflag:$0x5] =	stream.linear.gather [hbm4b:s16+s3], $0x2800, $0x38;
	[tilespmem:$0x1CB00] =	vst v63  }
0x36: {  	_ =	swait.ge [sflag:s20], $0x2800  }
0x37: {  	[sflag:s20] =	ssyncset.done $0x0  }
0x38: {  	[sflag:s20] =	ssyncadd.s32 $0xFFFFD800  }
0x39: {  	[tilespmem:s24], [sflag:$0x5] =	stream.linear.gather [hbm4b:s16+s3], $0x2800, $0x38;
	[tilespmem:$0x1CB00] =	vst v63  }
0x3a: {  	_ =	swait.ge [sflag:s20], $0x2800  }
0x3b: {  	[sflag:s20] =	ssyncset.done $0x0  }
0x3c: {  	s17 =	rddreg [dreg:$0x9];
	[sflag:s20] =	ssyncadd.s32 $0xFFFFD800  }
0x3d: {  	[tilespmem:s3], [sflag:$0x5] =	stream.linear.gather [hbm4b:s17+s3], $0x80, $0x38;
	[tilespmem:$0x1CB00] =	vst v63  }
0x3e: {  	_ =	swait.ge [sflag:s20], $0x80  }
0x3f: {  	[sflag:s20] =	ssyncset.done $0x0  }
0x40: {  	s18 =	rddreg [dreg:$0xa];
	[sflag:s20] =	ssyncadd.s32 $0xFFFFFF80  }
0x41: {  	[tilespmem:s25], [sflag:$0x5] =	stream.linear.gather [hbm4b:s18+s3], $0x80, $0x38;
	[tilespmem:$0x1CB00] =	vst v63  }
0x42: {  	_ =	swait.ge [sflag:s20], $0x80  }
.Ltmp2:
0x43: {  	[sflag:s20] =	ssyncset.done $0x0;
	(pc) =	sbr.rel .LBB2_2-.Ltmp2, $4  }
0x44: {  	[sflag:s20] =	ssyncadd.s32 $0xFFFFFF80  }
0x45: {  	[tilespmem:s26], [sflag:$0x1] =	stream.indirect.gather [hbm4b:s0+s25], $0x80, s3, s25, $0xb8;
	[tilespmem:$0x1CB00] =	vst v63  }
0x46: {  	s8 =	simm.s32 $0x0  }
0x47: {  	[tilespmem:s28], [sflag:$0x2] =	stream.indirect.gather [hbm4b:s0+s25], $0x80, s25, s25, $0xb8;
	[tilespmem:$0x1CB00] =	vst v63  }
.LBB2_15:
0x48: {  	s8 =	sadd.s32 $0x1, s8  }
0x49: {  	p0 =	sne.s32 s8, $0x28  }
.Ltmp3:
0x4a: {  	_ = 	snop;
	(pc) =	sbr.rel @!p0 .LBB2_16-.Ltmp3, $1  }
0x4b: {  	_ =	sdelay $0x3  }
.LBB2_2:
0x4c: {  	s12 =	sshll.u32 s8, $0x6  }
0x4d: {  	s14 =	sor.u32 s7, s12  }
0x4e: {  	s12 =	sor.u32 $0x20, s14  }
0x4f: {  	p0 =	sgt.u32 s12, $0x9C3  }
0x50: {  	s15 =	sshll.u32 @!p0 s12, $0x5  }
0x51: {  	s17 =	simm.s32 @!p0 $0x0;
	s18 =	simm.s32 @!p0 $0x8100;
	s16 =	sadd.s32 @!p0 s1, s15  }
0x52: {  	[tilespmem:s18], [sflag:$0x5] =	stream.linear.gather @!p0 [hbm4b:s16+s17], $0x80, $0x38;
	[tilespmem:$0x1CB00] =	vst v63  }
0x53: {  	s16 =	simm.s32 @!p0 $0x5  }
0x54: {  	_ =	swait.ge @!p0 [sflag:s16], $0x80  }
0x55: {  	[sflag:s16] =	ssyncset.done @!p0 $0x0  }
0x56: {  	s9 =	simm.s32 @!p0 $0x8180;
	s15 =	sadd.s32 @!p0 s15, s13;
	[sflag:s16] =	ssyncadd.s32 @!p0 $0xFFFFFF80  }
0x57: {  	[tilespmem:s9], [sflag:$0x5] =	stream.linear.gather @!p0 [hbm4b:s15+s17], $0x80, $0x38;
	[tilespmem:$0x1CB00] =	vst v63  }
0x58: {  	p1 =	sgt.u32 s14, $0x9C3;
	_ =	swait.ge @!p0 [sflag:s16], $0x80  }
.Ltmp4:
0x59: {  	[sflag:s16] =	ssyncset.done @!p0 $0x0;
	(pc) =	sbr.rel @p1 .LBB2_15-.Ltmp4, $4  }
0x5a: {  	s15 =	simm.s32 @!p0 $0x80;
	[sflag:s16] =	ssyncadd.s32 @!p0 $0xFFFFFF80;
	s16 =	simm.s32 @!p0 $0x8200  }
0x5b: {  	[tilespmem:s16], [sflag:$0x3] =	stream.indirect.gather @!p0 [hbm4b:s0+s15], $0x80, s18, s15, $0xb8;
	[tilespmem:$0x1CB00] =	vst v63  }
0x5c: {  	s16 =	simm.s32 @!p0 $0xC200  }
0x5d: {  	[tilespmem:s16], [sflag:$0x4] =	stream.indirect.gather @!p0 [hbm4b:s0+s15], $0x80, s9, s15, $0xb8;
	[tilespmem:$0x1CB00] =	vst v63  }
0x5e: {  	_ =	swait.ge [sflag:s29], $0x4000  }
0x5f: {  	[sflag:s29] =	ssyncset.done $0x0  }
0x60: {  	[sflag:s29] =	ssyncadd.s32 $0xFFFFC000  }
0x61: {  	_ =	swait.ge [sflag:s30], $0x4000  }
0x62: {  	[sflag:s30] =	ssyncset.done $0x0  }
0x63: {  	s16 =	simm.s32 $0x4140;
	[sflag:s30] =	ssyncadd.s32 $0xFFFFC000  }
0x64: {  	s17 =	simm.s32 $0x140;
	v7 =	vld [tilespmem:s16+$0xFFFFFFC0]  }
0x65: {  	v8 =	vld [tilespmem:s17+$0xFFFFFFC0]  }
0x66: {  	v9 =	vld [tilespmem:s17+$0xFFFFFFD0]  }
0x67: {  	s15 =	simm.s32 $0x0;
	s18 =	simm.s32 $0x1;
	v10 =	vld [tilespmem:s16+$0xFFFFFFD0]  }
.LBB2_4:
0x68: {  	p1 =	sne.s32 s18, $0x7F;
	v11 =	vld [tilespmem:s17+$0xFFFFFFE0]  }
0x69: {  	v12 =	vld [tilespmem:s16+$0xFFFFFFE0]  }
0x6a: {  	v13 =	vld [tilespmem:s17+$0xFFFFFFF0]  }
0x6b: {  	v14 =	vld [tilespmem:s16+$0xFFFFFFF0]  }
0x6c: {  	v7 =	vmul.f32 v7, v8;
	v8 =	vmul.f32 v10, v9;
	v9 =	vld [tilespmem:s17+$0x0]  }
0x6d: {  	v10 =	vld [tilespmem:s16+$0x0]  }
0x6e: {  	v7 =	vadd.f32 v8, v7;
	v8 =	vmul.f32 v12, v11;
	v11 =	vld [tilespmem:s17+$0x10]  }
0x6f: {  	v12 =	vld [tilespmem:s16+$0x10]  }
0x70: {  	v7 =	vadd.f32 v8, v7;
	v8 =	vmul.f32 v14, v13;
	v13 =	vld [tilespmem:s17+$0x20]  }
0x71: {  	v14 =	vld [tilespmem:s16+$0x20]  }
0x72: {  	v7 =	vadd.f32 v8, v7;
	v8 =	vmul.f32 v10, v9;
	v9 =	vld [tilespmem:s17+$0x30]  }
0x73: {  	v10 =	vld [tilespmem:s16+$0x30]  }
0x74: {  	v7 =	vadd.f32 v8, v7;
	v8 =	vmul.f32 v12, v11;
	_ =	sdelay $0x1  }
0x75: {  	v7 =	vadd.f32 v8, v7;
	v8 =	vmul.f32 v14, v13;
	_ =	sdelay $0x1  }
0x76: {  	v7 =	vadd.f32 v8, v7;
	v8 =	vmul.f32 v10, v9;
	_ =	sdelay $0x1  }
0x77: {  	v7 =	vadd.f32 v8, v7;
	_ =	sdelay $0x1  }
0x78: {  	(xrf2) =	vadd.scan.msk.f32 $0xffff, v7;
	_ =	sdelay $0x5  }
0x79: {  	v7 =	vmov s15;
	s15 =	smov.u32 s18;
	_ =	sdelay $0x3  }
0x7a: {  	v8, _, _ =	vpop (xrf2)  }
.Ltmp5:
0x7b: {  	s16 =	sadd.s32 $0x80, s16;
	[tilespmem:v7+s31+$0x0] =	vst.idx.msk vm0, v8;
	(pc) =	sbr.rel @p1 .LBB2_4-.Ltmp5, $4  }
0x7c: {  	s17 =	sadd.s32 $0x80, s17;
	v7 =	vld [tilespmem:s16+$0xFFFFFFC0]  }
0x7d: {  	v8 =	vld [tilespmem:s17+$0xFFFFFFC0]  }
0x7e: {  	v9 =	vld [tilespmem:s17+$0xFFFFFFD0]  }
0x7f: {  	s18 =	sadd.s32 $0x1, s18;
	v10 =	vld [tilespmem:s16+$0xFFFFFFD0]  }
0x80: {  	v11 =	vld [tilespmem:s17+$0xFFFFFFE0]  }
0x81: {  	v12 =	vld [tilespmem:s16+$0xFFFFFFE0]  }
0x82: {  	v13 =	vld [tilespmem:s17+$0xFFFFFFF0]  }
0x83: {  	v14 =	vld [tilespmem:s16+$0xFFFFFFF0]  }
0x84: {  	v7 =	vmul.f32 v7, v8;
	v8 =	vmul.f32 v10, v9;
	v9 =	vld [tilespmem:s17+$0x0]  }
0x85: {  	v10 =	vld [tilespmem:s16+$0x0]  }
0x86: {  	v40 =	vld [tilespmem:s16+$0x10];
	v7 =	vadd.f32 v8, v7;
	v8 =	vmul.f32 v12, v11  }
0x87: {  	v11 =	vld [tilespmem:s17+$0x10]  }
0x88: {  	v41 =	vld [tilespmem:s17+$0x20];
	v7 =	vadd.f32 v8, v7;
	v8 =	vmul.f32 v14, v13  }
0x89: {  	v42 =	vld [tilespmem:s16+$0x20]  }
0x8a: {  	v7 =	vadd.f32 v8, v7;
	v8 =	vmul.f32 v10, v9;
	v9 =	vld [tilespmem:s17+$0x30]  }
0x8b: {  	v10 =	vld [tilespmem:s16+$0x30]  }
0x8c: {  	v7 =	vadd.f32 v8, v7;
	v8 =	vmul.f32 v40, v11;
	_ =	sdelay $0x1  }
0x8d: {  	v7 =	vadd.f32 v8, v7;
	v8 =	vmul.f32 v42, v41;
	_ =	sdelay $0x1  }
0x8e: {  	v7 =	vadd.f32 v8, v7;
	v8 =	vmul.f32 v10, v9;
	_ =	sdelay $0x1  }
0x8f: {  	v7 =	vadd.f32 v8, v7;
	_ =	sdelay $0x1  }
0x90: {  	(xrf2) =	vadd.scan.msk.f32 $0xffff, v7;
	_ =	sdelay $0x5  }
0x91: {  	v7 =	vmov s15;
	_ =	sdelay $0x3  }
0x92: {  	v8, _, _ =	vpop (xrf2)  }
0x93: {  	[tilespmem:v7+s31+$0x0] =	vst.idx.msk vm0, v8  }
0x94: {  	v7 =	vld [tilespmem:$0x0]  }
0x95: {  	v8 =	vld [tilespmem:$0x80];
	_ =	sdelay $0x6  }
0x96: {  	v7 =	vld.idx.msk [tilespmem:v7+s19+$0x0], $0xffff  }
0x97: {  	v8 =	vld.idx.msk [tilespmem:v8+s21+$0x0], $0xffff;
	_ =	sdelay $0x2  }
0x98: {  	v9 =	vld [tilespmem:$0x10]  }
0x99: {  	v10 =	vld [tilespmem:$0x90]  }
0x9a: {  	v7 =	vadd.f32 v8, v7;
	_ =	sdelay $0x1  }
0x9b: {  	v8 =	vmul.f32 $9.999999770e-03, v7;
	_ =	sdelay $0x1  }
0x9c: {  	v7 =	vmax.f32 v7, v8  }
0x9d: {  	[tilespmem:$0x10200] =	vst v7  }
0x9e: {  	v7 =	vld.idx.msk [tilespmem:v9+s19+$0x0], $0xffff  }
0x9f: {  	v8 =	vld.idx.msk [tilespmem:v10+s21+$0x0], $0xffff;
	_ =	sdelay $0x2  }
0xa0: {  	v9 =	vld [tilespmem:$0x20]  }
0xa1: {  	v10 =	vld [tilespmem:$0xA0]  }
0xa2: {  	v7 =	vadd.f32 v8, v7;
	_ =	sdelay $0x1  }
0xa3: {  	v8 =	vmul.f32 $9.999999770e-03, v7;
	_ =	sdelay $0x1  }
0xa4: {  	v7 =	vmax.f32 v7, v8  }
0xa5: {  	[tilespmem:$0x10210] =	vst v7  }
0xa6: {  	v7 =	vld.idx.msk [tilespmem:v9+s19+$0x0], $0xffff  }
0xa7: {  	v8 =	vld.idx.msk [tilespmem:v10+s21+$0x0], $0xffff;
	_ =	sdelay $0x2  }
0xa8: {  	v9 =	vld [tilespmem:$0x30]  }
0xa9: {  	v10 =	vld [tilespmem:$0xB0]  }
0xaa: {  	v7 =	vadd.f32 v8, v7;
	_ =	sdelay $0x1  }
0xab: {  	v8 =	vmul.f32 $9.999999770e-03, v7;
	_ =	sdelay $0x1  }
0xac: {  	v7 =	vmax.f32 v7, v8  }
0xad: {  	[tilespmem:$0x10220] =	vst v7  }
0xae: {  	v7 =	vld.idx.msk [tilespmem:v9+s19+$0x0], $0xffff  }
0xaf: {  	v8 =	vld.idx.msk [tilespmem:v10+s21+$0x0], $0xffff;
	_ =	sdelay $0x2  }
0xb0: {  	v9 =	vld [tilespmem:$0x40]  }
0xb1: {  	v10 =	vld [tilespmem:$0xC0]  }
0xb2: {  	v7 =	vadd.f32 v8, v7;
	_ =	sdelay $0x1  }
0xb3: {  	v8 =	vmul.f32 $9.999999770e-03, v7;
	_ =	sdelay $0x1  }
0xb4: {  	v7 =	vmax.f32 v7, v8  }
0xb5: {  	[tilespmem:$0x10230] =	vst v7  }
0xb6: {  	v7 =	vld.idx.msk [tilespmem:v9+s19+$0x0], $0xffff  }
0xb7: {  	v8 =	vld.idx.msk [tilespmem:v10+s21+$0x0], $0xffff;
	_ =	sdelay $0x2  }
0xb8: {  	v9 =	vld [tilespmem:$0x50]  }
0xb9: {  	v10 =	vld [tilespmem:$0xD0]  }
0xba: {  	v7 =	vadd.f32 v8, v7;
	_ =	sdelay $0x1  }
0xbb: {  	v8 =	vmul.f32 $9.999999770e-03, v7;
	_ =	sdelay $0x1  }
0xbc: {  	v7 =	vmax.f32 v7, v8  }
0xbd: {  	[tilespmem:$0x10240] =	vst v7  }
0xbe: {  	v7 =	vld.idx.msk [tilespmem:v9+s19+$0x0], $0xffff  }
0xbf: {  	v8 =	vld.idx.msk [tilespmem:v10+s21+$0x0], $0xffff;
	_ =	sdelay $0x2  }
0xc0: {  	v9 =	vld [tilespmem:$0x60]  }
0xc1: {  	v10 =	vld [tilespmem:$0xE0]  }
0xc2: {  	v7 =	vadd.f32 v8, v7;
	_ =	sdelay $0x1  }
0xc3: {  	v8 =	vmul.f32 $9.999999770e-03, v7;
	_ =	sdelay $0x1  }
0xc4: {  	v7 =	vmax.f32 v7, v8  }
0xc5: {  	[tilespmem:$0x10250] =	vst v7  }
0xc6: {  	v7 =	vld.idx.msk [tilespmem:v9+s19+$0x0], $0xffff  }
0xc7: {  	v8 =	vld.idx.msk [tilespmem:v10+s21+$0x0], $0xffff;
	_ =	sdelay $0x2  }
0xc8: {  	v9 =	vld [tilespmem:$0x70]  }
0xc9: {  	v10 =	vld [tilespmem:$0xF0]  }
0xca: {  	v7 =	vadd.f32 v8, v7;
	_ =	sdelay $0x1  }
0xcb: {  	v8 =	vmul.f32 $9.999999770e-03, v7;
	_ =	sdelay $0x1  }
0xcc: {  	v7 =	vmax.f32 v7, v8  }
0xcd: {  	[tilespmem:$0x10260] =	vst v7  }
0xce: {  	v7 =	vld.idx.msk [tilespmem:v9+s19+$0x0], $0xffff  }
0xcf: {  	v8 =	vld.idx.msk [tilespmem:v10+s21+$0x0], $0xffff;
	_ =	sdelay $0x4  }
0xd0: {  	v7 =	vadd.f32 v8, v7;
	_ =	sdelay $0x1  }
0xd1: {  	v8 =	vmul.f32 $9.999999770e-03, v7;
	_ =	sdelay $0x1  }
0xd2: {  	s9 =	sshll.u32 s14, $0x4;
	v7 =	vmax.f32 v7, v8  }
0xd3: {  	s16 =	sadd.s32 s10, s9;
	s17 =	simm.s32 $0x0;
	[tilespmem:$0x10270] =	vst v7  }
0xd4: {  	[hbm4b:s16+s17] =	stream.linear.scatter [tilespmem:s2], [sflag:$0x5], $0x80, $0x38;
	[tilespmem:$0x1CB00] =	vst v63  }
0xd5: {  	_ =	swait.ge [sflag:s20], $0x80  }
0xd6: {  	[sflag:s20] =	ssyncset.done $0x0  }
0xd7: {  	s9 =	sadd.s32 s11, s9;
	[sflag:s20] =	ssyncadd.s32 $0xFFFFFF80  }
0xd8: {  	[hbm4b:s9+s17] =	stream.linear.scatter [tilespmem:s31], [sflag:$0x5], $0x80, $0x38;
	[tilespmem:$0x1CB00] =	vst v63  }
0xd9: {  	_ =	swait.ge [sflag:s20], $0x80  }
0xda: {  	[sflag:s20] =	ssyncset.done $0x0  }
0xdb: {  	s18 =	simm.s32 $0x0;
	[sflag:s20] =	ssyncadd.s32 $0xFFFFFF80  }
0xdc: {  	v7 =	vld [tilespmem:s18+$0x80];
	_ =	sdelay $0x4  }
0xdd: {  	v7 =	vxor.u32 $0x80000000, v7  }
0xde: {  	(xrf1) =	vsort.ascd.msk.u32 $0xffff, v7, v2;
	_ =	sdelay $0x9  }
0xdf: {  	v7 =	vld [tilespmem:s18+$0x10200];
	_ =	sdelay $0x3  }
0xe0: {  	v8, v9, _ =	vpop (xrf1)  }
0xe1: {  	v7 =	vperm.xlane v7, v9;
	_ =	sdelay $0x1  }
0xe2: {  	v7 =	vmul.f32 $1.442695020e+00, v7;
	_ =	sdelay $0x1  }
0xe3: {  	(erf) = vpow2.f32 v7;
	v7 =	vld [tilespmem:s18+$0x10280];
	_ =	sdelay $0x4  }
0xe4: {  	v9 =	vperm.xlane v7, v9;
	_ =	sdelay $0x1  }
0xe5: {  	v7 =	vxor.u32 $0x80000000, v8;
	v10 =	vperm.xlane v9, v1  }
0xe6: {  	v8 =	vperm.xlane v7, v1  }
0xe7: {  	v11 =	vpop (erf);
	v43 =	vmax.f32 v9, v10  }
0xe8: {  	vm5 =	veq.s32 v8, v7;
	v8 =	vperm.xlane v11, v1;
	v10 =	vsub.f32 v10, v43  }
0xe9: {  	vm9 =	vmand vm5, vm1  }
0xea: {  	v44 =	vperm.xlane v7, v3;
	v8 =	vnsel vm9, $0x0, v8;
	v10 =	vmul.f32 $1.442695020e+00, v10  }
0xeb: {  	v8 =	vadd.f32 v8, v11;
	v11 =	vsub.f32 v9, v43;
	v9 =	vsel vm9, v43, v9  }
0xec: {  	v46 =	vperm.xlane v9, v3;
	(erf) = vpow2.f32 v10  }
0xed: {  	vm5 =	veq.s32 v44, v7;
	v45 =	vperm.xlane v8, v3;
	v11 =	vmul.f32 $1.442695020e+00, v11  }
0xee: {  	vm7 =	vmand vm5, vm2  }
0xef: {  	v48 =	vmax.f32 v9, v46;
	v10 =	vnsel vm7, $0x0, v45;
	(erf) = vpow2.f32 v11  }
0xf0: {  	v47 =	vperm.xlane v7, v4;
	v8 =	vadd.f32 v10, v8;
	v10 =	vsub.f32 v9, v48  }
0xf1: {  	v50 =	vperm.xlane v7, v0;
	v11 =	vsub.f32 v46, v48  }
0xf2: {  	vm5 =	veq.s32 v47, v7;
	v49 =	vperm.xlane v8, v4;
	v10 =	vmul.f32 $1.442695020e+00, v10  }
0xf3: {  	v15 =	vperm.xlane v7, v6;
	vm6 =	vmand vm5, vm3;
	v11 =	vmul.f32 $1.442695020e+00, v11  }
0xf4: {  	v9 =	vsel vm7, v48, v9;
	v12 =	vnsel vm6, $0x0, v49;
	(erf) = vpow2.f32 v10  }
0xf5: {  	v10 =	vperm.xlane v9, v4;
	v8 =	vadd.f32 v12, v8;
	(erf) = vpow2.f32 v11  }
0xf6: {  	vm8 =	veq.s32 v15, v7;
	vm5 =	vne.s32 v50, v7;
	v51 =	vpop (erf)  }
0xf7: {  	v11 =	vld.idx.msk [tilespmem:v7+s24+$0x0], $0xffff;
	v14 =	vmax.f32 v9, v10;
	v13 =	vmul.f32 v51, v5;
	v12 =	vperm.xlane v8, v6  }
0xf8: {  	vm8 =	vmand vm8, vm4;
	vm5 =	vmor vm5, vm0;
	v10 =	vsub.f32 v10, v14;
	v52 =	vpop (erf)  }
0xf9: {  	v16 =	vsub.f32 v9, v14;
	v12 =	vnsel vm8, $0x0, v12;
	v53 =	vadd.f32 v13, v52  }
0xfa: {  	v10 =	vmul.f32 $1.442695020e+00, v10;
	v8 =	vadd.f32 v12, v8  }
0xfb: {  	v9 =	vsel vm6, v14, v9;
	v54 =	vmul.f32 $1.442695020e+00, v16;
	v12 =	vnsel vm9, $0x3F800000, v53  }
0xfc: {  	(erf) = vpow2.f32 v10;
	v8 =	vadd.f32 v8, v11;
	v11 =	vperm.xlane v9, v6  }
0xfd: {  	v10 =	vperm.xlane v12, v3;
	(erf) = vpow2.f32 v54;
	v55 =	vpop (erf)  }
0xfe: {  	[tilespmem:v7+s24+$0x0] =	vst.idx.msk vm5, v8;
	v56 =	vpop (erf)  }
0xff: {  	v8 =	vmax.f32 v9, v11;
	v14 =	vmul.f32 v55, v12;
	v57 =	vld.idx.msk [tilespmem:v7+s22+$0x0], $0xffff;
	v10 =	vmul.f32 v56, v10  }
0x100: {  	v58 =	vsub.f32 v9, v8  }
0x101: {  	v11 =	vsub.f32 v11, v8;
	v10 =	vadd.f32 v10, v14  }
0x102: {  	v59 =	vmul.f32 $1.442695020e+00, v58  }
0x103: {  	v8 =	vsel vm8, v8, v9;
	v11 =	vmul.f32 $1.442695020e+00, v11;
	v9 =	vsel vm7, v10, v12  }
0x104: {  	(erf) = vpow2.f32 v59;
	v10 =	vmax.f32 v57, v8;
	v12 =	vperm.xlane v9, v4  }
0x105: {  	(erf) = vpow2.f32 v11;
	v60 =	vpop (erf);
	v11 =	vsub.f32 v57, v10  }
0x106: {  	v61 =	vpop (erf);
	v12 =	vmul.f32 v60, v12  }
0x107: {  	v13 =	vmul.f32 v61, v9;
	v11 =	vmul.f32 $1.442695020e+00, v11  }
0x108: {  	v8 =	vsub.f32 v8, v10  }
0x109: {  	(erf) = vpow2.f32 v11;
	v11 =	vadd.f32 v12, v13  }
0x10a: {  	v8 =	vmul.f32 $1.442695020e+00, v8;
	_ =	sdelay $0x1  }
0x10b: {  	(erf) = vpow2.f32 v8;
	v8 =	vsel vm6, v11, v9  }
0x10c: {  	v9 =	vperm.xlane v8, v6;
	v11 =	vpop (erf)  }
0x10d: {  	v62 =	vpop (erf)  }
0x10e: {  	v11 =	vmul.f32 v11, v8;
	v9 =	vmul.f32 v62, v9;
	_ =	sdelay $0x1  }
0x10f: {  	v63 =	vld.idx.msk [tilespmem:v7+s23+$0x0], $0xffff;
	v9 =	vadd.f32 v9, v11;
	_ =	sdelay $0x2  }
0x110: {  	v11 =	vpop (erf)  }
0x111: {  	v8 =	vsel vm8, v9, v8;
	v9 =	vpop (erf)  }
0x112: {  	v11 =	vmul.f32 v11, v63;
	v8 =	vmul.f32 v9, v8;
	_ =	sdelay $0x1  }
0x113: {  	s15 =	simm.s32 $0x40;
	[tilespmem:v7+s22+$0x0] =	vst.idx.msk vm5, v10;
	v8 =	vadd.f32 v8, v11  }
.LBB2_6:
0x114: {  	p1 =	sne.s32 s15, $0x1C0;
	s9 =	smov.u32 s15;
	s15 =	sadd.s32 $0x40, s15  }
0x115: {  	s9 =	sshra.s32 s9, $0x2;
	[tilespmem:v7+s23+$0x0] =	vst.idx.msk vm5, v8  }
0x116: {  	v7 =	vld [tilespmem:s9+$0x80];
	_ =	sdelay $0x4  }
0x117: {  	v7 =	vxor.u32 $0x80000000, v7  }
0x118: {  	(xrf1) =	vsort.ascd.msk.u32 $0xffff, v7, v2;
	_ =	sdelay $0x8  }
0x119: {  	v7 =	vld [tilespmem:s9+$0x10200]  }
0x11a: {  	v8 =	vld [tilespmem:s9+$0x10280];
	_ =	sdelay $0x3  }
0x11b: {  	v9, v10, _ =	vpop (xrf1)  }
0x11c: {  	v8 =	vperm.xlane v8, v10;
	v7 =	vperm.xlane v7, v10;
	_ =	sdelay $0x1  }
0x11d: {  	v7 =	vmul.f32 $1.442695020e+00, v7;
	v10 =	vperm.xlane v8, v1;
	_ =	sdelay $0x1  }
0x11e: {  	v11 =	vmax.f32 v8, v10;
	(erf) = vpow2.f32 v7  }
0x11f: {  	v7 =	vsub.f32 v8, v11;
	v10 =	vsub.f32 v10, v11;
	_ =	sdelay $0x1  }
0x120: {  	v12 =	vmul.f32 $1.442695020e+00, v7;
	v7 =	vmul.f32 $1.442695020e+00, v10;
	_ =	sdelay $0x1  }
0x121: {  	(erf) = vpow2.f32 v7;
	_ =	sdelay $0x1  }
0x122: {  	v7 =	vxor.u32 $0x80000000, v9;
	(erf) = vpow2.f32 v12  }
0x123: {  	v9 =	vperm.xlane v7, v1;
	v10 =	vperm.xlane v7, v3  }
0x124: {  	v13 =	vperm.xlane v7, v4;
	v12 =	vperm.xlane v7, v0;
	v14 =	vpop (erf)  }
0x125: {  	vm6 =	veq.s32 v9, v7;
	vm8 =	veq.s32 v10, v7;
	v9 =	vperm.xlane v14, v1  }
0x126: {  	vm5 =	vne.s32 v12, v7;
	vm9 =	vmand vm6, vm1;
	vm6 =	veq.s32 v13, v7  }
0x127: {  	v12 =	vperm.xlane v7, v6;
	v8 =	vsel vm9, v11, v8;
	v9 =	vnsel vm9, $0x0, v9  }
0x128: {  	v11 =	vperm.xlane v8, v3;
	v9 =	vadd.f32 v9, v14  }
0x129: {  	vm7 =	veq.s32 v12, v7;
	v10 =	vpop (erf)  }
0x12a: {  	v13 =	vmax.f32 v8, v11;
	v10 =	vmul.f32 v10, v5;
	v12 =	vperm.xlane v9, v3  }
0x12b: {  	vm8 =	vmand vm8, vm2;
	v14 =	vsub.f32 v8, v13;
	v11 =	vsub.f32 v11, v13;
	v15 =	vpop (erf)  }
0x12c: {  	v8 =	vsel vm8, v13, v8;
	v10 =	vadd.f32 v10, v15;
	v12 =	vnsel vm8, $0x0, v12  }
0x12d: {  	v13 =	vperm.xlane v8, v4;
	v9 =	vadd.f32 v12, v9;
	v12 =	vmul.f32 $1.442695020e+00, v14  }
0x12e: {  	vm6 =	vmand vm6, vm3;
	v11 =	vmul.f32 $1.442695020e+00, v11  }
0x12f: {  	v15 =	vmax.f32 v8, v13;
	v14 =	vperm.xlane v9, v4;
	(erf) = vpow2.f32 v12  }
0x130: {  	v13 =	vsub.f32 v13, v15;
	v12 =	vsub.f32 v8, v15;
	(erf) = vpow2.f32 v11  }
0x131: {  	v8 =	vsel vm6, v15, v8;
	v11 =	vnsel vm6, $0x0, v14  }
0x132: {  	v9 =	vadd.f32 v11, v9;
	v11 =	vmul.f32 $1.442695020e+00, v12;
	v12 =	vmul.f32 $1.442695020e+00, v13  }
0x133: {  	v13 =	vperm.xlane v8, v6;
	v14 =	vld.idx.msk [tilespmem:v7+s24+$0x0], $0xffff  }
0x134: {  	v15 =	vperm.xlane v9, v6  }
0x135: {  	vm5 =	vmor vm5, vm0;
	vm7 =	vmand vm7, vm4;
	v16 =	vmax.f32 v8, v13  }
0x136: {  	v17 =	vsub.f32 v8, v16;
	v19 =	vsub.f32 v13, v16;
	v18 =	vnsel vm7, $0x0, v15  }
0x137: {  	v10 =	vnsel vm9, $0x3F800000, v10;
	v9 =	vadd.f32 v18, v9;
	(erf) = vpow2.f32 v12  }
0x138: {  	v12 =	vperm.xlane v10, v3;
	v15 =	vpop (erf);
	(erf) = vpow2.f32 v11  }
0x139: {  	v11 =	vmul.f32 $1.442695020e+00, v19;
	v9 =	vadd.f32 v9, v14;
	v13 =	vpop (erf)  }
0x13a: {  	v14 =	vmul.f32 v15, v10;
	v12 =	vmul.f32 v13, v12  }
0x13b: {  	[tilespmem:v7+s24+$0x0] =	vst.idx.msk vm5, v9  }
0x13c: {  	v9 =	vadd.f32 v12, v14;
	v12 =	vmul.f32 $1.442695020e+00, v17;
	v13 =	vld.idx.msk [tilespmem:v7+s22+$0x0], $0xffff;
	_ =	sdelay $0x1  }
0x13d: {  	v9 =	vsel vm8, v9, v10;
	(erf) = vpow2.f32 v12  }
0x13e: {  	v10 =	vperm.xlane v9, v4;
	(erf) = vpow2.f32 v11  }
0x13f: {  	v11 =	vpop (erf)  }
0x140: {  	v8 =	vsel vm7, v16, v8;
	v10 =	vmul.f32 v11, v10;
	v11 =	vpop (erf)  }
0x141: {  	v12 =	vmax.f32 v13, v8;
	v11 =	vmul.f32 v11, v9  }
0x142: {  	v13 =	vsub.f32 v13, v12;
	v8 =	vsub.f32 v8, v12  }
0x143: {  	v10 =	vadd.f32 v10, v11  }
0x144: {  	v14 =	vmul.f32 $1.442695020e+00, v13;
	v8 =	vmul.f32 $1.442695020e+00, v8  }
0x145: {  	v9 =	vsel vm6, v10, v9  }
0x146: {  	v10 =	vperm.xlane v9, v6;
	v13 =	vpop (erf);
	(erf) = vpow2.f32 v14  }
0x147: {  	v11 =	vpop (erf);
	(erf) = vpow2.f32 v8  }
0x148: {  	v8 =	vmul.f32 v13, v9;
	v10 =	vmul.f32 v11, v10;
	_ =	sdelay $0x1  }
0x149: {  	v8 =	vadd.f32 v10, v8;
	v10 =	vld.idx.msk [tilespmem:v7+s23+$0x0], $0xffff  }
0x14a: {  	[tilespmem:v7+s22+$0x0] =	vst.idx.msk vm5, v12  }
0x14b: {  	v8 =	vsel vm7, v8, v9;
	_ =	sdelay $0x2  }
.Ltmp6:
0x14c: {  	v9 =	vpop (erf);
	(pc) =	sbr.rel @p1 .LBB2_6-.Ltmp6, $3  }
0x14d: {  	v9 =	vmul.f32 v9, v10;
	v10 =	vpop (erf)  }
0x14e: {  	v8 =	vmul.f32 v10, v8;
	_ =	sdelay $0x1  }
0x14f: {  	v8 =	vadd.f32 v8, v9  }
0x150: {  	p1 =	sgt.u32 s14, $0x983  }
.Ltmp7:
0x151: {  	_ = 	snop;
	(pc) =	sbr.rel @p1 .LBB2_9-.Ltmp7, $2  }
0x152: {  	_ =	sdelay $0x2  }
0x153: {  	[tilespmem:v7+s23+$0x0] =	vst.idx.msk vm5, v8  }
0x154: {  	s9 =	sshll.u32 s14, $0x5  }
0x155: {  	s9 =	sadd.s32 $0x800, s9  }
0x156: {  	s18 =	sadd.s32 s1, s9  }
0x157: {  	[tilespmem:s3], [sflag:$0x5] =	stream.linear.gather [hbm4b:s18+s3], $0x80, $0x38;
	[tilespmem:$0x1CB00] =	vst v63  }
0x158: {  	_ =	swait.ge [sflag:s20], $0x80  }
0x159: {  	[sflag:s20] =	ssyncset.done $0x0  }
0x15a: {  	s9 =	sadd.s32 s9, s13;
	[sflag:s20] =	ssyncadd.s32 $0xFFFFFF80  }
0x15b: {  	[tilespmem:s25], [sflag:$0x5] =	stream.linear.gather [hbm4b:s9+s3], $0x80, $0x38;
	[tilespmem:$0x1CB00] =	vst v63  }
0x15c: {  	_ =	swait.ge [sflag:s20], $0x80  }
.Ltmp8:
0x15d: {  	[sflag:s20] =	ssyncset.done $0x0;
	(pc) =	sbr.rel .LBB2_10-.Ltmp8, $4  }
0x15e: {  	[sflag:s20] =	ssyncadd.s32 $0xFFFFFF80  }
0x15f: {  	[tilespmem:s26], [sflag:$0x1] =	stream.indirect.gather [hbm4b:s0+s25], $0x80, s3, s25, $0xb8;
	[tilespmem:$0x1CB00] =	vst v63  }
0x160: {  	_ = 	snop  }
0x161: {  	[tilespmem:s28], [sflag:$0x2] =	stream.indirect.gather [hbm4b:s0+s25], $0x80, s25, s25, $0xb8;
	[tilespmem:$0x1CB00] =	vst v63  }
.LBB2_9:
.Ltmp9:
0x162: {  	(pc) =	sbr.rel @p0 .LBB2_15-.Ltmp9, $1  }
0x163: {  	_ =	sdelay $0x3  }
.LBB2_10:
0x164: {  	_ =	swait.ge [sflag:s4], $0x4000  }
0x165: {  	[sflag:s4] =	ssyncset.done $0x0  }
0x166: {  	[sflag:s4] =	ssyncadd.s32 $0xFFFFC000  }
0x167: {  	_ =	swait.ge [sflag:s5], $0x4000  }
0x168: {  	[sflag:s5] =	ssyncset.done $0x0  }
0x169: {  	s15 =	simm.s32 $0xC240;
	[sflag:s5] =	ssyncadd.s32 $0xFFFFC000  }
0x16a: {  	s16 =	simm.s32 $0x8240;
	v7 =	vld [tilespmem:s15+$0xFFFFFFC0]  }
0x16b: {  	v8 =	vld [tilespmem:s16+$0xFFFFFFC0]  }
0x16c: {  	v9 =	vld [tilespmem:s16+$0xFFFFFFD0]  }
0x16d: {  	s14 =	simm.s32 $0x0;
	s17 =	simm.s32 $0x1;
	v10 =	vld [tilespmem:s15+$0xFFFFFFD0]  }
.LBB2_11:
0x16e: {  	p0 =	sne.s32 s17, $0x7F;
	v11 =	vld [tilespmem:s16+$0xFFFFFFE0]  }
0x16f: {  	v12 =	vld [tilespmem:s15+$0xFFFFFFE0]  }
0x170: {  	v13 =	vld [tilespmem:s16+$0xFFFFFFF0]  }
0x171: {  	v14 =	vld [tilespmem:s15+$0xFFFFFFF0]  }
0x172: {  	v7 =	vmul.f32 v7, v8;
	v8 =	vmul.f32 v10, v9;
	v9 =	vld [tilespmem:s16+$0x0]  }
0x173: {  	v10 =	vld [tilespmem:s15+$0x0]  }
0x174: {  	v7 =	vadd.f32 v8, v7;
	v8 =	vmul.f32 v12, v11;
	v11 =	vld [tilespmem:s16+$0x10]  }
0x175: {  	v12 =	vld [tilespmem:s15+$0x10]  }
0x176: {  	v7 =	vadd.f32 v8, v7;
	v8 =	vmul.f32 v14, v13;
	v13 =	vld [tilespmem:s16+$0x20]  }
0x177: {  	v14 =	vld [tilespmem:s15+$0x20]  }
0x178: {  	v7 =	vadd.f32 v8, v7;
	v8 =	vmul.f32 v10, v9;
	v9 =	vld [tilespmem:s16+$0x30]  }
0x179: {  	v10 =	vld [tilespmem:s15+$0x30]  }
0x17a: {  	v7 =	vadd.f32 v8, v7;
	v8 =	vmul.f32 v12, v11;
	_ =	sdelay $0x1  }
0x17b: {  	v7 =	vadd.f32 v8, v7;
	v8 =	vmul.f32 v14, v13;
	_ =	sdelay $0x1  }
0x17c: {  	v7 =	vadd.f32 v8, v7;
	v8 =	vmul.f32 v10, v9;
	_ =	sdelay $0x1  }
0x17d: {  	v7 =	vadd.f32 v8, v7;
	_ =	sdelay $0x1  }
0x17e: {  	(xrf2) =	vadd.scan.msk.f32 $0xffff, v7;
	_ =	sdelay $0x5  }
0x17f: {  	v7 =	vmov s14;
	s14 =	smov.u32 s17;
	_ =	sdelay $0x3  }
0x180: {  	v8, _, _ =	vpop (xrf2)  }
.Ltmp10:
0x181: {  	s15 =	sadd.s32 $0x80, s15;
	[tilespmem:v7+s31+$0x0] =	vst.idx.msk vm0, v8;
	(pc) =	sbr.rel @p0 .LBB2_11-.Ltmp10, $4  }
0x182: {  	s16 =	sadd.s32 $0x80, s16;
	v7 =	vld [tilespmem:s15+$0xFFFFFFC0]  }
0x183: {  	v8 =	vld [tilespmem:s16+$0xFFFFFFC0]  }
0x184: {  	v9 =	vld [tilespmem:s16+$0xFFFFFFD0]  }
0x185: {  	s17 =	sadd.s32 $0x1, s17;
	v10 =	vld [tilespmem:s15+$0xFFFFFFD0]  }
0x186: {  	v11 =	vld [tilespmem:s16+$0xFFFFFFE0]  }
0x187: {  	v12 =	vld [tilespmem:s15+$0xFFFFFFE0]  }
0x188: {  	v13 =	vld [tilespmem:s16+$0xFFFFFFF0]  }
0x189: {  	v14 =	vld [tilespmem:s15+$0xFFFFFFF0]  }
0x18a: {  	v7 =	vmul.f32 v7, v8;
	v8 =	vmul.f32 v10, v9;
	v9 =	vld [tilespmem:s16+$0x0]  }
0x18b: {  	v10 =	vld [tilespmem:s15+$0x0]  }
0x18c: {  	v40 =	vld [tilespmem:s15+$0x10];
	v7 =	vadd.f32 v8, v7;
	v8 =	vmul.f32 v12, v11  }
0x18d: {  	v11 =	vld [tilespmem:s16+$0x10]  }
0x18e: {  	v41 =	vld [tilespmem:s16+$0x20];
	v7 =	vadd.f32 v8, v7;
	v8 =	vmul.f32 v14, v13  }
0x18f: {  	v42 =	vld [tilespmem:s15+$0x20]  }
0x190: {  	v7 =	vadd.f32 v8, v7;
	v8 =	vmul.f32 v10, v9;
	v9 =	vld [tilespmem:s16+$0x30]  }
0x191: {  	v10 =	vld [tilespmem:s15+$0x30]  }
0x192: {  	v7 =	vadd.f32 v8, v7;
	v8 =	vmul.f32 v40, v11;
	_ =	sdelay $0x1  }
0x193: {  	v7 =	vadd.f32 v8, v7;
	v8 =	vmul.f32 v42, v41;
	_ =	sdelay $0x1  }
0x194: {  	v7 =	vadd.f32 v8, v7;
	v8 =	vmul.f32 v10, v9;
	_ =	sdelay $0x1  }
0x195: {  	v7 =	vadd.f32 v8, v7;
	_ =	sdelay $0x1  }
0x196: {  	(xrf2) =	vadd.scan.msk.f32 $0xffff, v7;
	_ =	sdelay $0x5  }
0x197: {  	v7 =	vmov s14;
	_ =	sdelay $0x3  }
0x198: {  	v8, _, _ =	vpop (xrf2)  }
0x199: {  	[tilespmem:v7+s31+$0x0] =	vst.idx.msk vm0, v8  }
0x19a: {  	v7 =	vld [tilespmem:$0x8100]  }
0x19b: {  	v8 =	vld [tilespmem:$0x8180];
	_ =	sdelay $0x6  }
0x19c: {  	v7 =	vld.idx.msk [tilespmem:v7+s19+$0x0], $0xffff  }
0x19d: {  	v8 =	vld.idx.msk [tilespmem:v8+s21+$0x0], $0xffff;
	_ =	sdelay $0x2  }
0x19e: {  	v9 =	vld [tilespmem:$0x8110]  }
0x19f: {  	v10 =	vld [tilespmem:$0x8190]  }
0x1a0: {  	v7 =	vadd.f32 v8, v7;
	_ =	sdelay $0x1  }
0x1a1: {  	v8 =	vmul.f32 $9.999999770e-03, v7;
	_ =	sdelay $0x1  }
0x1a2: {  	v7 =	vmax.f32 v7, v8  }
0x1a3: {  	[tilespmem:$0x10200] =	vst v7  }
0x1a4: {  	v7 =	vld.idx.msk [tilespmem:v9+s19+$0x0], $0xffff  }
0x1a5: {  	v8 =	vld.idx.msk [tilespmem:v10+s21+$0x0], $0xffff;
	_ =	sdelay $0x2  }
0x1a6: {  	v9 =	vld [tilespmem:$0x8120]  }
0x1a7: {  	v10 =	vld [tilespmem:$0x81A0]  }
0x1a8: {  	v7 =	vadd.f32 v8, v7;
	_ =	sdelay $0x1  }
0x1a9: {  	v8 =	vmul.f32 $9.999999770e-03, v7;
	_ =	sdelay $0x1  }
0x1aa: {  	v7 =	vmax.f32 v7, v8  }
0x1ab: {  	[tilespmem:$0x10210] =	vst v7  }
0x1ac: {  	v7 =	vld.idx.msk [tilespmem:v9+s19+$0x0], $0xffff  }
0x1ad: {  	v8 =	vld.idx.msk [tilespmem:v10+s21+$0x0], $0xffff;
	_ =	sdelay $0x2  }
0x1ae: {  	v9 =	vld [tilespmem:$0x8130]  }
0x1af: {  	v10 =	vld [tilespmem:$0x81B0]  }
0x1b0: {  	v7 =	vadd.f32 v8, v7;
	_ =	sdelay $0x1  }
0x1b1: {  	v8 =	vmul.f32 $9.999999770e-03, v7;
	_ =	sdelay $0x1  }
0x1b2: {  	v7 =	vmax.f32 v7, v8  }
0x1b3: {  	[tilespmem:$0x10220] =	vst v7  }
0x1b4: {  	v7 =	vld.idx.msk [tilespmem:v9+s19+$0x0], $0xffff  }
0x1b5: {  	v8 =	vld.idx.msk [tilespmem:v10+s21+$0x0], $0xffff;
	_ =	sdelay $0x2  }
0x1b6: {  	v9 =	vld [tilespmem:$0x8140]  }
0x1b7: {  	v10 =	vld [tilespmem:$0x81C0]  }
0x1b8: {  	v7 =	vadd.f32 v8, v7;
	_ =	sdelay $0x1  }
0x1b9: {  	v8 =	vmul.f32 $9.999999770e-03, v7;
	_ =	sdelay $0x1  }
0x1ba: {  	v7 =	vmax.f32 v7, v8  }
0x1bb: {  	[tilespmem:$0x10230] =	vst v7  }
0x1bc: {  	v7 =	vld.idx.msk [tilespmem:v9+s19+$0x0], $0xffff  }
0x1bd: {  	v8 =	vld.idx.msk [tilespmem:v10+s21+$0x0], $0xffff;
	_ =	sdelay $0x2  }
0x1be: {  	v9 =	vld [tilespmem:$0x8150]  }
0x1bf: {  	v10 =	vld [tilespmem:$0x81D0]  }
0x1c0: {  	v7 =	vadd.f32 v8, v7;
	_ =	sdelay $0x1  }
0x1c1: {  	v8 =	vmul.f32 $9.999999770e-03, v7;
	_ =	sdelay $0x1  }
0x1c2: {  	v7 =	vmax.f32 v7, v8  }
0x1c3: {  	[tilespmem:$0x10240] =	vst v7  }
0x1c4: {  	v7 =	vld.idx.msk [tilespmem:v9+s19+$0x0], $0xffff  }
0x1c5: {  	v8 =	vld.idx.msk [tilespmem:v10+s21+$0x0], $0xffff;
	_ =	sdelay $0x2  }
0x1c6: {  	v9 =	vld [tilespmem:$0x8160]  }
0x1c7: {  	v10 =	vld [tilespmem:$0x81E0]  }
0x1c8: {  	v7 =	vadd.f32 v8, v7;
	_ =	sdelay $0x1  }
0x1c9: {  	v8 =	vmul.f32 $9.999999770e-03, v7;
	_ =	sdelay $0x1  }
0x1ca: {  	v7 =	vmax.f32 v7, v8  }
0x1cb: {  	[tilespmem:$0x10250] =	vst v7  }
0x1cc: {  	v7 =	vld.idx.msk [tilespmem:v9+s19+$0x0], $0xffff  }
0x1cd: {  	v8 =	vld.idx.msk [tilespmem:v10+s21+$0x0], $0xffff;
	_ =	sdelay $0x2  }
0x1ce: {  	v9 =	vld [tilespmem:$0x8170]  }
0x1cf: {  	v10 =	vld [tilespmem:$0x81F0]  }
0x1d0: {  	v7 =	vadd.f32 v8, v7;
	_ =	sdelay $0x1  }
0x1d1: {  	v8 =	vmul.f32 $9.999999770e-03, v7;
	_ =	sdelay $0x1  }
0x1d2: {  	v7 =	vmax.f32 v7, v8  }
0x1d3: {  	[tilespmem:$0x10260] =	vst v7  }
0x1d4: {  	v7 =	vld.idx.msk [tilespmem:v9+s19+$0x0], $0xffff  }
0x1d5: {  	v8 =	vld.idx.msk [tilespmem:v10+s21+$0x0], $0xffff;
	_ =	sdelay $0x4  }
0x1d6: {  	v7 =	vadd.f32 v8, v7;
	_ =	sdelay $0x1  }
0x1d7: {  	v8 =	vmul.f32 $9.999999770e-03, v7;
	_ =	sdelay $0x1  }
0x1d8: {  	s9 =	sshll.u32 s12, $0x4;
	v7 =	vmax.f32 v7, v8  }
0x1d9: {  	s17 =	simm.s32 $0x0;
	s12 =	sadd.s32 s10, s9;
	[tilespmem:$0x10270] =	vst v7  }
0x1da: {  	[hbm4b:s12+s17] =	stream.linear.scatter [tilespmem:s2], [sflag:$0x5], $0x80, $0x38;
	[tilespmem:$0x1CB00] =	vst v63  }
0x1db: {  	_ =	swait.ge [sflag:s20], $0x80  }
0x1dc: {  	[sflag:s20] =	ssyncset.done $0x0  }
0x1dd: {  	s9 =	sadd.s32 s11, s9;
	[sflag:s20] =	ssyncadd.s32 $0xFFFFFF80  }
0x1de: {  	[hbm4b:s9+s17] =	stream.linear.scatter [tilespmem:s31], [sflag:$0x5], $0x80, $0x38;
	[tilespmem:$0x1CB00] =	vst v63  }
0x1df: {  	_ =	swait.ge [sflag:s20], $0x80  }
0x1e0: {  	[sflag:s20] =	ssyncset.done $0x0  }
0x1e1: {  	s18 =	simm.s32 $0x0;
	[sflag:s20] =	ssyncadd.s32 $0xFFFFFF80  }
0x1e2: {  	v7 =	vld [tilespmem:s18+$0x8180];
	_ =	sdelay $0x4  }
0x1e3: {  	v7 =	vxor.u32 $0x80000000, v7  }
0x1e4: {  	(xrf1) =	vsort.ascd.msk.u32 $0xffff, v7, v2;
	_ =	sdelay $0x9  }
0x1e5: {  	v7 =	vld [tilespmem:s18+$0x10200];
	_ =	sdelay $0x3  }
0x1e6: {  	v8, v9, _ =	vpop (xrf1)  }
0x1e7: {  	v7 =	vperm.xlane v7, v9;
	_ =	sdelay $0x1  }
0x1e8: {  	v7 =	vmul.f32 $1.442695020e+00, v7;
	_ =	sdelay $0x1  }
0x1e9: {  	(erf) = vpow2.f32 v7;
	v7 =	vld [tilespmem:s18+$0x10280];
	_ =	sdelay $0x4  }
0x1ea: {  	v9 =	vperm.xlane v7, v9;
	_ =	sdelay $0x1  }
0x1eb: {  	v7 =	vxor.u32 $0x80000000, v8;
	v10 =	vperm.xlane v9, v1  }
0x1ec: {  	v8 =	vperm.xlane v7, v1  }
0x1ed: {  	v11 =	vpop (erf);
	v43 =	vmax.f32 v9, v10  }
0x1ee: {  	vm5 =	veq.s32 v8, v7;
	v8 =	vperm.xlane v11, v1;
	v10 =	vsub.f32 v10, v43  }
0x1ef: {  	vm9 =	vmand vm5, vm1  }
0x1f0: {  	v44 =	vperm.xlane v7, v3;
	v8 =	vnsel vm9, $0x0, v8;
	v10 =	vmul.f32 $1.442695020e+00, v10  }
0x1f1: {  	v8 =	vadd.f32 v8, v11;
	v11 =	vsub.f32 v9, v43;
	v9 =	vsel vm9, v43, v9  }
0x1f2: {  	v46 =	vperm.xlane v9, v3;
	(erf) = vpow2.f32 v10  }
0x1f3: {  	vm5 =	veq.s32 v44, v7;
	v45 =	vperm.xlane v8, v3;
	v11 =	vmul.f32 $1.442695020e+00, v11  }
0x1f4: {  	vm7 =	vmand vm5, vm2  }
0x1f5: {  	v48 =	vmax.f32 v9, v46;
	v10 =	vnsel vm7, $0x0, v45;
	(erf) = vpow2.f32 v11  }
0x1f6: {  	v47 =	vperm.xlane v7, v4;
	v8 =	vadd.f32 v10, v8;
	v10 =	vsub.f32 v9, v48  }
0x1f7: {  	v50 =	vperm.xlane v7, v0;
	v11 =	vsub.f32 v46, v48  }
0x1f8: {  	vm5 =	veq.s32 v47, v7;
	v49 =	vperm.xlane v8, v4;
	v10 =	vmul.f32 $1.442695020e+00, v10  }
0x1f9: {  	v15 =	vperm.xlane v7, v6;
	vm6 =	vmand vm5, vm3;
	v11 =	vmul.f32 $1.442695020e+00, v11  }
0x1fa: {  	v9 =	vsel vm7, v48, v9;
	v12 =	vnsel vm6, $0x0, v49;
	(erf) = vpow2.f32 v10  }
0x1fb: {  	v10 =	vperm.xlane v9, v4;
	v8 =	vadd.f32 v12, v8;
	(erf) = vpow2.f32 v11  }
0x1fc: {  	vm8 =	veq.s32 v15, v7;
	vm5 =	vne.s32 v50, v7;
	v51 =	vpop (erf)  }
0x1fd: {  	v11 =	vld.idx.msk [tilespmem:v7+s24+$0x0], $0xffff;
	v14 =	vmax.f32 v9, v10;
	v13 =	vmul.f32 v51, v5;
	v12 =	vperm.xlane v8, v6  }
0x1fe: {  	vm8 =	vmand vm8, vm4;
	vm5 =	vmor vm5, vm0;
	v10 =	vsub.f32 v10, v14;
	v52 =	vpop (erf)  }
0x1ff: {  	v16 =	vsub.f32 v9, v14;
	v12 =	vnsel vm8, $0x0, v12;
	v53 =	vadd.f32 v13, v52  }
0x200: {  	v10 =	vmul.f32 $1.442695020e+00, v10;
	v8 =	vadd.f32 v12, v8  }
0x201: {  	v9 =	vsel vm6, v14, v9;
	v54 =	vmul.f32 $1.442695020e+00, v16;
	v12 =	vnsel vm9, $0x3F800000, v53  }
0x202: {  	(erf) = vpow2.f32 v10;
	v8 =	vadd.f32 v8, v11;
	v11 =	vperm.xlane v9, v6  }
0x203: {  	v10 =	vperm.xlane v12, v3;
	(erf) = vpow2.f32 v54;
	v55 =	vpop (erf)  }
0x204: {  	[tilespmem:v7+s24+$0x0] =	vst.idx.msk vm5, v8;
	v56 =	vpop (erf)  }
0x205: {  	v8 =	vmax.f32 v9, v11;
	v14 =	vmul.f32 v55, v12;
	v57 =	vld.idx.msk [tilespmem:v7+s22+$0x0], $0xffff;
	v10 =	vmul.f32 v56, v10  }
0x206: {  	v58 =	vsub.f32 v9, v8  }
0x207: {  	v11 =	vsub.f32 v11, v8;
	v10 =	vadd.f32 v10, v14  }
0x208: {  	v59 =	vmul.f32 $1.442695020e+00, v58  }
0x209: {  	v8 =	vsel vm8, v8, v9;
	v11 =	vmul.f32 $1.442695020e+00, v11;
	v9 =	vsel vm7, v10, v12  }
0x20a: {  	(erf) = vpow2.f32 v59;
	v10 =	vmax.f32 v57, v8;
	v12 =	vperm.xlane v9, v4  }
0x20b: {  	(erf) = vpow2.f32 v11;
	v60 =	vpop (erf);
	v11 =	vsub.f32 v57, v10  }
0x20c: {  	v61 =	vpop (erf);
	v12 =	vmul.f32 v60, v12  }
0x20d: {  	v13 =	vmul.f32 v61, v9;
	v11 =	vmul.f32 $1.442695020e+00, v11  }
0x20e: {  	v8 =	vsub.f32 v8, v10  }
0x20f: {  	(erf) = vpow2.f32 v11;
	v11 =	vadd.f32 v12, v13  }
0x210: {  	v8 =	vmul.f32 $1.442695020e+00, v8;
	_ =	sdelay $0x1  }
0x211: {  	(erf) = vpow2.f32 v8;
	v8 =	vsel vm6, v11, v9  }
0x212: {  	v9 =	vperm.xlane v8, v6;
	v11 =	vpop (erf)  }
0x213: {  	v62 =	vpop (erf)  }
0x214: {  	v11 =	vmul.f32 v11, v8;
	v9 =	vmul.f32 v62, v9;
	_ =	sdelay $0x1  }
0x215: {  	v63 =	vld.idx.msk [tilespmem:v7+s23+$0x0], $0xffff;
	v9 =	vadd.f32 v9, v11;
	_ =	sdelay $0x2  }
0x216: {  	v11 =	vpop (erf)  }
0x217: {  	v8 =	vsel vm8, v9, v8;
	v9 =	vpop (erf)  }
0x218: {  	v11 =	vmul.f32 v11, v63;
	v8 =	vmul.f32 v9, v8;
	_ =	sdelay $0x1  }
0x219: {  	s12 =	simm.s32 $0x40;
	[tilespmem:v7+s22+$0x0] =	vst.idx.msk vm5, v10;
	v8 =	vadd.f32 v8, v11  }
.LBB2_13:
0x21a: {  	p0 =	sne.s32 s12, $0x1C0;
	s9 =	smov.u32 s12;
	s12 =	sadd.s32 $0x40, s12  }
0x21b: {  	s9 =	sshra.s32 s9, $0x2;
	[tilespmem:v7+s23+$0x0] =	vst.idx.msk vm5, v8  }
0x21c: {  	v7 =	vld [tilespmem:s9+$0x8180];
	_ =	sdelay $0x4  }
0x21d: {  	v7 =	vxor.u32 $0x80000000, v7  }
0x21e: {  	(xrf1) =	vsort.ascd.msk.u32 $0xffff, v7, v2;
	_ =	sdelay $0x8  }
0x21f: {  	v7 =	vld [tilespmem:s9+$0x10200]  }
0x220: {  	v8 =	vld [tilespmem:s9+$0x10280];
	_ =	sdelay $0x3  }
0x221: {  	v9, v10, _ =	vpop (xrf1)  }
0x222: {  	v8 =	vperm.xlane v8, v10;
	v7 =	vperm.xlane v7, v10;
	_ =	sdelay $0x1  }
0x223: {  	v7 =	vmul.f32 $1.442695020e+00, v7;
	v10 =	vperm.xlane v8, v1;
	_ =	sdelay $0x1  }
0x224: {  	v11 =	vmax.f32 v8, v10;
	(erf) = vpow2.f32 v7  }
0x225: {  	v7 =	vsub.f32 v8, v11;
	v10 =	vsub.f32 v10, v11;
	_ =	sdelay $0x1  }
0x226: {  	v12 =	vmul.f32 $1.442695020e+00, v7;
	v7 =	vmul.f32 $1.442695020e+00, v10;
	_ =	sdelay $0x1  }
0x227: {  	(erf) = vpow2.f32 v7;
	_ =	sdelay $0x1  }
0x228: {  	v7 =	vxor.u32 $0x80000000, v9;
	(erf) = vpow2.f32 v12  }
0x229: {  	v9 =	vperm.xlane v7, v1;
	v10 =	vperm.xlane v7, v3  }
0x22a: {  	v13 =	vperm.xlane v7, v4;
	v12 =	vperm.xlane v7, v0;
	v14 =	vpop (erf)  }
0x22b: {  	vm6 =	veq.s32 v9, v7;
	vm8 =	veq.s32 v10, v7;
	v9 =	vperm.xlane v14, v1  }
0x22c: {  	vm5 =	vne.s32 v12, v7;
	vm9 =	vmand vm6, vm1;
	vm6 =	veq.s32 v13, v7  }
0x22d: {  	v12 =	vperm.xlane v7, v6;
	v8 =	vsel vm9, v11, v8;
	v9 =	vnsel vm9, $0x0, v9  }
0x22e: {  	v11 =	vperm.xlane v8, v3;
	v9 =	vadd.f32 v9, v14  }
0x22f: {  	vm7 =	veq.s32 v12, v7;
	v10 =	vpop (erf)  }
0x230: {  	v13 =	vmax.f32 v8, v11;
	v10 =	vmul.f32 v10, v5;
	v12 =	vperm.xlane v9, v3  }
0x231: {  	vm8 =	vmand vm8, vm2;
	v14 =	vsub.f32 v8, v13;
	v11 =	vsub.f32 v11, v13;
	v15 =	vpop (erf)  }
0x232: {  	v8 =	vsel vm8, v13, v8;
	v10 =	vadd.f32 v10, v15;
	v12 =	vnsel vm8, $0x0, v12  }
0x233: {  	v13 =	vperm.xlane v8, v4;
	v9 =	vadd.f32 v12, v9;
	v12 =	vmul.f32 $1.442695020e+00, v14  }
0x234: {  	vm6 =	vmand vm6, vm3;
	v11 =	vmul.f32 $1.442695020e+00, v11  }
0x235: {  	v15 =	vmax.f32 v8, v13;
	v14 =	vperm.xlane v9, v4;
	(erf) = vpow2.f32 v12  }
0x236: {  	v13 =	vsub.f32 v13, v15;
	v12 =	vsub.f32 v8, v15;
	(erf) = vpow2.f32 v11  }
0x237: {  	v8 =	vsel vm6, v15, v8;
	v11 =	vnsel vm6, $0x0, v14  }
0x238: {  	v9 =	vadd.f32 v11, v9;
	v11 =	vmul.f32 $1.442695020e+00, v12;
	v12 =	vmul.f32 $1.442695020e+00, v13  }
0x239: {  	v13 =	vperm.xlane v8, v6;
	v14 =	vld.idx.msk [tilespmem:v7+s24+$0x0], $0xffff  }
0x23a: {  	v15 =	vperm.xlane v9, v6  }
0x23b: {  	vm5 =	vmor vm5, vm0;
	vm7 =	vmand vm7, vm4;
	v16 =	vmax.f32 v8, v13  }
0x23c: {  	v17 =	vsub.f32 v8, v16;
	v19 =	vsub.f32 v13, v16;
	v18 =	vnsel vm7, $0x0, v15  }
0x23d: {  	v10 =	vnsel vm9, $0x3F800000, v10;
	v9 =	vadd.f32 v18, v9;
	(erf) = vpow2.f32 v12  }
0x23e: {  	v12 =	vperm.xlane v10, v3;
	v15 =	vpop (erf);
	(erf) = vpow2.f32 v11  }
0x23f: {  	v11 =	vmul.f32 $1.442695020e+00, v19;
	v9 =	vadd.f32 v9, v14;
	v13 =	vpop (erf)  }
0x240: {  	v14 =	vmul.f32 v15, v10;
	v12 =	vmul.f32 v13, v12  }
0x241: {  	[tilespmem:v7+s24+$0x0] =	vst.idx.msk vm5, v9  }
0x242: {  	v9 =	vadd.f32 v12, v14;
	v12 =	vmul.f32 $1.442695020e+00, v17;
	v13 =	vld.idx.msk [tilespmem:v7+s22+$0x0], $0xffff;
	_ =	sdelay $0x1  }
0x243: {  	v9 =	vsel vm8, v9, v10;
	(erf) = vpow2.f32 v12  }
0x244: {  	v10 =	vperm.xlane v9, v4;
	(erf) = vpow2.f32 v11  }
0x245: {  	v11 =	vpop (erf)  }
0x246: {  	v8 =	vsel vm7, v16, v8;
	v10 =	vmul.f32 v11, v10;
	v11 =	vpop (erf)  }
0x247: {  	v12 =	vmax.f32 v13, v8;
	v11 =	vmul.f32 v11, v9  }
0x248: {  	v13 =	vsub.f32 v13, v12;
	v8 =	vsub.f32 v8, v12  }
0x249: {  	v10 =	vadd.f32 v10, v11  }
0x24a: {  	v14 =	vmul.f32 $1.442695020e+00, v13;
	v8 =	vmul.f32 $1.442695020e+00, v8  }
0x24b: {  	v9 =	vsel vm6, v10, v9  }
0x24c: {  	v10 =	vperm.xlane v9, v6;
	v13 =	vpop (erf);
	(erf) = vpow2.f32 v14  }
0x24d: {  	v11 =	vpop (erf);
	(erf) = vpow2.f32 v8  }
0x24e: {  	v8 =	vmul.f32 v13, v9;
	v10 =	vmul.f32 v11, v10;
	_ =	sdelay $0x1  }
0x24f: {  	v8 =	vadd.f32 v10, v8;
	v10 =	vld.idx.msk [tilespmem:v7+s23+$0x0], $0xffff  }
0x250: {  	[tilespmem:v7+s22+$0x0] =	vst.idx.msk vm5, v12  }
0x251: {  	v8 =	vsel vm7, v8, v9;
	_ =	sdelay $0x2  }
.Ltmp11:
0x252: {  	v9 =	vpop (erf);
	(pc) =	sbr.rel @p0 .LBB2_13-.Ltmp11, $3  }
0x253: {  	v9 =	vmul.f32 v9, v10;
	v10 =	vpop (erf)  }
0x254: {  	v8 =	vmul.f32 v10, v8;
	_ =	sdelay $0x1  }
0x255: {  	v8 =	vadd.f32 v8, v9  }
0x256: {  	_ = 	snop  }
.Ltmp12:
0x257: {  	_ = 	snop;
	(pc) =	sbr.rel .LBB2_15-.Ltmp12, $2  }
0x258: {  	_ =	sdelay $0x2  }
0x259: {  	[tilespmem:v7+s23+$0x0] =	vst.idx.msk vm5, v8  }
.LBB2_17:
0x25a: {  	_ =	sfence.sel $0x180000  }
0x25b: {  	[bflag:$0x0] =	sbarrier.arrive $0xFFFF  }
0x25c: {  	_ =	strace $0x90000047  }
0x25d: {  	s0 =	stileid.u32;
	[bflag:$0x2] =	sbarrier.arrive $0xFFFF  }
0x25e: {  	p0 =	sne.s32 s0, $0x0;
	s0 =	rddreg [dreg:$0x4]  }
0x25f: {  	s0 =	sadd.s32 @!p0 $0x100000, s0  }
0x260: {  	[sflag:s0] =	ssyncadd.tile.s32 @!p0 $0x1;
	_ =	shalt  }
.Lfunc_end2:
_tile_overlayer_lowered:
.L_overlay_start_2:
0x261: {  	(tag) =	ssettag $0x2  }
0x262: {  	s0 =	rddreg [dreg:$0x0];
	s2 =	stileid.u32  }
0x263: {  	s1 =	rddreg [dreg:$0x1];
	p0 =	sne.s32 s2, $0x0  }
0x264: {  	s3 =	rddreg [dreg:$0x2];
	[bflag:$0x3] =	sbarrier.arrive $0xFFFF;
	s2 =	simm.s32 @!p0 $0x1C05  }
0x265: {  	[timem:s3], [sflag:s2] =	dma.local @!p0 [hbm:s0], s1  }
0x266: {  	s0 =	simm.s32 @!p0 $0x5  }
0x267: {  	_ =	swait.ge @!p0 [sflag:s0], s1  }
0x268: {  	s1 =	ssub.s32 @!p0 $0x0, s1;
	[sflag:s0] =	ssyncset.done @!p0 $0x0  }
0x269: {  	[sflag:s0] =	ssyncadd.s32 @!p0 s1  }
0x26a: {  	[bflag:$0x3] =	sbarrier.arrive $0xFFFF  }
0x26b: {  	_ =	shalt  }

</sc_bundles>
